<compile_context>
chip_gen: v7x
topology: tpu7x:2x2x1
jax: 0.10.2.dev20260603
libtpu: 0.0.44.dev20260713+nightly
codegen_flags: <defaults>
</compile_context>

<pallas_src>
import functools

import jax
import jax.numpy as jnp
from jax import lax
from jax.experimental import pallas as pl
from jax.experimental.pallas import tpu as pltpu
from jax.experimental.pallas import tpu_sc as plsc

N = 10000
E = 320000
D_IN = 128
D_HID = 128
N_CLASSES = 64

NUM_SC = 2
NUM_SUBCORES = 16
NUM_TILES = NUM_SC * NUM_SUBCORES

CHUNK = 128
E_PER_TILE = E // NUM_TILES
MAIN_CHUNKS = E_PER_TILE // CHUNK
TAIL = E_PER_TILE - MAIN_CHUNKS * CHUNK
N_PAD = 10240
ROWS_PER_SUBCORE = N_PAD // NUM_SUBCORES
DEG_W = 16


def _make_sc_scatter(width, with_deg):
  mesh = plsc.VectorSubcoreMesh(core_axis_name="c", subcore_axis_name="s")

  out_type = [jax.ShapeDtypeStruct((NUM_SC, N_PAD, width), jnp.float32)]
  scratch = [
      pltpu.VMEM((2, CHUNK), jnp.int32),
      pltpu.VMEM((2, CHUNK), jnp.int32),
      pltpu.VMEM((2, TAIL), jnp.int32),
      pltpu.VMEM((CHUNK, width), jnp.float32),
      pltpu.VMEM((CHUNK, width), jnp.float32),
      pltpu.VMEM((TAIL, width), jnp.float32),
      pltpu.VMEM_SHARED((N_PAD, width), jnp.float32),
      pltpu.SemaphoreType.DMA,
      pltpu.SemaphoreType.DMA,
      pltpu.SemaphoreType.DMA,
      pltpu.SemaphoreType.DMA,
      pltpu.SemaphoreType.DMA,
      pltpu.SemaphoreType.DMA,
      pltpu.SemaphoreType.DMA,
  ]
  if with_deg:
    out_type.append(jax.ShapeDtypeStruct((NUM_SC, N_PAD, DEG_W), jnp.float32))
    scratch += [
        pltpu.VMEM((CHUNK, DEG_W), jnp.float32),
        pltpu.VMEM_SHARED((N_PAD, DEG_W), jnp.float32),
    ]

  def sc_kernel(*refs):
    if with_deg:
      (t_hbm, e_hbm,
       out_hbm, deg_hbm,
       sring, dring, tring, rows0, rows1, trows, acc,
       sem0, sem1, ssem0, ssem1, dsem0, dsem1, msem,
       ones_v, dacc) = refs
    else:
      (t_hbm, e_hbm,
       out_hbm,
       sring, dring, tring, rows0, rows1, trows, acc,
       sem0, sem1, ssem0, ssem1, dsem0, dsem1, msem) = refs
    c = lax.axis_index("c")
    s = lax.axis_index("s")
    w = c * NUM_SUBCORES + s
    base = w * E_PER_TILE

    row0 = s * ROWS_PER_SUBCORE
    z16 = jnp.zeros((16,), jnp.float32)

    @pl.loop(0, CHUNK)
    def _(r):
      for j in range(width // 16):
        rows0[r, pl.ds(j * 16, 16)] = z16

    for k in range(ROWS_PER_SUBCORE // CHUNK):
      pltpu.sync_copy(rows0, acc.at[pl.ds(row0 + k * CHUNK, CHUNK)])
    if with_deg:
      @pl.loop(0, CHUNK)
      def _(r):
        ones_v[r, pl.ds(0, DEG_W)] = z16
      for k in range(ROWS_PER_SUBCORE // CHUNK):
        pltpu.sync_copy(ones_v, dacc.at[pl.ds(row0 + k * CHUNK, CHUNK)])
      one16 = jnp.ones((16,), jnp.float32)

      @pl.loop(0, CHUNK)
      def _(r):
        ones_v[r, pl.ds(0, DEG_W)] = one16
    plsc.subcore_barrier()

    def fetch_idx(ring, which, i, slot, sem):
      pltpu.async_copy(e_hbm.at[which, pl.ds(base + i * CHUNK, CHUNK)],
                       ring.at[slot], sem)

    def wait_idx(ring, slot, sem):
      pltpu.make_async_copy(e_hbm.at[0, pl.ds(0, CHUNK)],
                            ring.at[slot], sem).wait()

    def do_scatter(buf, slot):
      cp = pltpu.async_copy(buf, acc.at[dring.at[slot]], msem, add=True)
      if with_deg:
        pltpu.sync_copy(ones_v, dacc.at[dring.at[slot]], add=True)
      cp.wait()

    fetch_idx(sring, 0, 0, 0, ssem0)
    fetch_idx(sring, 0, 1, 1, ssem1)
    fetch_idx(dring, 1, 0, 0, dsem0)
    fetch_idx(dring, 1, 1, 1, dsem1)
    wait_idx(sring, 0, ssem0)
    pltpu.async_copy(t_hbm.at[sring.at[0]], rows0, sem0)
    wait_idx(sring, 1, ssem1)
    pltpu.async_copy(t_hbm.at[sring.at[1]], rows1, sem1)

    @pl.loop(0, MAIN_CHUNKS - 2, step=2)
    def _(i):
      pltpu.make_async_copy(t_hbm.at[sring.at[0]], rows0, sem0).wait()
      fetch_idx(sring, 0, i + 2, 0, ssem0)
      wait_idx(dring, 0, dsem0)
      do_scatter(rows0, 0)
      fetch_idx(dring, 1, i + 2, 0, dsem0)
      wait_idx(sring, 0, ssem0)
      pltpu.async_copy(t_hbm.at[sring.at[0]], rows0, sem0)
      pltpu.make_async_copy(t_hbm.at[sring.at[1]], rows1, sem1).wait()
      fetch_idx(sring, 0, i + 3, 1, ssem1)
      wait_idx(dring, 1, dsem1)
      do_scatter(rows1, 1)
      fetch_idx(dring, 1, i + 3, 1, dsem1)
      wait_idx(sring, 1, ssem1)
      pltpu.async_copy(t_hbm.at[sring.at[1]], rows1, sem1)

    pltpu.make_async_copy(t_hbm.at[sring.at[0]], rows0, sem0).wait()
    wait_idx(dring, 0, dsem0)
    do_scatter(rows0, 0)
    pltpu.async_copy(e_hbm.at[0, pl.ds(base + MAIN_CHUNKS * CHUNK, TAIL)],
                     tring.at[0], ssem0)
    pltpu.async_copy(e_hbm.at[1, pl.ds(base + MAIN_CHUNKS * CHUNK, TAIL)],
                     tring.at[1], dsem0)
    pltpu.make_async_copy(t_hbm.at[sring.at[1]], rows1, sem1).wait()
    wait_idx(dring, 1, dsem1)
    do_scatter(rows1, 1)
    pltpu.make_async_copy(e_hbm.at[0, pl.ds(0, TAIL)], tring.at[0],
                          ssem0).wait()
    pltpu.sync_copy(t_hbm.at[tring.at[0]], trows)
    pltpu.make_async_copy(e_hbm.at[0, pl.ds(0, TAIL)], tring.at[1],
                          dsem0).wait()
    pltpu.sync_copy(trows, acc.at[tring.at[1]], add=True)
    if with_deg:
      pltpu.sync_copy(ones_v.at[pl.ds(0, TAIL)], dacc.at[tring.at[1]],
                      add=True)

    plsc.subcore_barrier()
    pltpu.sync_copy(acc.at[pl.ds(row0, ROWS_PER_SUBCORE)],
                    out_hbm.at[c, pl.ds(row0, ROWS_PER_SUBCORE)])
    if with_deg:
      pltpu.sync_copy(dacc.at[pl.ds(row0, ROWS_PER_SUBCORE)],
                      deg_hbm.at[c, pl.ds(row0, ROWS_PER_SUBCORE)])

  return pl.kernel(
      sc_kernel,
      out_type=out_type,
      mesh=mesh,
      compiler_params=pltpu.CompilerParams(use_tc_tiling_on_sc=False),
      scratch_types=scratch,
  )


_sc_scatter_cache = functools.cache(_make_sc_scatter)


def _sc_scatter_l1(*args):
  return _sc_scatter_cache(D_HID, True)(*args)


def _sc_scatter_l2(*args):
  return _sc_scatter_cache(N_CLASSES, False)(*args)


_BLK = 1000


def _tc_layer1(x, w_neigh, w_self, b):
  def body(x_ref, wn_ref, ws_ref, b_ref, t_ref, s_ref):
    x = x_ref[...]
    t_ref[...] = jnp.dot(x, wn_ref[...], preferred_element_type=jnp.float32)
    s_ref[...] = jnp.dot(x, ws_ref[...], preferred_element_type=jnp.float32) + b_ref[...]

  return pl.pallas_call(
      body,
      grid=(N // _BLK,),
      in_specs=[
          pl.BlockSpec((_BLK, D_IN), lambda i: (i, 0)),
          pl.BlockSpec((D_IN, D_HID), lambda i: (0, 0)),
          pl.BlockSpec((D_IN, D_HID), lambda i: (0, 0)),
          pl.BlockSpec((1, D_HID), lambda i: (0, 0)),
      ],
      out_specs=[
          pl.BlockSpec((_BLK, D_HID), lambda i: (i, 0)),
          pl.BlockSpec((_BLK, D_HID), lambda i: (i, 0)),
      ],
      out_shape=[
          jax.ShapeDtypeStruct((N, D_HID), jnp.float32),
          jax.ShapeDtypeStruct((N, D_HID), jnp.float32),
      ],
  )(x, w_neigh, w_self, b)


def _tc_mid(p0, p1, d0, d1, s1, w_neigh, w_self, b):
  def body(p0_ref, p1_ref, d0_ref, d1_ref, s1_ref, wn_ref, ws_ref, b_ref,
           t2_ref, s2_ref, r_ref):
    agg = p0_ref[...] + p1_ref[...]
    deg = (d0_ref[...] + d1_ref[...])[:, :1]
    recip = 1.0 / jnp.maximum(deg, 1.0)
    h1 = jnp.maximum(s1_ref[...] + agg * recip, 0.0)
    t2_ref[...] = jnp.dot(h1, wn_ref[...], preferred_element_type=jnp.float32)
    s2_ref[...] = (jnp.dot(h1, ws_ref[...], preferred_element_type=jnp.float32)
                   + b_ref[...])
    r_ref[...] = jnp.broadcast_to(recip, (_BLK, DEG_W))

  return pl.pallas_call(
      body,
      grid=(N // _BLK,),
      in_specs=[
          pl.BlockSpec((_BLK, D_HID), lambda i: (i, 0)),
          pl.BlockSpec((_BLK, D_HID), lambda i: (i, 0)),
          pl.BlockSpec((_BLK, DEG_W), lambda i: (i, 0)),
          pl.BlockSpec((_BLK, DEG_W), lambda i: (i, 0)),
          pl.BlockSpec((_BLK, D_HID), lambda i: (i, 0)),
          pl.BlockSpec((D_HID, N_CLASSES), lambda i: (0, 0)),
          pl.BlockSpec((D_HID, N_CLASSES), lambda i: (0, 0)),
          pl.BlockSpec((1, N_CLASSES), lambda i: (0, 0)),
      ],
      out_specs=[
          pl.BlockSpec((_BLK, N_CLASSES), lambda i: (i, 0)),
          pl.BlockSpec((_BLK, N_CLASSES), lambda i: (i, 0)),
          pl.BlockSpec((_BLK, DEG_W), lambda i: (i, 0)),
      ],
      out_shape=[
          jax.ShapeDtypeStruct((N, N_CLASSES), jnp.float32),
          jax.ShapeDtypeStruct((N, N_CLASSES), jnp.float32),
          jax.ShapeDtypeStruct((N, DEG_W), jnp.float32),
      ],
  )(p0, p1, d0, d1, s1, w_neigh, w_self, b)


def _tc_final(q0, q1, s2, recip):
  def body(q0_ref, q1_ref, s2_ref, r_ref, o_ref):
    r = jnp.broadcast_to(r_ref[...][:, :1], (_BLK, N_CLASSES))
    o_ref[...] = s2_ref[...] + (q0_ref[...] + q1_ref[...]) * r

  spec = pl.BlockSpec((_BLK, N_CLASSES), lambda i: (i, 0))
  rspec = pl.BlockSpec((_BLK, DEG_W), lambda i: (i, 0))
  return pl.pallas_call(
      body,
      grid=(N // _BLK,),
      in_specs=[spec, spec, spec, rspec],
      out_specs=spec,
      out_shape=jax.ShapeDtypeStruct((N, N_CLASSES), jnp.float32),
  )(q0, q1, s2, recip)


@jax.jit
def kernel(features, edge_index, W_self1, W_neigh1, b1, W_self2, W_neigh2, b2):
  ei = edge_index.astype(jnp.int32)

  t1, s1 = _tc_layer1(features, W_neigh1, W_self1, b1.reshape(1, -1))
  p1, degp = _sc_scatter_l1(t1, ei)
  t2, s2, recip = _tc_mid(p1[0], p1[1], degp[0], degp[1], s1,
                          W_neigh2, W_self2, b2.reshape(1, -1))
  (p2,) = _sc_scatter_l2(t2, ei)
  return _tc_final(p2[0], p2[1], s2, recip)

# --- scband reference (transcript-rebuilt; emitter-appended) ---
"""Pipeline reference for scband-sage-7146825581283 (READ-ONLY COPY).

The authoritative reference and input builder live on the scoring server;
editing this copy changes nothing except your own understanding.
"""

import jax, jax.numpy as jnp
import numpy as np

N = 10000
E = 320000
D_IN = 128
D_HID = 128
N_CLASSES = 64


def setup_inputs(seed: int = 0) -> dict:
    key = jax.random.key(seed)
    ks = jax.random.split(key, 8)
    features = jax.random.normal(ks[0], (N, D_IN), dtype=jnp.float32)
    edge_index = jax.random.randint(ks[1], (2, E), 0, N, dtype=jnp.int64)
    # SAGEConv 'mean' params: fc_self and fc_neigh per layer
    W_self1 = jax.random.normal(ks[2], (D_IN, D_HID), dtype=jnp.float32) * 0.05
    W_neigh1 = jax.random.normal(ks[3], (D_IN, D_HID), dtype=jnp.float32) * 0.05
    b1 = jnp.zeros((D_HID,), dtype=jnp.float32)
    W_self2 = jax.random.normal(ks[4], (D_HID, N_CLASSES), dtype=jnp.float32) * 0.05
    W_neigh2 = jax.random.normal(ks[5], (D_HID, N_CLASSES), dtype=jnp.float32) * 0.05
    b2 = jnp.zeros((N_CLASSES,), dtype=jnp.float32)
    return {
        "features": features,
        "edge_index": edge_index,
        "W_self1": W_self1,
        "W_neigh1": W_neigh1,
        "b1": b1,
        "W_self2": W_self2,
        "W_neigh2": W_neigh2,
        "b2": b2,
    }


def _sage_conv_mean(h, src, dst, W_self, W_neigh, b):
    # mean-aggregate neighbor features over incoming edges (dst <- src)
    msgs = jnp.take(h, src, axis=0)                      # gather  [E, d]
    agg = jax.ops.segment_sum(msgs, dst, num_segments=N)  # scatter-add [N, d]
    deg = jax.ops.segment_sum(jnp.ones((E,), dtype=h.dtype), dst, num_segments=N)
    h_neigh = agg / jnp.clip(deg, 1.0, None)[:, None]
    return h @ W_self + h_neigh @ W_neigh + b


def reference(features, edge_index, W_self1, W_neigh1, b1, W_self2, W_neigh2, b2):
    src = edge_index[0]
    dst = edge_index[1]
    h = _sage_conv_mean(features, src, dst, W_self1, W_neigh1, b1)
    h = jax.nn.relu(h)
    # dropout is identity in eval/inference
    h = _sage_conv_mean(h, src, dst, W_self2, W_neigh2, b2)
    return h

if __name__ == "__main__":
    import jax
    _d = setup_inputs()
    print(jax.jit(kernel)(*tuple(_d.values())))

</pallas_src>

<mosaic_0001>
#map = affine_map<(d0, d1) -> (0, 0)>
#map1 = affine_map<(d0, d1) -> (0, 0, 0)>
module attributes {stable_mosaic.version = 14 : i64} {
  func.func @sc_kernel(%arg0: i32, %arg1: i32, %arg2: memref<10000x128xf32, #tpu.memory_space<hbm>>, %arg3: memref<2x320000xi32, #tpu.memory_space<hbm>>, %arg4: memref<2x10240x128xf32, #tpu.memory_space<hbm>>, %arg5: memref<2x10240x16xf32, #tpu.memory_space<hbm>>, %arg6: memref<2x128xi32, #tpu.memory_space<vmem>>, %arg7: memref<2x128xi32, #tpu.memory_space<vmem>>, %arg8: memref<2x16xi32, #tpu.memory_space<vmem>>, %arg9: memref<128x128xf32, #tpu.memory_space<vmem>>, %arg10: memref<128x128xf32, #tpu.memory_space<vmem>>, %arg11: memref<16x128xf32, #tpu.memory_space<vmem>>, %arg12: memref<10240x128xf32, #tpu.memory_space<vmem_shared>>, %arg13: memref<!tpu.dma_semaphore, #tpu.memory_space<semaphore_mem>>, %arg14: memref<!tpu.dma_semaphore, #tpu.memory_space<semaphore_mem>>, %arg15: memref<!tpu.dma_semaphore, #tpu.memory_space<semaphore_mem>>, %arg16: memref<!tpu.dma_semaphore, #tpu.memory_space<semaphore_mem>>, %arg17: memref<!tpu.dma_semaphore, #tpu.memory_space<semaphore_mem>>, %arg18: memref<!tpu.dma_semaphore, #tpu.memory_space<semaphore_mem>>, %arg19: memref<!tpu.dma_semaphore, #tpu.memory_space<semaphore_mem>>, %arg20: memref<128x16xf32, #tpu.memory_space<vmem>>, %arg21: memref<10240x16xf32, #tpu.memory_space<vmem_shared>>) attributes {dimension_semantics = [#tpu.dimension_semantics<core_parallel>, #tpu.dimension_semantics<subcore_parallel>], iteration_bounds = array<i64: 2, 16>, scalar_prefetch = 0 : i64, scratch_operands = 16 : i64, tpu.core_type = #tpu.core_type<sc_vector_subcore>, window_params = [{transform_indices = #map}, {transform_indices = #map}, {transform_indices = #map1}, {transform_indices = #map1}]} {
    %mul3A = arith.constant 16 : i32
    %mul3A_0 = arith.muli %arg0, %mul3A : i32
    %add3A = arith.addi %mul3A_0, %arg1 : i32
    %mul3A_1 = arith.constant 10000 : i32
    %mul3A_2 = arith.muli %add3A, %mul3A_1 : i32
    %mul3A_3 = arith.constant 640 : i32
    %mul3A_4 = arith.muli %arg1, %mul3A_3 : i32
    %broadcast_in_dim3A = arith.constant 0.000000e+00 : f32
    %broadcast_in_dim3A_5 = vector.broadcast %broadcast_in_dim3A : f32 to vector<16xf32>
    %scan3A = arith.constant 0 : i32
    %scan3A_6 = arith.constant 128 : i32
    %scan3A_7 = arith.addi %scan3A, %scan3A_6 : i32
    %scan3A_8 = arith.constant 1 : i32
    scf.for %scan3A_274 = %scan3A to %scan3A_7 step %scan3A_8  : i32 {
      %mul3A_275 = arith.constant 1 : i32
      %mul3A_276 = arith.muli %scan3A_274, %mul3A_275 : i32
      %add3A_277 = arith.constant 0 : i32
      %add3A_278 = arith.addi %add3A_277, %mul3A_276 : i32
      %swap3A = arith.index_cast %add3A_278 : i32 to index
      %swap3A_279 = arith.constant 0 : index
      %swap3A_280 = tpu.vector_load %arg9[%swap3A, %swap3A_279] {strides = array<i32>} : memref<128x128xf32, #tpu.memory_space<vmem>>, vector<1x16xf32>,
      %swap3A_281 = vector.shape_cast %swap3A_280 : vector<1x16xf32> to vector<16xf32>
      %swap3A_282 = vector.shape_cast %broadcast_in_dim3A_5 : vector<16xf32> to vector<1x16xf32>
      tpu.vector_store %arg9[%swap3A, %swap3A_279], %swap3A_282 {strides = array<i32>} : memref<128x128xf32, #tpu.memory_space<vmem>>, vector<1x16xf32>,
      %swap3A_283 = arith.index_cast %add3A_278 : i32 to index
      %swap3A_284 = arith.constant 16 : index
      %swap3A_285 = tpu.vector_load %arg9[%swap3A_283, %swap3A_284] {strides = array<i32>} : memref<128x128xf32, #tpu.memory_space<vmem>>, vector<1x16xf32>,
      %swap3A_286 = vector.shape_cast %swap3A_285 : vector<1x16xf32> to vector<16xf32>
      %swap3A_287 = vector.shape_cast %broadcast_in_dim3A_5 : vector<16xf32> to vector<1x16xf32>
      tpu.vector_store %arg9[%swap3A_283, %swap3A_284], %swap3A_287 {strides = array<i32>} : memref<128x128xf32, #tpu.memory_space<vmem>>, vector<1x16xf32>,
      %swap3A_288 = arith.index_cast %add3A_278 : i32 to index
      %swap3A_289 = arith.constant 32 : index
      %swap3A_290 = tpu.vector_load %arg9[%swap3A_288, %swap3A_289] {strides = array<i32>} : memref<128x128xf32, #tpu.memory_space<vmem>>, vector<1x16xf32>,
      %swap3A_291 = vector.shape_cast %swap3A_290 : vector<1x16xf32> to vector<16xf32>
      %swap3A_292 = vector.shape_cast %broadcast_in_dim3A_5 : vector<16xf32> to vector<1x16xf32>
      tpu.vector_store %arg9[%swap3A_288, %swap3A_289], %swap3A_292 {strides = array<i32>} : memref<128x128xf32, #tpu.memory_space<vmem>>, vector<1x16xf32>,
      %swap3A_293 = arith.index_cast %add3A_278 : i32 to index
      %swap3A_294 = arith.constant 48 : index
      %swap3A_295 = tpu.vector_load %arg9[%swap3A_293, %swap3A_294] {strides = array<i32>} : memref<128x128xf32, #tpu.memory_space<vmem>>, vector<1x16xf32>,
      %swap3A_296 = vector.shape_cast %swap3A_295 : vector<1x16xf32> to vector<16xf32>
      %swap3A_297 = vector.shape_cast %broadcast_in_dim3A_5 : vector<16xf32> to vector<1x16xf32>
      tpu.vector_store %arg9[%swap3A_293, %swap3A_294], %swap3A_297 {strides = array<i32>} : memref<128x128xf32, #tpu.memory_space<vmem>>, vector<1x16xf32>,
      %swap3A_298 = arith.index_cast %add3A_278 : i32 to index
      %swap3A_299 = arith.constant 64 : index
      %swap3A_300 = tpu.vector_load %arg9[%swap3A_298, %swap3A_299] {strides = array<i32>} : memref<128x128xf32, #tpu.memory_space<vmem>>, vector<1x16xf32>,
      %swap3A_301 = vector.shape_cast %swap3A_300 : vector<1x16xf32> to vector<16xf32>
      %swap3A_302 = vector.shape_cast %broadcast_in_dim3A_5 : vector<16xf32> to vector<1x16xf32>
      tpu.vector_store %arg9[%swap3A_298, %swap3A_299], %swap3A_302 {strides = array<i32>} : memref<128x128xf32, #tpu.memory_space<vmem>>, vector<1x16xf32>,
      %swap3A_303 = arith.index_cast %add3A_278 : i32 to index
      %swap3A_304 = arith.constant 80 : index
      %swap3A_305 = tpu.vector_load %arg9[%swap3A_303, %swap3A_304] {strides = array<i32>} : memref<128x128xf32, #tpu.memory_space<vmem>>, vector<1x16xf32>,
      %swap3A_306 = vector.shape_cast %swap3A_305 : vector<1x16xf32> to vector<16xf32>
      %swap3A_307 = vector.shape_cast %broadcast_in_dim3A_5 : vector<16xf32> to vector<1x16xf32>
      tpu.vector_store %arg9[%swap3A_303, %swap3A_304], %swap3A_307 {strides = array<i32>} : memref<128x128xf32, #tpu.memory_space<vmem>>, vector<1x16xf32>,
      %swap3A_308 = arith.index_cast %add3A_278 : i32 to index
      %swap3A_309 = arith.constant 96 : index
      %swap3A_310 = tpu.vector_load %arg9[%swap3A_308, %swap3A_309] {strides = array<i32>} : memref<128x128xf32, #tpu.memory_space<vmem>>, vector<1x16xf32>,
      %swap3A_311 = vector.shape_cast %swap3A_310 : vector<1x16xf32> to vector<16xf32>
      %swap3A_312 = vector.shape_cast %broadcast_in_dim3A_5 : vector<16xf32> to vector<1x16xf32>
      tpu.vector_store %arg9[%swap3A_308, %swap3A_309], %swap3A_312 {strides = array<i32>} : memref<128x128xf32, #tpu.memory_space<vmem>>, vector<1x16xf32>,
      %swap3A_313 = arith.index_cast %add3A_278 : i32 to index
      %swap3A_314 = arith.constant 112 : index
      %swap3A_315 = tpu.vector_load %arg9[%swap3A_313, %swap3A_314] {strides = array<i32>} : memref<128x128xf32, #tpu.memory_space<vmem>>, vector<1x16xf32>,
      %swap3A_316 = vector.shape_cast %swap3A_315 : vector<1x16xf32> to vector<16xf32>
      %swap3A_317 = vector.shape_cast %broadcast_in_dim3A_5 : vector<16xf32> to vector<1x16xf32>
      tpu.vector_store %arg9[%swap3A_313, %swap3A_314], %swap3A_317 {strides = array<i32>} : memref<128x128xf32, #tpu.memory_space<vmem>>, vector<1x16xf32>,
    }
    %scan3A_9 = arith.constant 128 : i32
    %add3A_10 = arith.constant 0 : i32
    %add3A_11 = arith.addi %mul3A_4, %add3A_10 : i32
    "tpu.region"() ({
      %run_scoped3A_274 = tpu.sem_alloc : memref<!tpu.dma_semaphore, #tpu.memory_space<semaphore_mem>>
      %dma_start3A_275 = arith.constant 0 : i32
      %dma_start3A_276 = tpu.memref_slice %arg12[%add3A_11, %dma_start3A_275] : memref<10240x128xf32, #tpu.memory_space<vmem_shared>> -> memref<128x128xf32, #tpu.memory_space<vmem_shared>>
      %dma_start3A_277 = arith.constant 0 : i32
      %dma_start3A_278 = tpu.memref_slice %arg12[%add3A_11, %dma_start3A_277] : memref<10240x128xf32, #tpu.memory_space<vmem_shared>> -> memref<128x128xf32, #tpu.memory_space<vmem_shared>>
      tpu.enqueue_dma source(%arg9 : memref<128x128xf32, #tpu.memory_space<vmem>>) target(%dma_start3A_278 : memref<128x128xf32, #tpu.memory_space<vmem_shared>>) target_semaphore(%run_scoped3A_274 : memref<!tpu.dma_semaphore, #tpu.memory_space<semaphore_mem>>)
      %dma_wait3A_279 = arith.constant 0 : i32
      %dma_wait3A_280 = tpu.memref_slice %arg12[%add3A_11, %dma_wait3A_279] : memref<10240x128xf32, #tpu.memory_space<vmem_shared>> -> memref<128x128xf32, #tpu.memory_space<vmem_shared>>
      %dma_wait3A_281 = arith.constant 0 : i32
      %dma_wait3A_282 = tpu.memref_slice %arg12[%add3A_11, %dma_wait3A_281] : memref<10240x128xf32, #tpu.memory_space<vmem_shared>> -> memref<128x128xf32, #tpu.memory_space<vmem_shared>>
      tpu.wait_dma2 semaphore(%run_scoped3A_274 : memref<!tpu.dma_semaphore, #tpu.memory_space<semaphore_mem>>) src(%arg9 : memref<128x128xf32, #tpu.memory_space<vmem>>) dst(%dma_wait3A_282 : memref<128x128xf32, #tpu.memory_space<vmem_shared>>)
      tpu.yield
    }) : () -> ()
    %add3A_12 = arith.constant 128 : i32
    %add3A_13 = arith.addi %mul3A_4, %add3A_12 : i32
    "tpu.region"() ({
      %run_scoped3A_274 = tpu.sem_alloc : memref<!tpu.dma_semaphore, #tpu.memory_space<semaphore_mem>>
      %dma_start3A_275 = arith.constant 0 : i32
      %dma_start3A_276 = tpu.memref_slice %arg12[%add3A_13, %dma_start3A_275] : memref<10240x128xf32, #tpu.memory_space<vmem_shared>> -> memref<128x128xf32, #tpu.memory_space<vmem_shared>>
      %dma_start3A_277 = arith.constant 0 : i32
      %dma_start3A_278 = tpu.memref_slice %arg12[%add3A_13, %dma_start3A_277] : memref<10240x128xf32, #tpu.memory_space<vmem_shared>> -> memref<128x128xf32, #tpu.memory_space<vmem_shared>>
      tpu.enqueue_dma source(%arg9 : memref<128x128xf32, #tpu.memory_space<vmem>>) target(%dma_start3A_278 : memref<128x128xf32, #tpu.memory_space<vmem_shared>>) target_semaphore(%run_scoped3A_274 : memref<!tpu.dma_semaphore, #tpu.memory_space<semaphore_mem>>)
      %dma_wait3A_279 = arith.constant 0 : i32
      %dma_wait3A_280 = tpu.memref_slice %arg12[%add3A_13, %dma_wait3A_279] : memref<10240x128xf32, #tpu.memory_space<vmem_shared>> -> memref<128x128xf32, #tpu.memory_space<vmem_shared>>
      %dma_wait3A_281 = arith.constant 0 : i32
      %dma_wait3A_282 = tpu.memref_slice %arg12[%add3A_13, %dma_wait3A_281] : memref<10240x128xf32, #tpu.memory_space<vmem_shared>> -> memref<128x128xf32, #tpu.memory_space<vmem_shared>>
      tpu.wait_dma2 semaphore(%run_scoped3A_274 : memref<!tpu.dma_semaphore, #tpu.memory_space<semaphore_mem>>) src(%arg9 : memref<128x128xf32, #tpu.memory_space<vmem>>) dst(%dma_wait3A_282 : memref<128x128xf32, #tpu.memory_space<vmem_shared>>)
      tpu.yield
    }) : () -> ()
    %add3A_14 = arith.constant 256 : i32
    %add3A_15 = arith.addi %mul3A_4, %add3A_14 : i32
    "tpu.region"() ({
      %run_scoped3A_274 = tpu.sem_alloc : memref<!tpu.dma_semaphore, #tpu.memory_space<semaphore_mem>>
      %dma_start3A_275 = arith.constant 0 : i32
      %dma_start3A_276 = tpu.memref_slice %arg12[%add3A_15, %dma_start3A_275] : memref<10240x128xf32, #tpu.memory_space<vmem_shared>> -> memref<128x128xf32, #tpu.memory_space<vmem_shared>>
      %dma_start3A_277 = arith.constant 0 : i32
      %dma_start3A_278 = tpu.memref_slice %arg12[%add3A_15, %dma_start3A_277] : memref<10240x128xf32, #tpu.memory_space<vmem_shared>> -> memref<128x128xf32, #tpu.memory_space<vmem_shared>>
      tpu.enqueue_dma source(%arg9 : memref<128x128xf32, #tpu.memory_space<vmem>>) target(%dma_start3A_278 : memref<128x128xf32, #tpu.memory_space<vmem_shared>>) target_semaphore(%run_scoped3A_274 : memref<!tpu.dma_semaphore, #tpu.memory_space<semaphore_mem>>)
      %dma_wait3A_279 = arith.constant 0 : i32
      %dma_wait3A_280 = tpu.memref_slice %arg12[%add3A_15, %dma_wait3A_279] : memref<10240x128xf32, #tpu.memory_space<vmem_shared>> -> memref<128x128xf32, #tpu.memory_space<vmem_shared>>
      %dma_wait3A_281 = arith.constant 0 : i32
      %dma_wait3A_282 = tpu.memref_slice %arg12[%add3A_15, %dma_wait3A_281] : memref<10240x128xf32, #tpu.memory_space<vmem_shared>> -> memref<128x128xf32, #tpu.memory_space<vmem_shared>>
      tpu.wait_dma2 semaphore(%run_scoped3A_274 : memref<!tpu.dma_semaphore, #tpu.memory_space<semaphore_mem>>) src(%arg9 : memref<128x128xf32, #tpu.memory_space<vmem>>) dst(%dma_wait3A_282 : memref<128x128xf32, #tpu.memory_space<vmem_shared>>)
      tpu.yield
    }) : () -> ()
    %add3A_16 = arith.constant 384 : i32
    %add3A_17 = arith.addi %mul3A_4, %add3A_16 : i32
    "tpu.region"() ({
      %run_scoped3A_274 = tpu.sem_alloc : memref<!tpu.dma_semaphore, #tpu.memory_space<semaphore_mem>>
      %dma_start3A_275 = arith.constant 0 : i32
      %dma_start3A_276 = tpu.memref_slice %arg12[%add3A_17, %dma_start3A_275] : memref<10240x128xf32, #tpu.memory_space<vmem_shared>> -> memref<128x128xf32, #tpu.memory_space<vmem_shared>>
      %dma_start3A_277 = arith.constant 0 : i32
      %dma_start3A_278 = tpu.memref_slice %arg12[%add3A_17, %dma_start3A_277] : memref<10240x128xf32, #tpu.memory_space<vmem_shared>> -> memref<128x128xf32, #tpu.memory_space<vmem_shared>>
      tpu.enqueue_dma source(%arg9 : memref<128x128xf32, #tpu.memory_space<vmem>>) target(%dma_start3A_278 : memref<128x128xf32, #tpu.memory_space<vmem_shared>>) target_semaphore(%run_scoped3A_274 : memref<!tpu.dma_semaphore, #tpu.memory_space<semaphore_mem>>)
      %dma_wait3A_279 = arith.constant 0 : i32
      %dma_wait3A_280 = tpu.memref_slice %arg12[%add3A_17, %dma_wait3A_279] : memref<10240x128xf32, #tpu.memory_space<vmem_shared>> -> memref<128x128xf32, #tpu.memory_space<vmem_shared>>
      %dma_wait3A_281 = arith.constant 0 : i32
      %dma_wait3A_282 = tpu.memref_slice %arg12[%add3A_17, %dma_wait3A_281] : memref<10240x128xf32, #tpu.memory_space<vmem_shared>> -> memref<128x128xf32, #tpu.memory_space<vmem_shared>>
      tpu.wait_dma2 semaphore(%run_scoped3A_274 : memref<!tpu.dma_semaphore, #tpu.memory_space<semaphore_mem>>) src(%arg9 : memref<128x128xf32, #tpu.memory_space<vmem>>) dst(%dma_wait3A_282 : memref<128x128xf32, #tpu.memory_space<vmem_shared>>)
      tpu.yield
    }) : () -> ()
    %add3A_18 = arith.constant 512 : i32
    %add3A_19 = arith.addi %mul3A_4, %add3A_18 : i32
    "tpu.region"() ({
      %run_scoped3A_274 = tpu.sem_alloc : memref<!tpu.dma_semaphore, #tpu.memory_space<semaphore_mem>>
      %dma_start3A_275 = arith.constant 0 : i32
      %dma_start3A_276 = tpu.memref_slice %arg12[%add3A_19, %dma_start3A_275] : memref<10240x128xf32, #tpu.memory_space<vmem_shared>> -> memref<128x128xf32, #tpu.memory_space<vmem_shared>>
      %dma_start3A_277 = arith.constant 0 : i32
      %dma_start3A_278 = tpu.memref_slice %arg12[%add3A_19, %dma_start3A_277] : memref<10240x128xf32, #tpu.memory_space<vmem_shared>> -> memref<128x128xf32, #tpu.memory_space<vmem_shared>>
      tpu.enqueue_dma source(%arg9 : memref<128x128xf32, #tpu.memory_space<vmem>>) target(%dma_start3A_278 : memref<128x128xf32, #tpu.memory_space<vmem_shared>>) target_semaphore(%run_scoped3A_274 : memref<!tpu.dma_semaphore, #tpu.memory_space<semaphore_mem>>)
      %dma_wait3A_279 = arith.constant 0 : i32
      %dma_wait3A_280 = tpu.memref_slice %arg12[%add3A_19, %dma_wait3A_279] : memref<10240x128xf32, #tpu.memory_space<vmem_shared>> -> memref<128x128xf32, #tpu.memory_space<vmem_shared>>
      %dma_wait3A_281 = arith.constant 0 : i32
      %dma_wait3A_282 = tpu.memref_slice %arg12[%add3A_19, %dma_wait3A_281] : memref<10240x128xf32, #tpu.memory_space<vmem_shared>> -> memref<128x128xf32, #tpu.memory_space<vmem_shared>>
      tpu.wait_dma2 semaphore(%run_scoped3A_274 : memref<!tpu.dma_semaphore, #tpu.memory_space<semaphore_mem>>) src(%arg9 : memref<128x128xf32, #tpu.memory_space<vmem>>) dst(%dma_wait3A_282 : memref<128x128xf32, #tpu.memory_space<vmem_shared>>)
      tpu.yield
    }) : () -> ()
    %scan3A_20 = arith.constant 0 : i32
    %scan3A_21 = arith.constant 128 : i32
    %scan3A_22 = arith.addi %scan3A_20, %scan3A_21 : i32
    %scan3A_23 = arith.constant 1 : i32
    scf.for %scan3A_274 = %scan3A_20 to %scan3A_22 step %scan3A_23  : i32 {
      %mul3A_275 = arith.constant 1 : i32
      %mul3A_276 = arith.muli %scan3A_274, %mul3A_275 : i32
      %add3A_277 = arith.constant 0 : i32
      %add3A_278 = arith.addi %add3A_277, %mul3A_276 : i32
      %swap3A = arith.index_cast %add3A_278 : i32 to index
      %swap3A_279 = arith.constant 0 : index
      %swap3A_280 = tpu.vector_load %arg20[%swap3A, %swap3A_279] {strides = array<i32>} : memref<128x16xf32, #tpu.memory_space<vmem>>, vector<1x16xf32>,
      %swap3A_281 = vector.shape_cast %swap3A_280 : vector<1x16xf32> to vector<16xf32>
      %swap3A_282 = vector.shape_cast %broadcast_in_dim3A_5 : vector<16xf32> to vector<1x16xf32>
      tpu.vector_store %arg20[%swap3A, %swap3A_279], %swap3A_282 {strides = array<i32>} : memref<128x16xf32, #tpu.memory_space<vmem>>, vector<1x16xf32>,
    }
    %scan3A_24 = arith.constant 128 : i32
    %add3A_25 = arith.constant 0 : i32
    %add3A_26 = arith.addi %mul3A_4, %add3A_25 : i32
    "tpu.region"() ({
      %run_scoped3A_274 = tpu.sem_alloc : memref<!tpu.dma_semaphore, #tpu.memory_space<semaphore_mem>>
      %dma_start3A_275 = arith.constant 0 : i32
      %dma_start3A_276 = tpu.memref_slice %arg21[%add3A_26, %dma_start3A_275] : memref<10240x16xf32, #tpu.memory_space<vmem_shared>> -> memref<128x16xf32, #tpu.memory_space<vmem_shared>>
      %dma_start3A_277 = arith.constant 0 : i32
      %dma_start3A_278 = tpu.memref_slice %arg21[%add3A_26, %dma_start3A_277] : memref<10240x16xf32, #tpu.memory_space<vmem_shared>> -> memref<128x16xf32, #tpu.memory_space<vmem_shared>>
      tpu.enqueue_dma source(%arg20 : memref<128x16xf32, #tpu.memory_space<vmem>>) target(%dma_start3A_278 : memref<128x16xf32, #tpu.memory_space<vmem_shared>>) target_semaphore(%run_scoped3A_274 : memref<!tpu.dma_semaphore, #tpu.memory_space<semaphore_mem>>)
      %dma_wait3A_279 = arith.constant 0 : i32
      %dma_wait3A_280 = tpu.memref_slice %arg21[%add3A_26, %dma_wait3A_279] : memref<10240x16xf32, #tpu.memory_space<vmem_shared>> -> memref<128x16xf32, #tpu.memory_space<vmem_shared>>
      %dma_wait3A_281 = arith.constant 0 : i32
      %dma_wait3A_282 = tpu.memref_slice %arg21[%add3A_26, %dma_wait3A_281] : memref<10240x16xf32, #tpu.memory_space<vmem_shared>> -> memref<128x16xf32, #tpu.memory_space<vmem_shared>>
      tpu.wait_dma2 semaphore(%run_scoped3A_274 : memref<!tpu.dma_semaphore, #tpu.memory_space<semaphore_mem>>) src(%arg20 : memref<128x16xf32, #tpu.memory_space<vmem>>) dst(%dma_wait3A_282 : memref<128x16xf32, #tpu.memory_space<vmem_shared>>)
      tpu.yield
    }) : () -> ()
    %add3A_27 = arith.constant 128 : i32
    %add3A_28 = arith.addi %mul3A_4, %add3A_27 : i32
    "tpu.region"() ({
      %run_scoped3A_274 = tpu.sem_alloc : memref<!tpu.dma_semaphore, #tpu.memory_space<semaphore_mem>>
      %dma_start3A_275 = arith.constant 0 : i32
      %dma_start3A_276 = tpu.memref_slice %arg21[%add3A_28, %dma_start3A_275] : memref<10240x16xf32, #tpu.memory_space<vmem_shared>> -> memref<128x16xf32, #tpu.memory_space<vmem_shared>>
      %dma_start3A_277 = arith.constant 0 : i32
      %dma_start3A_278 = tpu.memref_slice %arg21[%add3A_28, %dma_start3A_277] : memref<10240x16xf32, #tpu.memory_space<vmem_shared>> -> memref<128x16xf32, #tpu.memory_space<vmem_shared>>
      tpu.enqueue_dma source(%arg20 : memref<128x16xf32, #tpu.memory_space<vmem>>) target(%dma_start3A_278 : memref<128x16xf32, #tpu.memory_space<vmem_shared>>) target_semaphore(%run_scoped3A_274 : memref<!tpu.dma_semaphore, #tpu.memory_space<semaphore_mem>>)
      %dma_wait3A_279 = arith.constant 0 : i32
      %dma_wait3A_280 = tpu.memref_slice %arg21[%add3A_28, %dma_wait3A_279] : memref<10240x16xf32, #tpu.memory_space<vmem_shared>> -> memref<128x16xf32, #tpu.memory_space<vmem_shared>>
      %dma_wait3A_281 = arith.constant 0 : i32
      %dma_wait3A_282 = tpu.memref_slice %arg21[%add3A_28, %dma_wait3A_281] : memref<10240x16xf32, #tpu.memory_space<vmem_shared>> -> memref<128x16xf32, #tpu.memory_space<vmem_shared>>
      tpu.wait_dma2 semaphore(%run_scoped3A_274 : memref<!tpu.dma_semaphore, #tpu.memory_space<semaphore_mem>>) src(%arg20 : memref<128x16xf32, #tpu.memory_space<vmem>>) dst(%dma_wait3A_282 : memref<128x16xf32, #tpu.memory_space<vmem_shared>>)
      tpu.yield
    }) : () -> ()
    %add3A_29 = arith.constant 256 : i32
    %add3A_30 = arith.addi %mul3A_4, %add3A_29 : i32
    "tpu.region"() ({
      %run_scoped3A_274 = tpu.sem_alloc : memref<!tpu.dma_semaphore, #tpu.memory_space<semaphore_mem>>
      %dma_start3A_275 = arith.constant 0 : i32
      %dma_start3A_276 = tpu.memref_slice %arg21[%add3A_30, %dma_start3A_275] : memref<10240x16xf32, #tpu.memory_space<vmem_shared>> -> memref<128x16xf32, #tpu.memory_space<vmem_shared>>
      %dma_start3A_277 = arith.constant 0 : i32
      %dma_start3A_278 = tpu.memref_slice %arg21[%add3A_30, %dma_start3A_277] : memref<10240x16xf32, #tpu.memory_space<vmem_shared>> -> memref<128x16xf32, #tpu.memory_space<vmem_shared>>
      tpu.enqueue_dma source(%arg20 : memref<128x16xf32, #tpu.memory_space<vmem>>) target(%dma_start3A_278 : memref<128x16xf32, #tpu.memory_space<vmem_shared>>) target_semaphore(%run_scoped3A_274 : memref<!tpu.dma_semaphore, #tpu.memory_space<semaphore_mem>>)
      %dma_wait3A_279 = arith.constant 0 : i32
      %dma_wait3A_280 = tpu.memref_slice %arg21[%add3A_30, %dma_wait3A_279] : memref<10240x16xf32, #tpu.memory_space<vmem_shared>> -> memref<128x16xf32, #tpu.memory_space<vmem_shared>>
      %dma_wait3A_281 = arith.constant 0 : i32
      %dma_wait3A_282 = tpu.memref_slice %arg21[%add3A_30, %dma_wait3A_281] : memref<10240x16xf32, #tpu.memory_space<vmem_shared>> -> memref<128x16xf32, #tpu.memory_space<vmem_shared>>
      tpu.wait_dma2 semaphore(%run_scoped3A_274 : memref<!tpu.dma_semaphore, #tpu.memory_space<semaphore_mem>>) src(%arg20 : memref<128x16xf32, #tpu.memory_space<vmem>>) dst(%dma_wait3A_282 : memref<128x16xf32, #tpu.memory_space<vmem_shared>>)
      tpu.yield
    }) : () -> ()
    %add3A_31 = arith.constant 384 : i32
    %add3A_32 = arith.addi %mul3A_4, %add3A_31 : i32
    "tpu.region"() ({
      %run_scoped3A_274 = tpu.sem_alloc : memref<!tpu.dma_semaphore, #tpu.memory_space<semaphore_mem>>
      %dma_start3A_275 = arith.constant 0 : i32
      %dma_start3A_276 = tpu.memref_slice %arg21[%add3A_32, %dma_start3A_275] : memref<10240x16xf32, #tpu.memory_space<vmem_shared>> -> memref<128x16xf32, #tpu.memory_space<vmem_shared>>
      %dma_start3A_277 = arith.constant 0 : i32
      %dma_start3A_278 = tpu.memref_slice %arg21[%add3A_32, %dma_start3A_277] : memref<10240x16xf32, #tpu.memory_space<vmem_shared>> -> memref<128x16xf32, #tpu.memory_space<vmem_shared>>
      tpu.enqueue_dma source(%arg20 : memref<128x16xf32, #tpu.memory_space<vmem>>) target(%dma_start3A_278 : memref<128x16xf32, #tpu.memory_space<vmem_shared>>) target_semaphore(%run_scoped3A_274 : memref<!tpu.dma_semaphore, #tpu.memory_space<semaphore_mem>>)
      %dma_wait3A_279 = arith.constant 0 : i32
      %dma_wait3A_280 = tpu.memref_slice %arg21[%add3A_32, %dma_wait3A_279] : memref<10240x16xf32, #tpu.memory_space<vmem_shared>> -> memref<128x16xf32, #tpu.memory_space<vmem_shared>>
      %dma_wait3A_281 = arith.constant 0 : i32
      %dma_wait3A_282 = tpu.memref_slice %arg21[%add3A_32, %dma_wait3A_281] : memref<10240x16xf32, #tpu.memory_space<vmem_shared>> -> memref<128x16xf32, #tpu.memory_space<vmem_shared>>
      tpu.wait_dma2 semaphore(%run_scoped3A_274 : memref<!tpu.dma_semaphore, #tpu.memory_space<semaphore_mem>>) src(%arg20 : memref<128x16xf32, #tpu.memory_space<vmem>>) dst(%dma_wait3A_282 : memref<128x16xf32, #tpu.memory_space<vmem_shared>>)
      tpu.yield
    }) : () -> ()
    %add3A_33 = arith.constant 512 : i32
    %add3A_34 = arith.addi %mul3A_4, %add3A_33 : i32
    "tpu.region"() ({
      %run_scoped3A_274 = tpu.sem_alloc : memref<!tpu.dma_semaphore, #tpu.memory_space<semaphore_mem>>
      %dma_start3A_275 = arith.constant 0 : i32
      %dma_start3A_276 = tpu.memref_slice %arg21[%add3A_34, %dma_start3A_275] : memref<10240x16xf32, #tpu.memory_space<vmem_shared>> -> memref<128x16xf32, #tpu.memory_space<vmem_shared>>
      %dma_start3A_277 = arith.constant 0 : i32
      %dma_start3A_278 = tpu.memref_slice %arg21[%add3A_34, %dma_start3A_277] : memref<10240x16xf32, #tpu.memory_space<vmem_shared>> -> memref<128x16xf32, #tpu.memory_space<vmem_shared>>
      tpu.enqueue_dma source(%arg20 : memref<128x16xf32, #tpu.memory_space<vmem>>) target(%dma_start3A_278 : memref<128x16xf32, #tpu.memory_space<vmem_shared>>) target_semaphore(%run_scoped3A_274 : memref<!tpu.dma_semaphore, #tpu.memory_space<semaphore_mem>>)
      %dma_wait3A_279 = arith.constant 0 : i32
      %dma_wait3A_280 = tpu.memref_slice %arg21[%add3A_34, %dma_wait3A_279] : memref<10240x16xf32, #tpu.memory_space<vmem_shared>> -> memref<128x16xf32, #tpu.memory_space<vmem_shared>>
      %dma_wait3A_281 = arith.constant 0 : i32
      %dma_wait3A_282 = tpu.memref_slice %arg21[%add3A_34, %dma_wait3A_281] : memref<10240x16xf32, #tpu.memory_space<vmem_shared>> -> memref<128x16xf32, #tpu.memory_space<vmem_shared>>
      tpu.wait_dma2 semaphore(%run_scoped3A_274 : memref<!tpu.dma_semaphore, #tpu.memory_space<semaphore_mem>>) src(%arg20 : memref<128x16xf32, #tpu.memory_space<vmem>>) dst(%dma_wait3A_282 : memref<128x16xf32, #tpu.memory_space<vmem_shared>>)
      tpu.yield
    }) : () -> ()
    %broadcast_in_dim3A_35 = arith.constant 1.000000e+00 : f32
    %broadcast_in_dim3A_36 = vector.broadcast %broadcast_in_dim3A_35 : f32 to vector<16xf32>
    %scan3A_37 = arith.constant 0 : i32
    %scan3A_38 = arith.constant 128 : i32
    %scan3A_39 = arith.addi %scan3A_37, %scan3A_38 : i32
    %scan3A_40 = arith.constant 1 : i32
    scf.for %scan3A_274 = %scan3A_37 to %scan3A_39 step %scan3A_40  : i32 {
      %mul3A_275 = arith.constant 1 : i32
      %mul3A_276 = arith.muli %scan3A_274, %mul3A_275 : i32
      %add3A_277 = arith.constant 0 : i32
      %add3A_278 = arith.addi %add3A_277, %mul3A_276 : i32
      %swap3A = arith.index_cast %add3A_278 : i32 to index
      %swap3A_279 = arith.constant 0 : index
      %swap3A_280 = tpu.vector_load %arg20[%swap3A, %swap3A_279] {strides = array<i32>} : memref<128x16xf32, #tpu.memory_space<vmem>>, vector<1x16xf32>,
      %swap3A_281 = vector.shape_cast %swap3A_280 : vector<1x16xf32> to vector<16xf32>
      %swap3A_282 = vector.shape_cast %broadcast_in_dim3A_36 : vector<16xf32> to vector<1x16xf32>
      tpu.vector_store %arg20[%swap3A, %swap3A_279], %swap3A_282 {strides = array<i32>} : memref<128x16xf32, #tpu.memory_space<vmem>>, vector<1x16xf32>,
    }
    %scan3A_41 = arith.constant 128 : i32
    %barrier3A = arith.constant 0 : index
    tpu.barrier barrier_id(%barrier3A)
    %add3A_42 = arith.constant 0 : i32
    %add3A_43 = arith.addi %mul3A_2, %add3A_42 : i32
    %dma_start3A = arith.constant 0 : i32
    %dma_start3A_44 = arith.constant 0 : i32
    %dma_start3A_45 = arith.constant 0 : i32
    %dma_start3A_46 = tpu.memref_slice %arg6[%dma_start3A_44, %dma_start3A_45] : memref<2x128xi32, #tpu.memory_space<vmem>> -> memref<1x128xi32, #tpu.memory_space<vmem>>
    %dma_start3A_47 = tpu.memref_squeeze %dma_start3A_46 : memref<1x128xi32, #tpu.memory_space<vmem>> -> memref<128xi32, #tpu.memory_space<vmem>>
    %dma_start3A_48 = tpu.memref_slice %arg3[%dma_start3A, %add3A_43] : memref<2x320000xi32, #tpu.memory_space<hbm>> -> memref<1x128xi32, #tpu.memory_space<hbm>>
    %dma_start3A_49 = tpu.memref_squeeze %dma_start3A_48 : memref<1x128xi32, #tpu.memory_space<hbm>> -> memref<128xi32, #tpu.memory_space<hbm>>
    %dma_start3A_50 = arith.constant 0 : i32
    %dma_start3A_51 = tpu.memref_slice %arg6[%dma_start3A_44, %dma_start3A_50] : memref<2x128xi32, #tpu.memory_space<vmem>> -> memref<1x128xi32, #tpu.memory_space<vmem>>
    %dma_start3A_52 = tpu.memref_squeeze %dma_start3A_51 : memref<1x128xi32, #tpu.memory_space<vmem>> -> memref<128xi32, #tpu.memory_space<vmem>>
    %dma_start3A_53 = tpu.memref_slice %arg3[%dma_start3A, %add3A_43] : memref<2x320000xi32, #tpu.memory_space<hbm>> -> memref<1x128xi32, #tpu.memory_space<hbm>>
    %dma_start3A_54 = tpu.memref_squeeze %dma_start3A_53 : memref<1x128xi32, #tpu.memory_space<hbm>> -> memref<128xi32, #tpu.memory_space<hbm>>
    tpu.enqueue_dma source(%dma_start3A_54 : memref<128xi32, #tpu.memory_space<hbm>>) target(%dma_start3A_52 : memref<128xi32, #tpu.memory_space<vmem>>) target_semaphore(%arg15 : memref<!tpu.dma_semaphore, #tpu.memory_space<semaphore_mem>>)
    %add3A_55 = arith.constant 128 : i32
    %add3A_56 = arith.addi %mul3A_2, %add3A_55 : i32
    %dma_start3A_57 = arith.constant 0 : i32
    %dma_start3A_58 = arith.constant 1 : i32
    %dma_start3A_59 = arith.constant 0 : i32
    %dma_start3A_60 = tpu.memref_slice %arg6[%dma_start3A_58, %dma_start3A_59] : memref<2x128xi32, #tpu.memory_space<vmem>> -> memref<1x128xi32, #tpu.memory_space<vmem>>
    %dma_start3A_61 = tpu.memref_squeeze %dma_start3A_60 : memref<1x128xi32, #tpu.memory_space<vmem>> -> memref<128xi32, #tpu.memory_space<vmem>>
    %dma_start3A_62 = tpu.memref_slice %arg3[%dma_start3A_57, %add3A_56] : memref<2x320000xi32, #tpu.memory_space<hbm>> -> memref<1x128xi32, #tpu.memory_space<hbm>>
    %dma_start3A_63 = tpu.memref_squeeze %dma_start3A_62 : memref<1x128xi32, #tpu.memory_space<hbm>> -> memref<128xi32, #tpu.memory_space<hbm>>
    %dma_start3A_64 = arith.constant 0 : i32
    %dma_start3A_65 = tpu.memref_slice %arg6[%dma_start3A_58, %dma_start3A_64] : memref<2x128xi32, #tpu.memory_space<vmem>> -> memref<1x128xi32, #tpu.memory_space<vmem>>
    %dma_start3A_66 = tpu.memref_squeeze %dma_start3A_65 : memref<1x128xi32, #tpu.memory_space<vmem>> -> memref<128xi32, #tpu.memory_space<vmem>>
    %dma_start3A_67 = tpu.memref_slice %arg3[%dma_start3A_57, %add3A_56] : memref<2x320000xi32, #tpu.memory_space<hbm>> -> memref<1x128xi32, #tpu.memory_space<hbm>>
    %dma_start3A_68 = tpu.memref_squeeze %dma_start3A_67 : memref<1x128xi32, #tpu.memory_space<hbm>> -> memref<128xi32, #tpu.memory_space<hbm>>
    tpu.enqueue_dma source(%dma_start3A_68 : memref<128xi32, #tpu.memory_space<hbm>>) target(%dma_start3A_66 : memref<128xi32, #tpu.memory_space<vmem>>) target_semaphore(%arg16 : memref<!tpu.dma_semaphore, #tpu.memory_space<semaphore_mem>>)
    %add3A_69 = arith.constant 0 : i32
    %add3A_70 = arith.addi %mul3A_2, %add3A_69 : i32
    %dma_start3A_71 = arith.constant 1 : i32
    %dma_start3A_72 = arith.constant 0 : i32
    %dma_start3A_73 = arith.constant 0 : i32
    %dma_start3A_74 = tpu.memref_slice %arg7[%dma_start3A_72, %dma_start3A_73] : memref<2x128xi32, #tpu.memory_space<vmem>> -> memref<1x128xi32, #tpu.memory_space<vmem>>
    %dma_start3A_75 = tpu.memref_squeeze %dma_start3A_74 : memref<1x128xi32, #tpu.memory_space<vmem>> -> memref<128xi32, #tpu.memory_space<vmem>>
    %dma_start3A_76 = tpu.memref_slice %arg3[%dma_start3A_71, %add3A_70] : memref<2x320000xi32, #tpu.memory_space<hbm>> -> memref<1x128xi32, #tpu.memory_space<hbm>>
    %dma_start3A_77 = tpu.memref_squeeze %dma_start3A_76 : memref<1x128xi32, #tpu.memory_space<hbm>> -> memref<128xi32, #tpu.memory_space<hbm>>
    %dma_start3A_78 = arith.constant 0 : i32
    %dma_start3A_79 = tpu.memref_slice %arg7[%dma_start3A_72, %dma_start3A_78] : memref<2x128xi32, #tpu.memory_space<vmem>> -> memref<1x128xi32, #tpu.memory_space<vmem>>
    %dma_start3A_80 = tpu.memref_squeeze %dma_start3A_79 : memref<1x128xi32, #tpu.memory_space<vmem>> -> memref<128xi32, #tpu.memory_space<vmem>>
    %dma_start3A_81 = tpu.memref_slice %arg3[%dma_start3A_71, %add3A_70] : memref<2x320000xi32, #tpu.memory_space<hbm>> -> memref<1x128xi32, #tpu.memory_space<hbm>>
    %dma_start3A_82 = tpu.memref_squeeze %dma_start3A_81 : memref<1x128xi32, #tpu.memory_space<hbm>> -> memref<128xi32, #tpu.memory_space<hbm>>
    tpu.enqueue_dma source(%dma_start3A_82 : memref<128xi32, #tpu.memory_space<hbm>>) target(%dma_start3A_80 : memref<128xi32, #tpu.memory_space<vmem>>) target_semaphore(%arg17 : memref<!tpu.dma_semaphore, #tpu.memory_space<semaphore_mem>>)
    %add3A_83 = arith.constant 128 : i32
    %add3A_84 = arith.addi %mul3A_2, %add3A_83 : i32
    %dma_start3A_85 = arith.constant 1 : i32
    %dma_start3A_86 = arith.constant 1 : i32
    %dma_start3A_87 = arith.constant 0 : i32
    %dma_start3A_88 = tpu.memref_slice %arg7[%dma_start3A_86, %dma_start3A_87] : memref<2x128xi32, #tpu.memory_space<vmem>> -> memref<1x128xi32, #tpu.memory_space<vmem>>
    %dma_start3A_89 = tpu.memref_squeeze %dma_start3A_88 : memref<1x128xi32, #tpu.memory_space<vmem>> -> memref<128xi32, #tpu.memory_space<vmem>>
    %dma_start3A_90 = tpu.memref_slice %arg3[%dma_start3A_85, %add3A_84] : memref<2x320000xi32, #tpu.memory_space<hbm>> -> memref<1x128xi32, #tpu.memory_space<hbm>>
    %dma_start3A_91 = tpu.memref_squeeze %dma_start3A_90 : memref<1x128xi32, #tpu.memory_space<hbm>> -> memref<128xi32, #tpu.memory_space<hbm>>
    %dma_start3A_92 = arith.constant 0 : i32
    %dma_start3A_93 = tpu.memref_slice %arg7[%dma_start3A_86, %dma_start3A_92] : memref<2x128xi32, #tpu.memory_space<vmem>> -> memref<1x128xi32, #tpu.memory_space<vmem>>
    %dma_start3A_94 = tpu.memref_squeeze %dma_start3A_93 : memref<1x128xi32, #tpu.memory_space<vmem>> -> memref<128xi32, #tpu.memory_space<vmem>>
    %dma_start3A_95 = tpu.memref_slice %arg3[%dma_start3A_85, %add3A_84] : memref<2x320000xi32, #tpu.memory_space<hbm>> -> memref<1x128xi32, #tpu.memory_space<hbm>>
    %dma_start3A_96 = tpu.memref_squeeze %dma_start3A_95 : memref<1x128xi32, #tpu.memory_space<hbm>> -> memref<128xi32, #tpu.memory_space<hbm>>
    tpu.enqueue_dma source(%dma_start3A_96 : memref<128xi32, #tpu.memory_space<hbm>>) target(%dma_start3A_94 : memref<128xi32, #tpu.memory_space<vmem>>) target_semaphore(%arg18 : memref<!tpu.dma_semaphore, #tpu.memory_space<semaphore_mem>>)
    %dma_wait3A = arith.constant 0 : i32
    %dma_wait3A_97 = arith.constant 0 : i32
    %dma_wait3A_98 = arith.constant 0 : i32
    %dma_wait3A_99 = tpu.memref_slice %arg6[%dma_wait3A_97, %dma_wait3A_98] : memref<2x128xi32, #tpu.memory_space<vmem>> -> memref<1x128xi32, #tpu.memory_space<vmem>>
    %dma_wait3A_100 = tpu.memref_squeeze %dma_wait3A_99 : memref<1x128xi32, #tpu.memory_space<vmem>> -> memref<128xi32, #tpu.memory_space<vmem>>
    %dma_wait3A_101 = arith.constant 0 : i32
    %dma_wait3A_102 = tpu.memref_slice %arg3[%dma_wait3A, %dma_wait3A_101] : memref<2x320000xi32, #tpu.memory_space<hbm>> -> memref<1x128xi32, #tpu.memory_space<hbm>>
    %dma_wait3A_103 = tpu.memref_squeeze %dma_wait3A_102 : memref<1x128xi32, #tpu.memory_space<hbm>> -> memref<128xi32, #tpu.memory_space<hbm>>
    %dma_wait3A_104 = arith.constant 0 : i32
    %dma_wait3A_105 = tpu.memref_slice %arg6[%dma_wait3A_97, %dma_wait3A_104] : memref<2x128xi32, #tpu.memory_space<vmem>> -> memref<1x128xi32, #tpu.memory_space<vmem>>
    %dma_wait3A_106 = tpu.memref_squeeze %dma_wait3A_105 : memref<1x128xi32, #tpu.memory_space<vmem>> -> memref<128xi32, #tpu.memory_space<vmem>>
    %dma_wait3A_107 = arith.constant 0 : i32
    %dma_wait3A_108 = tpu.memref_slice %arg3[%dma_wait3A, %dma_wait3A_107] : memref<2x320000xi32, #tpu.memory_space<hbm>> -> memref<1x128xi32, #tpu.memory_space<hbm>>
    %dma_wait3A_109 = tpu.memref_squeeze %dma_wait3A_108 : memref<1x128xi32, #tpu.memory_space<hbm>> -> memref<128xi32, #tpu.memory_space<hbm>>
    tpu.wait_dma2 semaphore(%arg15 : memref<!tpu.dma_semaphore, #tpu.memory_space<semaphore_mem>>) src(%dma_wait3A_109 : memref<128xi32, #tpu.memory_space<hbm>>) dst(%dma_wait3A_106 : memref<128xi32, #tpu.memory_space<vmem>>)
    %dma_start3A_110 = arith.constant 0 : i32
    %dma_start3A_111 = arith.constant 0 : i32
    %dma_start3A_112 = tpu.memref_slice %arg6[%dma_start3A_110, %dma_start3A_111] : memref<2x128xi32, #tpu.memory_space<vmem>> -> memref<1x128xi32, #tpu.memory_space<vmem>>
    %dma_start3A_113 = tpu.memref_squeeze %dma_start3A_112 : memref<1x128xi32, #tpu.memory_space<vmem>> -> memref<128xi32, #tpu.memory_space<vmem>>
    %dma_start3A_114 = arith.constant 0 : i32
    %dma_start3A_115 = arith.constant 0 : i32
    %dma_start3A_116 = tpu.memref_slice %arg2[%dma_start3A_114, %dma_start3A_115] : memref<10000x128xf32, #tpu.memory_space<hbm>> -> memref<10000x128xf32, #tpu.memory_space<hbm>>
    tpu.enqueue_indirect_dma source(%dma_start3A_116 : memref<10000x128xf32, #tpu.memory_space<hbm>>) target(%arg9 : memref<128x128xf32, #tpu.memory_space<vmem>>) offsets(%dma_start3A_113 : memref<128xi32, #tpu.memory_space<vmem>>) semaphore(%arg13 : memref<!tpu.dma_semaphore, #tpu.memory_space<semaphore_mem>>)
    %dma_wait3A_117 = arith.constant 0 : i32
    %dma_wait3A_118 = arith.constant 1 : i32
    %dma_wait3A_119 = arith.constant 0 : i32
    %dma_wait3A_120 = tpu.memref_slice %arg6[%dma_wait3A_118, %dma_wait3A_119] : memref<2x128xi32, #tpu.memory_space<vmem>> -> memref<1x128xi32, #tpu.memory_space<vmem>>
    %dma_wait3A_121 = tpu.memref_squeeze %dma_wait3A_120 : memref<1x128xi32, #tpu.memory_space<vmem>> -> memref<128xi32, #tpu.memory_space<vmem>>
    %dma_wait3A_122 = arith.constant 0 : i32
    %dma_wait3A_123 = tpu.memref_slice %arg3[%dma_wait3A_117, %dma_wait3A_122] : memref<2x320000xi32, #tpu.memory_space<hbm>> -> memref<1x128xi32, #tpu.memory_space<hbm>>
    %dma_wait3A_124 = tpu.memref_squeeze %dma_wait3A_123 : memref<1x128xi32, #tpu.memory_space<hbm>> -> memref<128xi32, #tpu.memory_space<hbm>>
    %dma_wait3A_125 = arith.constant 0 : i32
    %dma_wait3A_126 = tpu.memref_slice %arg6[%dma_wait3A_118, %dma_wait3A_125] : memref<2x128xi32, #tpu.memory_space<vmem>> -> memref<1x128xi32, #tpu.memory_space<vmem>>
    %dma_wait3A_127 = tpu.memref_squeeze %dma_wait3A_126 : memref<1x128xi32, #tpu.memory_space<vmem>> -> memref<128xi32, #tpu.memory_space<vmem>>
    %dma_wait3A_128 = arith.constant 0 : i32
    %dma_wait3A_129 = tpu.memref_slice %arg3[%dma_wait3A_117, %dma_wait3A_128] : memref<2x320000xi32, #tpu.memory_space<hbm>> -> memref<1x128xi32, #tpu.memory_space<hbm>>
    %dma_wait3A_130 = tpu.memref_squeeze %dma_wait3A_129 : memref<1x128xi32, #tpu.memory_space<hbm>> -> memref<128xi32, #tpu.memory_space<hbm>>
    tpu.wait_dma2 semaphore(%arg16 : memref<!tpu.dma_semaphore, #tpu.memory_space<semaphore_mem>>) src(%dma_wait3A_130 : memref<128xi32, #tpu.memory_space<hbm>>) dst(%dma_wait3A_127 : memref<128xi32, #tpu.memory_space<vmem>>)
    %dma_start3A_131 = arith.constant 1 : i32
    %dma_start3A_132 = arith.constant 0 : i32
    %dma_start3A_133 = tpu.memref_slice %arg6[%dma_start3A_131, %dma_start3A_132] : memref<2x128xi32, #tpu.memory_space<vmem>> -> memref<1x128xi32, #tpu.memory_space<vmem>>
    %dma_start3A_134 = tpu.memref_squeeze %dma_start3A_133 : memref<1x128xi32, #tpu.memory_space<vmem>> -> memref<128xi32, #tpu.memory_space<vmem>>
    %dma_start3A_135 = arith.constant 0 : i32
    %dma_start3A_136 = arith.constant 0 : i32
    %dma_start3A_137 = tpu.memref_slice %arg2[%dma_start3A_135, %dma_start3A_136] : memref<10000x128xf32, #tpu.memory_space<hbm>> -> memref<10000x128xf32, #tpu.memory_space<hbm>>
    tpu.enqueue_indirect_dma source(%dma_start3A_137 : memref<10000x128xf32, #tpu.memory_space<hbm>>) target(%arg10 : memref<128x128xf32, #tpu.memory_space<vmem>>) offsets(%dma_start3A_134 : memref<128xi32, #tpu.memory_space<vmem>>) semaphore(%arg14 : memref<!tpu.dma_semaphore, #tpu.memory_space<semaphore_mem>>)
    %scan3A_138 = arith.constant 0 : i32
    %scan3A_139 = arith.constant 38 : i32
    %scan3A_140 = arith.addi %scan3A_138, %scan3A_139 : i32
    %scan3A_141 = arith.constant 1 : i32
    scf.for %scan3A_274 = %scan3A_138 to %scan3A_140 step %scan3A_141  : i32 {
      %mul3A_275 = arith.constant 2 : i32
      %mul3A_276 = arith.muli %scan3A_274, %mul3A_275 : i32
      %add3A_277 = arith.constant 0 : i32
      %add3A_278 = arith.addi %add3A_277, %mul3A_276 : i32
      %dma_wait3A_279 = arith.constant 0 : i32
      %dma_wait3A_280 = arith.constant 0 : i32
      %dma_wait3A_281 = tpu.memref_slice %arg6[%dma_wait3A_279, %dma_wait3A_280] : memref<2x128xi32, #tpu.memory_space<vmem>> -> memref<1x128xi32, #tpu.memory_space<vmem>>
      %dma_wait3A_282 = tpu.memref_squeeze %dma_wait3A_281 : memref<1x128xi32, #tpu.memory_space<vmem>> -> memref<128xi32, #tpu.memory_space<vmem>>
      %dma_wait3A_283 = arith.constant 0 : i32
      %dma_wait3A_284 = arith.constant 0 : i32
      %dma_wait3A_285 = tpu.memref_slice %arg2[%dma_wait3A_283, %dma_wait3A_284] : memref<10000x128xf32, #tpu.memory_space<hbm>> -> memref<10000x128xf32, #tpu.memory_space<hbm>>
      tpu.wait_indirect_dma semaphore(%arg13 : memref<!tpu.dma_semaphore, #tpu.memory_space<semaphore_mem>>) src(%dma_wait3A_285 : memref<10000x128xf32, #tpu.memory_space<hbm>>) dst(%arg9 : memref<128x128xf32, #tpu.memory_space<vmem>>)
      %add3A_286 = arith.constant 2 : i32
      %add3A_287 = arith.addi %add3A_278, %add3A_286 : i32
      %mul3A_288 = arith.constant 128 : i32
      %mul3A_289 = arith.muli %add3A_287, %mul3A_288 : i32
      %add3A_290 = arith.addi %mul3A_2, %mul3A_289 : i32
      %dma_start3A_291 = arith.constant 0 : i32
      %dma_start3A_292 = arith.constant 0 : i32
      %dma_start3A_293 = arith.constant 0 : i32
      %dma_start3A_294 = tpu.memref_slice %arg6[%dma_start3A_292, %dma_start3A_293] : memref<2x128xi32, #tpu.memory_space<vmem>> -> memref<1x128xi32, #tpu.memory_space<vmem>>
      %dma_start3A_295 = tpu.memref_squeeze %dma_start3A_294 : memref<1x128xi32, #tpu.memory_space<vmem>> -> memref<128xi32, #tpu.memory_space<vmem>>
      %dma_start3A_296 = tpu.memref_slice %arg3[%dma_start3A_291, %add3A_290] : memref<2x320000xi32, #tpu.memory_space<hbm>> -> memref<1x128xi32, #tpu.memory_space<hbm>>
      %dma_start3A_297 = tpu.memref_squeeze %dma_start3A_296 : memref<1x128xi32, #tpu.memory_space<hbm>> -> memref<128xi32, #tpu.memory_space<hbm>>
      %dma_start3A_298 = arith.constant 0 : i32
      %dma_start3A_299 = tpu.memref_slice %arg6[%dma_start3A_292, %dma_start3A_298] : memref<2x128xi32, #tpu.memory_space<vmem>> -> memref<1x128xi32, #tpu.memory_space<vmem>>
      %dma_start3A_300 = tpu.memref_squeeze %dma_start3A_299 : memref<1x128xi32, #tpu.memory_space<vmem>> -> memref<128xi32, #tpu.memory_space<vmem>>
      %dma_start3A_301 = tpu.memref_slice %arg3[%dma_start3A_291, %add3A_290] : memref<2x320000xi32, #tpu.memory_space<hbm>> -> memref<1x128xi32, #tpu.memory_space<hbm>>
      %dma_start3A_302 = tpu.memref_squeeze %dma_start3A_301 : memref<1x128xi32, #tpu.memory_space<hbm>> -> memref<128xi32, #tpu.memory_space<hbm>>
      tpu.enqueue_dma source(%dma_start3A_302 : memref<128xi32, #tpu.memory_space<hbm>>) target(%dma_start3A_300 : memref<128xi32, #tpu.memory_space<vmem>>) target_semaphore(%arg15 : memref<!tpu.dma_semaphore, #tpu.memory_space<semaphore_mem>>)
      %dma_wait3A_303 = arith.constant 0 : i32
      %dma_wait3A_304 = arith.constant 0 : i32
      %dma_wait3A_305 = arith.constant 0 : i32
      %dma_wait3A_306 = tpu.memref_slice %arg7[%dma_wait3A_304, %dma_wait3A_305] : memref<2x128xi32, #tpu.memory_space<vmem>> -> memref<1x128xi32, #tpu.memory_space<vmem>>
      %dma_wait3A_307 = tpu.memref_squeeze %dma_wait3A_306 : memref<1x128xi32, #tpu.memory_space<vmem>> -> memref<128xi32, #tpu.memory_space<vmem>>
      %dma_wait3A_308 = arith.constant 0 : i32
      %dma_wait3A_309 = tpu.memref_slice %arg3[%dma_wait3A_303, %dma_wait3A_308] : memref<2x320000xi32, #tpu.memory_space<hbm>> -> memref<1x128xi32, #tpu.memory_space<hbm>>
      %dma_wait3A_310 = tpu.memref_squeeze %dma_wait3A_309 : memref<1x128xi32, #tpu.memory_space<hbm>> -> memref<128xi32, #tpu.memory_space<hbm>>
      %dma_wait3A_311 = arith.constant 0 : i32
      %dma_wait3A_312 = tpu.memref_slice %arg7[%dma_wait3A_304, %dma_wait3A_311] : memref<2x128xi32, #tpu.memory_space<vmem>> -> memref<1x128xi32, #tpu.memory_space<vmem>>
      %dma_wait3A_313 = tpu.memref_squeeze %dma_wait3A_312 : memref<1x128xi32, #tpu.memory_space<vmem>> -> memref<128xi32, #tpu.memory_space<vmem>>
      %dma_wait3A_314 = arith.constant 0 : i32
      %dma_wait3A_315 = tpu.memref_slice %arg3[%dma_wait3A_303, %dma_wait3A_314] : memref<2x320000xi32, #tpu.memory_space<hbm>> -> memref<1x128xi32, #tpu.memory_space<hbm>>
      %dma_wait3A_316 = tpu.memref_squeeze %dma_wait3A_315 : memref<1x128xi32, #tpu.memory_space<hbm>> -> memref<128xi32, #tpu.memory_space<hbm>>
      tpu.wait_dma2 semaphore(%arg17 : memref<!tpu.dma_semaphore, #tpu.memory_space<semaphore_mem>>) src(%dma_wait3A_316 : memref<128xi32, #tpu.memory_space<hbm>>) dst(%dma_wait3A_313 : memref<128xi32, #tpu.memory_space<vmem>>)
      %dma_start3A_317 = arith.constant 0 : i32
      %dma_start3A_318 = arith.constant 0 : i32
      %dma_start3A_319 = tpu.memref_slice %arg7[%dma_start3A_317, %dma_start3A_318] : memref<2x128xi32, #tpu.memory_space<vmem>> -> memref<1x128xi32, #tpu.memory_space<vmem>>
      %dma_start3A_320 = tpu.memref_squeeze %dma_start3A_319 : memref<1x128xi32, #tpu.memory_space<vmem>> -> memref<128xi32, #tpu.memory_space<vmem>>
      %dma_start3A_321 = arith.constant 0 : i32
      %dma_start3A_322 = arith.constant 0 : i32
      %dma_start3A_323 = tpu.memref_slice %arg12[%dma_start3A_321, %dma_start3A_322] : memref<10240x128xf32, #tpu.memory_space<vmem_shared>> -> memref<10240x128xf32, #tpu.memory_space<vmem_shared>>
      tpu.enqueue_indirect_dma source(%arg9 : memref<128x128xf32, #tpu.memory_space<vmem>>) target(%dma_start3A_323 : memref<10240x128xf32, #tpu.memory_space<vmem_shared>>) offsets(%dma_start3A_320 : memref<128xi32, #tpu.memory_space<vmem>>) semaphore(%arg19 : memref<!tpu.dma_semaphore, #tpu.memory_space<semaphore_mem>>) {add = true}
      %run_scoped3A_324 = arith.constant 0 : i32
      "tpu.region"() ({
        %run_scoped3A_461 = tpu.sem_alloc : memref<!tpu.dma_semaphore, #tpu.memory_space<semaphore_mem>>
        %dma_start3A_462 = arith.constant 0 : i32
        %dma_start3A_463 = tpu.memref_slice %arg7[%run_scoped3A_324, %dma_start3A_462] : memref<2x128xi32, #tpu.memory_space<vmem>> -> memref<1x128xi32, #tpu.memory_space<vmem>>
        %dma_start3A_464 = tpu.memref_squeeze %dma_start3A_463 : memref<1x128xi32, #tpu.memory_space<vmem>> -> memref<128xi32, #tpu.memory_space<vmem>>
        %dma_start3A_465 = arith.constant 0 : i32
        %dma_start3A_466 = arith.constant 0 : i32
        %dma_start3A_467 = tpu.memref_slice %arg21[%dma_start3A_465, %dma_start3A_466] : memref<10240x16xf32, #tpu.memory_space<vmem_shared>> -> memref<10240x16xf32, #tpu.memory_space<vmem_shared>>
        tpu.enqueue_indirect_dma source(%arg20 : memref<128x16xf32, #tpu.memory_space<vmem>>) target(%dma_start3A_467 : memref<10240x16xf32, #tpu.memory_space<vmem_shared>>) offsets(%dma_start3A_464 : memref<128xi32, #tpu.memory_space<vmem>>) semaphore(%run_scoped3A_461 : memref<!tpu.dma_semaphore, #tpu.memory_space<semaphore_mem>>) {add = true}
        %dma_wait3A_468 = arith.constant 0 : i32
        %dma_wait3A_469 = tpu.memref_slice %arg7[%run_scoped3A_324, %dma_wait3A_468] : memref<2x128xi32, #tpu.memory_space<vmem>> -> memref<1x128xi32, #tpu.memory_space<vmem>>
        %dma_wait3A_470 = tpu.memref_squeeze %dma_wait3A_469 : memref<1x128xi32, #tpu.memory_space<vmem>> -> memref<128xi32, #tpu.memory_space<vmem>>
        %dma_wait3A_471 = arith.constant 0 : i32
        %dma_wait3A_472 = arith.constant 0 : i32
        %dma_wait3A_473 = tpu.memref_slice %arg21[%dma_wait3A_471, %dma_wait3A_472] : memref<10240x16xf32, #tpu.memory_space<vmem_shared>> -> memref<10240x16xf32, #tpu.memory_space<vmem_shared>>
        tpu.wait_indirect_dma semaphore(%run_scoped3A_461 : memref<!tpu.dma_semaphore, #tpu.memory_space<semaphore_mem>>) src(%arg20 : memref<128x16xf32, #tpu.memory_space<vmem>>) dst(%dma_wait3A_473 : memref<10240x16xf32, #tpu.memory_space<vmem_shared>>)
        tpu.yield
      }) : () -> ()
      %dma_wait3A_325 = arith.constant 0 : i32
      %dma_wait3A_326 = arith.constant 0 : i32
      %dma_wait3A_327 = tpu.memref_slice %arg7[%dma_wait3A_325, %dma_wait3A_326] : memref<2x128xi32, #tpu.memory_space<vmem>> -> memref<1x128xi32, #tpu.memory_space<vmem>>
      %dma_wait3A_328 = tpu.memref_squeeze %dma_wait3A_327 : memref<1x128xi32, #tpu.memory_space<vmem>> -> memref<128xi32, #tpu.memory_space<vmem>>
      %dma_wait3A_329 = arith.constant 0 : i32
      %dma_wait3A_330 = arith.constant 0 : i32
      %dma_wait3A_331 = tpu.memref_slice %arg12[%dma_wait3A_329, %dma_wait3A_330] : memref<10240x128xf32, #tpu.memory_space<vmem_shared>> -> memref<10240x128xf32, #tpu.memory_space<vmem_shared>>
      tpu.wait_indirect_dma semaphore(%arg19 : memref<!tpu.dma_semaphore, #tpu.memory_space<semaphore_mem>>) src(%arg9 : memref<128x128xf32, #tpu.memory_space<vmem>>) dst(%dma_wait3A_331 : memref<10240x128xf32, #tpu.memory_space<vmem_shared>>)
      %add3A_332 = arith.constant 2 : i32
      %add3A_333 = arith.addi %add3A_278, %add3A_332 : i32
      %mul3A_334 = arith.constant 128 : i32
      %mul3A_335 = arith.muli %add3A_333, %mul3A_334 : i32
      %add3A_336 = arith.addi %mul3A_2, %mul3A_335 : i32
      %dma_start3A_337 = arith.constant 1 : i32
      %dma_start3A_338 = arith.constant 0 : i32
      %dma_start3A_339 = arith.constant 0 : i32
      %dma_start3A_340 = tpu.memref_slice %arg7[%dma_start3A_338, %dma_start3A_339] : memref<2x128xi32, #tpu.memory_space<vmem>> -> memref<1x128xi32, #tpu.memory_space<vmem>>
      %dma_start3A_341 = tpu.memref_squeeze %dma_start3A_340 : memref<1x128xi32, #tpu.memory_space<vmem>> -> memref<128xi32, #tpu.memory_space<vmem>>
      %dma_start3A_342 = tpu.memref_slice %arg3[%dma_start3A_337, %add3A_336] : memref<2x320000xi32, #tpu.memory_space<hbm>> -> memref<1x128xi32, #tpu.memory_space<hbm>>
      %dma_start3A_343 = tpu.memref_squeeze %dma_start3A_342 : memref<1x128xi32, #tpu.memory_space<hbm>> -> memref<128xi32, #tpu.memory_space<hbm>>
      %dma_start3A_344 = arith.constant 0 : i32
      %dma_start3A_345 = tpu.memref_slice %arg7[%dma_start3A_338, %dma_start3A_344] : memref<2x128xi32, #tpu.memory_space<vmem>> -> memref<1x128xi32, #tpu.memory_space<vmem>>
      %dma_start3A_346 = tpu.memref_squeeze %dma_start3A_345 : memref<1x128xi32, #tpu.memory_space<vmem>> -> memref<128xi32, #tpu.memory_space<vmem>>
      %dma_start3A_347 = tpu.memref_slice %arg3[%dma_start3A_337, %add3A_336] : memref<2x320000xi32, #tpu.memory_space<hbm>> -> memref<1x128xi32, #tpu.memory_space<hbm>>
      %dma_start3A_348 = tpu.memref_squeeze %dma_start3A_347 : memref<1x128xi32, #tpu.memory_space<hbm>> -> memref<128xi32, #tpu.memory_space<hbm>>
      tpu.enqueue_dma source(%dma_start3A_348 : memref<128xi32, #tpu.memory_space<hbm>>) target(%dma_start3A_346 : memref<128xi32, #tpu.memory_space<vmem>>) target_semaphore(%arg17 : memref<!tpu.dma_semaphore, #tpu.memory_space<semaphore_mem>>)
      %dma_wait3A_349 = arith.constant 0 : i32
      %dma_wait3A_350 = arith.constant 0 : i32
      %dma_wait3A_351 = arith.constant 0 : i32
      %dma_wait3A_352 = tpu.memref_slice %arg6[%dma_wait3A_350, %dma_wait3A_351] : memref<2x128xi32, #tpu.memory_space<vmem>> -> memref<1x128xi32, #tpu.memory_space<vmem>>
      %dma_wait3A_353 = tpu.memref_squeeze %dma_wait3A_352 : memref<1x128xi32, #tpu.memory_space<vmem>> -> memref<128xi32, #tpu.memory_space<vmem>>
      %dma_wait3A_354 = arith.constant 0 : i32
      %dma_wait3A_355 = tpu.memref_slice %arg3[%dma_wait3A_349, %dma_wait3A_354] : memref<2x320000xi32, #tpu.memory_space<hbm>> -> memref<1x128xi32, #tpu.memory_space<hbm>>
      %dma_wait3A_356 = tpu.memref_squeeze %dma_wait3A_355 : memref<1x128xi32, #tpu.memory_space<hbm>> -> memref<128xi32, #tpu.memory_space<hbm>>
      %dma_wait3A_357 = arith.constant 0 : i32
      %dma_wait3A_358 = tpu.memref_slice %arg6[%dma_wait3A_350, %dma_wait3A_357] : memref<2x128xi32, #tpu.memory_space<vmem>> -> memref<1x128xi32, #tpu.memory_space<vmem>>
      %dma_wait3A_359 = tpu.memref_squeeze %dma_wait3A_358 : memref<1x128xi32, #tpu.memory_space<vmem>> -> memref<128xi32, #tpu.memory_space<vmem>>
      %dma_wait3A_360 = arith.constant 0 : i32
      %dma_wait3A_361 = tpu.memref_slice %arg3[%dma_wait3A_349, %dma_wait3A_360] : memref<2x320000xi32, #tpu.memory_space<hbm>> -> memref<1x128xi32, #tpu.memory_space<hbm>>
      %dma_wait3A_362 = tpu.memref_squeeze %dma_wait3A_361 : memref<1x128xi32, #tpu.memory_space<hbm>> -> memref<128xi32, #tpu.memory_space<hbm>>
      tpu.wait_dma2 semaphore(%arg15 : memref<!tpu.dma_semaphore, #tpu.memory_space<semaphore_mem>>) src(%dma_wait3A_362 : memref<128xi32, #tpu.memory_space<hbm>>) dst(%dma_wait3A_359 : memref<128xi32, #tpu.memory_space<vmem>>)
      %dma_start3A_363 = arith.constant 0 : i32
      %dma_start3A_364 = arith.constant 0 : i32
      %dma_start3A_365 = tpu.memref_slice %arg6[%dma_start3A_363, %dma_start3A_364] : memref<2x128xi32, #tpu.memory_space<vmem>> -> memref<1x128xi32, #tpu.memory_space<vmem>>
      %dma_start3A_366 = tpu.memref_squeeze %dma_start3A_365 : memref<1x128xi32, #tpu.memory_space<vmem>> -> memref<128xi32, #tpu.memory_space<vmem>>
      %dma_start3A_367 = arith.constant 0 : i32
      %dma_start3A_368 = arith.constant 0 : i32
      %dma_start3A_369 = tpu.memref_slice %arg2[%dma_start3A_367, %dma_start3A_368] : memref<10000x128xf32, #tpu.memory_space<hbm>> -> memref<10000x128xf32, #tpu.memory_space<hbm>>
      tpu.enqueue_indirect_dma source(%dma_start3A_369 : memref<10000x128xf32, #tpu.memory_space<hbm>>) target(%arg9 : memref<128x128xf32, #tpu.memory_space<vmem>>) offsets(%dma_start3A_366 : memref<128xi32, #tpu.memory_space<vmem>>) semaphore(%arg13 : memref<!tpu.dma_semaphore, #tpu.memory_space<semaphore_mem>>)
      %dma_wait3A_370 = arith.constant 1 : i32
      %dma_wait3A_371 = arith.constant 0 : i32
      %dma_wait3A_372 = tpu.memref_slice %arg6[%dma_wait3A_370, %dma_wait3A_371] : memref<2x128xi32, #tpu.memory_space<vmem>> -> memref<1x128xi32, #tpu.memory_space<vmem>>
      %dma_wait3A_373 = tpu.memref_squeeze %dma_wait3A_372 : memref<1x128xi32, #tpu.memory_space<vmem>> -> memref<128xi32, #tpu.memory_space<vmem>>
      %dma_wait3A_374 = arith.constant 0 : i32
      %dma_wait3A_375 = arith.constant 0 : i32
      %dma_wait3A_376 = tpu.memref_slice %arg2[%dma_wait3A_374, %dma_wait3A_375] : memref<10000x128xf32, #tpu.memory_space<hbm>> -> memref<10000x128xf32, #tpu.memory_space<hbm>>
      tpu.wait_indirect_dma semaphore(%arg14 : memref<!tpu.dma_semaphore, #tpu.memory_space<semaphore_mem>>) src(%dma_wait3A_376 : memref<10000x128xf32, #tpu.memory_space<hbm>>) dst(%arg10 : memref<128x128xf32, #tpu.memory_space<vmem>>)
      %add3A_377 = arith.constant 3 : i32
      %add3A_378 = arith.addi %add3A_278, %add3A_377 : i32
      %mul3A_379 = arith.constant 128 : i32
      %mul3A_380 = arith.muli %add3A_378, %mul3A_379 : i32
      %add3A_381 = arith.addi %mul3A_2, %mul3A_380 : i32
      %dma_start3A_382 = arith.constant 0 : i32
      %dma_start3A_383 = arith.constant 1 : i32
      %dma_start3A_384 = arith.constant 0 : i32
      %dma_start3A_385 = tpu.memref_slice %arg6[%dma_start3A_383, %dma_start3A_384] : memref<2x128xi32, #tpu.memory_space<vmem>> -> memref<1x128xi32, #tpu.memory_space<vmem>>
      %dma_start3A_386 = tpu.memref_squeeze %dma_start3A_385 : memref<1x128xi32, #tpu.memory_space<vmem>> -> memref<128xi32, #tpu.memory_space<vmem>>
      %dma_start3A_387 = tpu.memref_slice %arg3[%dma_start3A_382, %add3A_381] : memref<2x320000xi32, #tpu.memory_space<hbm>> -> memref<1x128xi32, #tpu.memory_space<hbm>>
      %dma_start3A_388 = tpu.memref_squeeze %dma_start3A_387 : memref<1x128xi32, #tpu.memory_space<hbm>> -> memref<128xi32, #tpu.memory_space<hbm>>
      %dma_start3A_389 = arith.constant 0 : i32
      %dma_start3A_390 = tpu.memref_slice %arg6[%dma_start3A_383, %dma_start3A_389] : memref<2x128xi32, #tpu.memory_space<vmem>> -> memref<1x128xi32, #tpu.memory_space<vmem>>
      %dma_start3A_391 = tpu.memref_squeeze %dma_start3A_390 : memref<1x128xi32, #tpu.memory_space<vmem>> -> memref<128xi32, #tpu.memory_space<vmem>>
      %dma_start3A_392 = tpu.memref_slice %arg3[%dma_start3A_382, %add3A_381] : memref<2x320000xi32, #tpu.memory_space<hbm>> -> memref<1x128xi32, #tpu.memory_space<hbm>>
      %dma_start3A_393 = tpu.memref_squeeze %dma_start3A_392 : memref<1x128xi32, #tpu.memory_space<hbm>> -> memref<128xi32, #tpu.memory_space<hbm>>
      tpu.enqueue_dma source(%dma_start3A_393 : memref<128xi32, #tpu.memory_space<hbm>>) target(%dma_start3A_391 : memref<128xi32, #tpu.memory_space<vmem>>) target_semaphore(%arg16 : memref<!tpu.dma_semaphore, #tpu.memory_space<semaphore_mem>>)
      %dma_wait3A_394 = arith.constant 0 : i32
      %dma_wait3A_395 = arith.constant 1 : i32
      %dma_wait3A_396 = arith.constant 0 : i32
      %dma_wait3A_397 = tpu.memref_slice %arg7[%dma_wait3A_395, %dma_wait3A_396] : memref<2x128xi32, #tpu.memory_space<vmem>> -> memref<1x128xi32, #tpu.memory_space<vmem>>
      %dma_wait3A_398 = tpu.memref_squeeze %dma_wait3A_397 : memref<1x128xi32, #tpu.memory_space<vmem>> -> memref<128xi32, #tpu.memory_space<vmem>>
      %dma_wait3A_399 = arith.constant 0 : i32
      %dma_wait3A_400 = tpu.memref_slice %arg3[%dma_wait3A_394, %dma_wait3A_399] : memref<2x320000xi32, #tpu.memory_space<hbm>> -> memref<1x128xi32, #tpu.memory_space<hbm>>
      %dma_wait3A_401 = tpu.memref_squeeze %dma_wait3A_400 : memref<1x128xi32, #tpu.memory_space<hbm>> -> memref<128xi32, #tpu.memory_space<hbm>>
      %dma_wait3A_402 = arith.constant 0 : i32
      %dma_wait3A_403 = tpu.memref_slice %arg7[%dma_wait3A_395, %dma_wait3A_402] : memref<2x128xi32, #tpu.memory_space<vmem>> -> memref<1x128xi32, #tpu.memory_space<vmem>>
      %dma_wait3A_404 = tpu.memref_squeeze %dma_wait3A_403 : memref<1x128xi32, #tpu.memory_space<vmem>> -> memref<128xi32, #tpu.memory_space<vmem>>
      %dma_wait3A_405 = arith.constant 0 : i32
      %dma_wait3A_406 = tpu.memref_slice %arg3[%dma_wait3A_394, %dma_wait3A_405] : memref<2x320000xi32, #tpu.memory_space<hbm>> -> memref<1x128xi32, #tpu.memory_space<hbm>>
      %dma_wait3A_407 = tpu.memref_squeeze %dma_wait3A_406 : memref<1x128xi32, #tpu.memory_space<hbm>> -> memref<128xi32, #tpu.memory_space<hbm>>
      tpu.wait_dma2 semaphore(%arg18 : memref<!tpu.dma_semaphore, #tpu.memory_space<semaphore_mem>>) src(%dma_wait3A_407 : memref<128xi32, #tpu.memory_space<hbm>>) dst(%dma_wait3A_404 : memref<128xi32, #tpu.memory_space<vmem>>)
      %dma_start3A_408 = arith.constant 1 : i32
      %dma_start3A_409 = arith.constant 0 : i32
      %dma_start3A_410 = tpu.memref_slice %arg7[%dma_start3A_408, %dma_start3A_409] : memref<2x128xi32, #tpu.memory_space<vmem>> -> memref<1x128xi32, #tpu.memory_space<vmem>>
      %dma_start3A_411 = tpu.memref_squeeze %dma_start3A_410 : memref<1x128xi32, #tpu.memory_space<vmem>> -> memref<128xi32, #tpu.memory_space<vmem>>
      %dma_start3A_412 = arith.constant 0 : i32
      %dma_start3A_413 = arith.constant 0 : i32
      %dma_start3A_414 = tpu.memref_slice %arg12[%dma_start3A_412, %dma_start3A_413] : memref<10240x128xf32, #tpu.memory_space<vmem_shared>> -> memref<10240x128xf32, #tpu.memory_space<vmem_shared>>
      tpu.enqueue_indirect_dma source(%arg10 : memref<128x128xf32, #tpu.memory_space<vmem>>) target(%dma_start3A_414 : memref<10240x128xf32, #tpu.memory_space<vmem_shared>>) offsets(%dma_start3A_411 : memref<128xi32, #tpu.memory_space<vmem>>) semaphore(%arg19 : memref<!tpu.dma_semaphore, #tpu.memory_space<semaphore_mem>>) {add = true}
      %run_scoped3A_415 = arith.constant 1 : i32
      "tpu.region"() ({
        %run_scoped3A_461 = tpu.sem_alloc : memref<!tpu.dma_semaphore, #tpu.memory_space<semaphore_mem>>
        %dma_start3A_462 = arith.constant 0 : i32
        %dma_start3A_463 = tpu.memref_slice %arg7[%run_scoped3A_415, %dma_start3A_462] : memref<2x128xi32, #tpu.memory_space<vmem>> -> memref<1x128xi32, #tpu.memory_space<vmem>>
        %dma_start3A_464 = tpu.memref_squeeze %dma_start3A_463 : memref<1x128xi32, #tpu.memory_space<vmem>> -> memref<128xi32, #tpu.memory_space<vmem>>
        %dma_start3A_465 = arith.constant 0 : i32
        %dma_start3A_466 = arith.constant 0 : i32
        %dma_start3A_467 = tpu.memref_slice %arg21[%dma_start3A_465, %dma_start3A_466] : memref<10240x16xf32, #tpu.memory_space<vmem_shared>> -> memref<10240x16xf32, #tpu.memory_space<vmem_shared>>
        tpu.enqueue_indirect_dma source(%arg20 : memref<128x16xf32, #tpu.memory_space<vmem>>) target(%dma_start3A_467 : memref<10240x16xf32, #tpu.memory_space<vmem_shared>>) offsets(%dma_start3A_464 : memref<128xi32, #tpu.memory_space<vmem>>) semaphore(%run_scoped3A_461 : memref<!tpu.dma_semaphore, #tpu.memory_space<semaphore_mem>>) {add = true}
        %dma_wait3A_468 = arith.constant 0 : i32
        %dma_wait3A_469 = tpu.memref_slice %arg7[%run_scoped3A_415, %dma_wait3A_468] : memref<2x128xi32, #tpu.memory_space<vmem>> -> memref<1x128xi32, #tpu.memory_space<vmem>>
        %dma_wait3A_470 = tpu.memref_squeeze %dma_wait3A_469 : memref<1x128xi32, #tpu.memory_space<vmem>> -> memref<128xi32, #tpu.memory_space<vmem>>
        %dma_wait3A_471 = arith.constant 0 : i32
        %dma_wait3A_472 = arith.constant 0 : i32
        %dma_wait3A_473 = tpu.memref_slice %arg21[%dma_wait3A_471, %dma_wait3A_472] : memref<10240x16xf32, #tpu.memory_space<vmem_shared>> -> memref<10240x16xf32, #tpu.memory_space<vmem_shared>>
        tpu.wait_indirect_dma semaphore(%run_scoped3A_461 : memref<!tpu.dma_semaphore, #tpu.memory_space<semaphore_mem>>) src(%arg20 : memref<128x16xf32, #tpu.memory_space<vmem>>) dst(%dma_wait3A_473 : memref<10240x16xf32, #tpu.memory_space<vmem_shared>>)
        tpu.yield
      }) : () -> ()
      %dma_wait3A_416 = arith.constant 1 : i32
      %dma_wait3A_417 = arith.constant 0 : i32
      %dma_wait3A_418 = tpu.memref_slice %arg7[%dma_wait3A_416, %dma_wait3A_417] : memref<2x128xi32, #tpu.memory_space<vmem>> -> memref<1x128xi32, #tpu.memory_space<vmem>>
      %dma_wait3A_419 = tpu.memref_squeeze %dma_wait3A_418 : memref<1x128xi32, #tpu.memory_space<vmem>> -> memref<128xi32, #tpu.memory_space<vmem>>
      %dma_wait3A_420 = arith.constant 0 : i32
      %dma_wait3A_421 = arith.constant 0 : i32
      %dma_wait3A_422 = tpu.memref_slice %arg12[%dma_wait3A_420, %dma_wait3A_421] : memref<10240x128xf32, #tpu.memory_space<vmem_shared>> -> memref<10240x128xf32, #tpu.memory_space<vmem_shared>>
      tpu.wait_indirect_dma semaphore(%arg19 : memref<!tpu.dma_semaphore, #tpu.memory_space<semaphore_mem>>) src(%arg10 : memref<128x128xf32, #tpu.memory_space<vmem>>) dst(%dma_wait3A_422 : memref<10240x128xf32, #tpu.memory_space<vmem_shared>>)
      %add3A_423 = arith.constant 3 : i32
      %add3A_424 = arith.addi %add3A_278, %add3A_423 : i32
      %mul3A_425 = arith.constant 128 : i32
      %mul3A_426 = arith.muli %add3A_424, %mul3A_425 : i32
      %add3A_427 = arith.addi %mul3A_2, %mul3A_426 : i32
      %dma_start3A_428 = arith.constant 1 : i32
      %dma_start3A_429 = arith.constant 1 : i32
      %dma_start3A_430 = arith.constant 0 : i32
      %dma_start3A_431 = tpu.memref_slice %arg7[%dma_start3A_429, %dma_start3A_430] : memref<2x128xi32, #tpu.memory_space<vmem>> -> memref<1x128xi32, #tpu.memory_space<vmem>>
      %dma_start3A_432 = tpu.memref_squeeze %dma_start3A_431 : memref<1x128xi32, #tpu.memory_space<vmem>> -> memref<128xi32, #tpu.memory_space<vmem>>
      %dma_start3A_433 = tpu.memref_slice %arg3[%dma_start3A_428, %add3A_427] : memref<2x320000xi32, #tpu.memory_space<hbm>> -> memref<1x128xi32, #tpu.memory_space<hbm>>
      %dma_start3A_434 = tpu.memref_squeeze %dma_start3A_433 : memref<1x128xi32, #tpu.memory_space<hbm>> -> memref<128xi32, #tpu.memory_space<hbm>>
      %dma_start3A_435 = arith.constant 0 : i32
      %dma_start3A_436 = tpu.memref_slice %arg7[%dma_start3A_429, %dma_start3A_435] : memref<2x128xi32, #tpu.memory_space<vmem>> -> memref<1x128xi32, #tpu.memory_space<vmem>>
      %dma_start3A_437 = tpu.memref_squeeze %dma_start3A_436 : memref<1x128xi32, #tpu.memory_space<vmem>> -> memref<128xi32, #tpu.memory_space<vmem>>
      %dma_start3A_438 = tpu.memref_slice %arg3[%dma_start3A_428, %add3A_427] : memref<2x320000xi32, #tpu.memory_space<hbm>> -> memref<1x128xi32, #tpu.memory_space<hbm>>
      %dma_start3A_439 = tpu.memref_squeeze %dma_start3A_438 : memref<1x128xi32, #tpu.memory_space<hbm>> -> memref<128xi32, #tpu.memory_space<hbm>>
      tpu.enqueue_dma source(%dma_start3A_439 : memref<128xi32, #tpu.memory_space<hbm>>) target(%dma_start3A_437 : memref<128xi32, #tpu.memory_space<vmem>>) target_semaphore(%arg18 : memref<!tpu.dma_semaphore, #tpu.memory_space<semaphore_mem>>)
      %dma_wait3A_440 = arith.constant 0 : i32
      %dma_wait3A_441 = arith.constant 1 : i32
      %dma_wait3A_442 = arith.constant 0 : i32
      %dma_wait3A_443 = tpu.memref_slice %arg6[%dma_wait3A_441, %dma_wait3A_442] : memref<2x128xi32, #tpu.memory_space<vmem>> -> memref<1x128xi32, #tpu.memory_space<vmem>>
      %dma_wait3A_444 = tpu.memref_squeeze %dma_wait3A_443 : memref<1x128xi32, #tpu.memory_space<vmem>> -> memref<128xi32, #tpu.memory_space<vmem>>
      %dma_wait3A_445 = arith.constant 0 : i32
      %dma_wait3A_446 = tpu.memref_slice %arg3[%dma_wait3A_440, %dma_wait3A_445] : memref<2x320000xi32, #tpu.memory_space<hbm>> -> memref<1x128xi32, #tpu.memory_space<hbm>>
      %dma_wait3A_447 = tpu.memref_squeeze %dma_wait3A_446 : memref<1x128xi32, #tpu.memory_space<hbm>> -> memref<128xi32, #tpu.memory_space<hbm>>
      %dma_wait3A_448 = arith.constant 0 : i32
      %dma_wait3A_449 = tpu.memref_slice %arg6[%dma_wait3A_441, %dma_wait3A_448] : memref<2x128xi32, #tpu.memory_space<vmem>> -> memref<1x128xi32, #tpu.memory_space<vmem>>
      %dma_wait3A_450 = tpu.memref_squeeze %dma_wait3A_449 : memref<1x128xi32, #tpu.memory_space<vmem>> -> memref<128xi32, #tpu.memory_space<vmem>>
      %dma_wait3A_451 = arith.constant 0 : i32
      %dma_wait3A_452 = tpu.memref_slice %arg3[%dma_wait3A_440, %dma_wait3A_451] : memref<2x320000xi32, #tpu.memory_space<hbm>> -> memref<1x128xi32, #tpu.memory_space<hbm>>
      %dma_wait3A_453 = tpu.memref_squeeze %dma_wait3A_452 : memref<1x128xi32, #tpu.memory_space<hbm>> -> memref<128xi32, #tpu.memory_space<hbm>>
      tpu.wait_dma2 semaphore(%arg16 : memref<!tpu.dma_semaphore, #tpu.memory_space<semaphore_mem>>) src(%dma_wait3A_453 : memref<128xi32, #tpu.memory_space<hbm>>) dst(%dma_wait3A_450 : memref<128xi32, #tpu.memory_space<vmem>>)
      %dma_start3A_454 = arith.constant 1 : i32
      %dma_start3A_455 = arith.constant 0 : i32
      %dma_start3A_456 = tpu.memref_slice %arg6[%dma_start3A_454, %dma_start3A_455] : memref<2x128xi32, #tpu.memory_space<vmem>> -> memref<1x128xi32, #tpu.memory_space<vmem>>
      %dma_start3A_457 = tpu.memref_squeeze %dma_start3A_456 : memref<1x128xi32, #tpu.memory_space<vmem>> -> memref<128xi32, #tpu.memory_space<vmem>>
      %dma_start3A_458 = arith.constant 0 : i32
      %dma_start3A_459 = arith.constant 0 : i32
      %dma_start3A_460 = tpu.memref_slice %arg2[%dma_start3A_458, %dma_start3A_459] : memref<10000x128xf32, #tpu.memory_space<hbm>> -> memref<10000x128xf32, #tpu.memory_space<hbm>>
      tpu.enqueue_indirect_dma source(%dma_start3A_460 : memref<10000x128xf32, #tpu.memory_space<hbm>>) target(%arg10 : memref<128x128xf32, #tpu.memory_space<vmem>>) offsets(%dma_start3A_457 : memref<128xi32, #tpu.memory_space<vmem>>) semaphore(%arg14 : memref<!tpu.dma_semaphore, #tpu.memory_space<semaphore_mem>>)
    }
    %scan3A_142 = arith.constant 38 : i32
    %dma_wait3A_143 = arith.constant 0 : i32
    %dma_wait3A_144 = arith.constant 0 : i32
    %dma_wait3A_145 = tpu.memref_slice %arg6[%dma_wait3A_143, %dma_wait3A_144] : memref<2x128xi32, #tpu.memory_space<vmem>> -> memref<1x128xi32, #tpu.memory_space<vmem>>
    %dma_wait3A_146 = tpu.memref_squeeze %dma_wait3A_145 : memref<1x128xi32, #tpu.memory_space<vmem>> -> memref<128xi32, #tpu.memory_space<vmem>>
    %dma_wait3A_147 = arith.constant 0 : i32
    %dma_wait3A_148 = arith.constant 0 : i32
    %dma_wait3A_149 = tpu.memref_slice %arg2[%dma_wait3A_147, %dma_wait3A_148] : memref<10000x128xf32, #tpu.memory_space<hbm>> -> memref<10000x128xf32, #tpu.memory_space<hbm>>
    tpu.wait_indirect_dma semaphore(%arg13 : memref<!tpu.dma_semaphore, #tpu.memory_space<semaphore_mem>>) src(%dma_wait3A_149 : memref<10000x128xf32, #tpu.memory_space<hbm>>) dst(%arg9 : memref<128x128xf32, #tpu.memory_space<vmem>>)
    %dma_wait3A_150 = arith.constant 0 : i32
    %dma_wait3A_151 = arith.constant 0 : i32
    %dma_wait3A_152 = arith.constant 0 : i32
    %dma_wait3A_153 = tpu.memref_slice %arg7[%dma_wait3A_151, %dma_wait3A_152] : memref<2x128xi32, #tpu.memory_space<vmem>> -> memref<1x128xi32, #tpu.memory_space<vmem>>
    %dma_wait3A_154 = tpu.memref_squeeze %dma_wait3A_153 : memref<1x128xi32, #tpu.memory_space<vmem>> -> memref<128xi32, #tpu.memory_space<vmem>>
    %dma_wait3A_155 = arith.constant 0 : i32
    %dma_wait3A_156 = tpu.memref_slice %arg3[%dma_wait3A_150, %dma_wait3A_155] : memref<2x320000xi32, #tpu.memory_space<hbm>> -> memref<1x128xi32, #tpu.memory_space<hbm>>
    %dma_wait3A_157 = tpu.memref_squeeze %dma_wait3A_156 : memref<1x128xi32, #tpu.memory_space<hbm>> -> memref<128xi32, #tpu.memory_space<hbm>>
    %dma_wait3A_158 = arith.constant 0 : i32
    %dma_wait3A_159 = tpu.memref_slice %arg7[%dma_wait3A_151, %dma_wait3A_158] : memref<2x128xi32, #tpu.memory_space<vmem>> -> memref<1x128xi32, #tpu.memory_space<vmem>>
    %dma_wait3A_160 = tpu.memref_squeeze %dma_wait3A_159 : memref<1x128xi32, #tpu.memory_space<vmem>> -> memref<128xi32, #tpu.memory_space<vmem>>
    %dma_wait3A_161 = arith.constant 0 : i32
    %dma_wait3A_162 = tpu.memref_slice %arg3[%dma_wait3A_150, %dma_wait3A_161] : memref<2x320000xi32, #tpu.memory_space<hbm>> -> memref<1x128xi32, #tpu.memory_space<hbm>>
    %dma_wait3A_163 = tpu.memref_squeeze %dma_wait3A_162 : memref<1x128xi32, #tpu.memory_space<hbm>> -> memref<128xi32, #tpu.memory_space<hbm>>
    tpu.wait_dma2 semaphore(%arg17 : memref<!tpu.dma_semaphore, #tpu.memory_space<semaphore_mem>>) src(%dma_wait3A_163 : memref<128xi32, #tpu.memory_space<hbm>>) dst(%dma_wait3A_160 : memref<128xi32, #tpu.memory_space<vmem>>)
    %dma_start3A_164 = arith.constant 0 : i32
    %dma_start3A_165 = arith.constant 0 : i32
    %dma_start3A_166 = tpu.memref_slice %arg7[%dma_start3A_164, %dma_start3A_165] : memref<2x128xi32, #tpu.memory_space<vmem>> -> memref<1x128xi32, #tpu.memory_space<vmem>>
    %dma_start3A_167 = tpu.memref_squeeze %dma_start3A_166 : memref<1x128xi32, #tpu.memory_space<vmem>> -> memref<128xi32, #tpu.memory_space<vmem>>
    %dma_start3A_168 = arith.constant 0 : i32
    %dma_start3A_169 = arith.constant 0 : i32
    %dma_start3A_170 = tpu.memref_slice %arg12[%dma_start3A_168, %dma_start3A_169] : memref<10240x128xf32, #tpu.memory_space<vmem_shared>> -> memref<10240x128xf32, #tpu.memory_space<vmem_shared>>
    tpu.enqueue_indirect_dma source(%arg9 : memref<128x128xf32, #tpu.memory_space<vmem>>) target(%dma_start3A_170 : memref<10240x128xf32, #tpu.memory_space<vmem_shared>>) offsets(%dma_start3A_167 : memref<128xi32, #tpu.memory_space<vmem>>) semaphore(%arg19 : memref<!tpu.dma_semaphore, #tpu.memory_space<semaphore_mem>>) {add = true}
    %run_scoped3A = arith.constant 0 : i32
    "tpu.region"() ({
      %run_scoped3A_274 = tpu.sem_alloc : memref<!tpu.dma_semaphore, #tpu.memory_space<semaphore_mem>>
      %dma_start3A_275 = arith.constant 0 : i32
      %dma_start3A_276 = tpu.memref_slice %arg7[%run_scoped3A, %dma_start3A_275] : memref<2x128xi32, #tpu.memory_space<vmem>> -> memref<1x128xi32, #tpu.memory_space<vmem>>
      %dma_start3A_277 = tpu.memref_squeeze %dma_start3A_276 : memref<1x128xi32, #tpu.memory_space<vmem>> -> memref<128xi32, #tpu.memory_space<vmem>>
      %dma_start3A_278 = arith.constant 0 : i32
      %dma_start3A_279 = arith.constant 0 : i32
      %dma_start3A_280 = tpu.memref_slice %arg21[%dma_start3A_278, %dma_start3A_279] : memref<10240x16xf32, #tpu.memory_space<vmem_shared>> -> memref<10240x16xf32, #tpu.memory_space<vmem_shared>>
      tpu.enqueue_indirect_dma source(%arg20 : memref<128x16xf32, #tpu.memory_space<vmem>>) target(%dma_start3A_280 : memref<10240x16xf32, #tpu.memory_space<vmem_shared>>) offsets(%dma_start3A_277 : memref<128xi32, #tpu.memory_space<vmem>>) semaphore(%run_scoped3A_274 : memref<!tpu.dma_semaphore, #tpu.memory_space<semaphore_mem>>) {add = true}
      %dma_wait3A_281 = arith.constant 0 : i32
      %dma_wait3A_282 = tpu.memref_slice %arg7[%run_scoped3A, %dma_wait3A_281] : memref<2x128xi32, #tpu.memory_space<vmem>> -> memref<1x128xi32, #tpu.memory_space<vmem>>
      %dma_wait3A_283 = tpu.memref_squeeze %dma_wait3A_282 : memref<1x128xi32, #tpu.memory_space<vmem>> -> memref<128xi32, #tpu.memory_space<vmem>>
      %dma_wait3A_284 = arith.constant 0 : i32
      %dma_wait3A_285 = arith.constant 0 : i32
      %dma_wait3A_286 = tpu.memref_slice %arg21[%dma_wait3A_284, %dma_wait3A_285] : memref<10240x16xf32, #tpu.memory_space<vmem_shared>> -> memref<10240x16xf32, #tpu.memory_space<vmem_shared>>
      tpu.wait_indirect_dma semaphore(%run_scoped3A_274 : memref<!tpu.dma_semaphore, #tpu.memory_space<semaphore_mem>>) src(%arg20 : memref<128x16xf32, #tpu.memory_space<vmem>>) dst(%dma_wait3A_286 : memref<10240x16xf32, #tpu.memory_space<vmem_shared>>)
      tpu.yield
    }) : () -> ()
    %dma_wait3A_171 = arith.constant 0 : i32
    %dma_wait3A_172 = arith.constant 0 : i32
    %dma_wait3A_173 = tpu.memref_slice %arg7[%dma_wait3A_171, %dma_wait3A_172] : memref<2x128xi32, #tpu.memory_space<vmem>> -> memref<1x128xi32, #tpu.memory_space<vmem>>
    %dma_wait3A_174 = tpu.memref_squeeze %dma_wait3A_173 : memref<1x128xi32, #tpu.memory_space<vmem>> -> memref<128xi32, #tpu.memory_space<vmem>>
    %dma_wait3A_175 = arith.constant 0 : i32
    %dma_wait3A_176 = arith.constant 0 : i32
    %dma_wait3A_177 = tpu.memref_slice %arg12[%dma_wait3A_175, %dma_wait3A_176] : memref<10240x128xf32, #tpu.memory_space<vmem_shared>> -> memref<10240x128xf32, #tpu.memory_space<vmem_shared>>
    tpu.wait_indirect_dma semaphore(%arg19 : memref<!tpu.dma_semaphore, #tpu.memory_space<semaphore_mem>>) src(%arg9 : memref<128x128xf32, #tpu.memory_space<vmem>>) dst(%dma_wait3A_177 : memref<10240x128xf32, #tpu.memory_space<vmem_shared>>)
    %add3A_178 = arith.constant 9984 : i32
    %add3A_179 = arith.addi %mul3A_2, %add3A_178 : i32
    %dma_start3A_180 = arith.constant 0 : i32
    %dma_start3A_181 = arith.constant 0 : i32
    %dma_start3A_182 = arith.constant 0 : i32
    %dma_start3A_183 = tpu.memref_slice %arg8[%dma_start3A_181, %dma_start3A_182] : memref<2x16xi32, #tpu.memory_space<vmem>> -> memref<1x16xi32, #tpu.memory_space<vmem>>
    %dma_start3A_184 = tpu.memref_squeeze %dma_start3A_183 : memref<1x16xi32, #tpu.memory_space<vmem>> -> memref<16xi32, #tpu.memory_space<vmem>>
    %dma_start3A_185 = tpu.memref_slice %arg3[%dma_start3A_180, %add3A_179] : memref<2x320000xi32, #tpu.memory_space<hbm>> -> memref<1x16xi32, #tpu.memory_space<hbm>>
    %dma_start3A_186 = tpu.memref_squeeze %dma_start3A_185 : memref<1x16xi32, #tpu.memory_space<hbm>> -> memref<16xi32, #tpu.memory_space<hbm>>
    %dma_start3A_187 = arith.constant 0 : i32
    %dma_start3A_188 = tpu.memref_slice %arg8[%dma_start3A_181, %dma_start3A_187] : memref<2x16xi32, #tpu.memory_space<vmem>> -> memref<1x16xi32, #tpu.memory_space<vmem>>
    %dma_start3A_189 = tpu.memref_squeeze %dma_start3A_188 : memref<1x16xi32, #tpu.memory_space<vmem>> -> memref<16xi32, #tpu.memory_space<vmem>>
    %dma_start3A_190 = tpu.memref_slice %arg3[%dma_start3A_180, %add3A_179] : memref<2x320000xi32, #tpu.memory_space<hbm>> -> memref<1x16xi32, #tpu.memory_space<hbm>>
    %dma_start3A_191 = tpu.memref_squeeze %dma_start3A_190 : memref<1x16xi32, #tpu.memory_space<hbm>> -> memref<16xi32, #tpu.memory_space<hbm>>
    tpu.enqueue_dma source(%dma_start3A_191 : memref<16xi32, #tpu.memory_space<hbm>>) target(%dma_start3A_189 : memref<16xi32, #tpu.memory_space<vmem>>) target_semaphore(%arg15 : memref<!tpu.dma_semaphore, #tpu.memory_space<semaphore_mem>>)
    %add3A_192 = arith.constant 9984 : i32
    %add3A_193 = arith.addi %mul3A_2, %add3A_192 : i32
    %dma_start3A_194 = arith.constant 1 : i32
    %dma_start3A_195 = arith.constant 1 : i32
    %dma_start3A_196 = arith.constant 0 : i32
    %dma_start3A_197 = tpu.memref_slice %arg8[%dma_start3A_195, %dma_start3A_196] : memref<2x16xi32, #tpu.memory_space<vmem>> -> memref<1x16xi32, #tpu.memory_space<vmem>>
    %dma_start3A_198 = tpu.memref_squeeze %dma_start3A_197 : memref<1x16xi32, #tpu.memory_space<vmem>> -> memref<16xi32, #tpu.memory_space<vmem>>
    %dma_start3A_199 = tpu.memref_slice %arg3[%dma_start3A_194, %add3A_193] : memref<2x320000xi32, #tpu.memory_space<hbm>> -> memref<1x16xi32, #tpu.memory_space<hbm>>
    %dma_start3A_200 = tpu.memref_squeeze %dma_start3A_199 : memref<1x16xi32, #tpu.memory_space<hbm>> -> memref<16xi32, #tpu.memory_space<hbm>>
    %dma_start3A_201 = arith.constant 0 : i32
    %dma_start3A_202 = tpu.memref_slice %arg8[%dma_start3A_195, %dma_start3A_201] : memref<2x16xi32, #tpu.memory_space<vmem>> -> memref<1x16xi32, #tpu.memory_space<vmem>>
    %dma_start3A_203 = tpu.memref_squeeze %dma_start3A_202 : memref<1x16xi32, #tpu.memory_space<vmem>> -> memref<16xi32, #tpu.memory_space<vmem>>
    %dma_start3A_204 = tpu.memref_slice %arg3[%dma_start3A_194, %add3A_193] : memref<2x320000xi32, #tpu.memory_space<hbm>> -> memref<1x16xi32, #tpu.memory_space<hbm>>
    %dma_start3A_205 = tpu.memref_squeeze %dma_start3A_204 : memref<1x16xi32, #tpu.memory_space<hbm>> -> memref<16xi32, #tpu.memory_space<hbm>>
    tpu.enqueue_dma source(%dma_start3A_205 : memref<16xi32, #tpu.memory_space<hbm>>) target(%dma_start3A_203 : memref<16xi32, #tpu.memory_space<vmem>>) target_semaphore(%arg17 : memref<!tpu.dma_semaphore, #tpu.memory_space<semaphore_mem>>)
    %dma_wait3A_206 = arith.constant 1 : i32
    %dma_wait3A_207 = arith.constant 0 : i32
    %dma_wait3A_208 = tpu.memref_slice %arg6[%dma_wait3A_206, %dma_wait3A_207] : memref<2x128xi32, #tpu.memory_space<vmem>> -> memref<1x128xi32, #tpu.memory_space<vmem>>
    %dma_wait3A_209 = tpu.memref_squeeze %dma_wait3A_208 : memref<1x128xi32, #tpu.memory_space<vmem>> -> memref<128xi32, #tpu.memory_space<vmem>>
    %dma_wait3A_210 = arith.constant 0 : i32
    %dma_wait3A_211 = arith.constant 0 : i32
    %dma_wait3A_212 = tpu.memref_slice %arg2[%dma_wait3A_210, %dma_wait3A_211] : memref<10000x128xf32, #tpu.memory_space<hbm>> -> memref<10000x128xf32, #tpu.memory_space<hbm>>
    tpu.wait_indirect_dma semaphore(%arg14 : memref<!tpu.dma_semaphore, #tpu.memory_space<semaphore_mem>>) src(%dma_wait3A_212 : memref<10000x128xf32, #tpu.memory_space<hbm>>) dst(%arg10 : memref<128x128xf32, #tpu.memory_space<vmem>>)
    %dma_wait3A_213 = arith.constant 0 : i32
    %dma_wait3A_214 = arith.constant 1 : i32
    %dma_wait3A_215 = arith.constant 0 : i32
    %dma_wait3A_216 = tpu.memref_slice %arg7[%dma_wait3A_214, %dma_wait3A_215] : memref<2x128xi32, #tpu.memory_space<vmem>> -> memref<1x128xi32, #tpu.memory_space<vmem>>
    %dma_wait3A_217 = tpu.memref_squeeze %dma_wait3A_216 : memref<1x128xi32, #tpu.memory_space<vmem>> -> memref<128xi32, #tpu.memory_space<vmem>>
    %dma_wait3A_218 = arith.constant 0 : i32
    %dma_wait3A_219 = tpu.memref_slice %arg3[%dma_wait3A_213, %dma_wait3A_218] : memref<2x320000xi32, #tpu.memory_space<hbm>> -> memref<1x128xi32, #tpu.memory_space<hbm>>
    %dma_wait3A_220 = tpu.memref_squeeze %dma_wait3A_219 : memref<1x128xi32, #tpu.memory_space<hbm>> -> memref<128xi32, #tpu.memory_space<hbm>>
    %dma_wait3A_221 = arith.constant 0 : i32
    %dma_wait3A_222 = tpu.memref_slice %arg7[%dma_wait3A_214, %dma_wait3A_221] : memref<2x128xi32, #tpu.memory_space<vmem>> -> memref<1x128xi32, #tpu.memory_space<vmem>>
    %dma_wait3A_223 = tpu.memref_squeeze %dma_wait3A_222 : memref<1x128xi32, #tpu.memory_space<vmem>> -> memref<128xi32, #tpu.memory_space<vmem>>
    %dma_wait3A_224 = arith.constant 0 : i32
    %dma_wait3A_225 = tpu.memref_slice %arg3[%dma_wait3A_213, %dma_wait3A_224] : memref<2x320000xi32, #tpu.memory_space<hbm>> -> memref<1x128xi32, #tpu.memory_space<hbm>>
    %dma_wait3A_226 = tpu.memref_squeeze %dma_wait3A_225 : memref<1x128xi32, #tpu.memory_space<hbm>> -> memref<128xi32, #tpu.memory_space<hbm>>
    tpu.wait_dma2 semaphore(%arg18 : memref<!tpu.dma_semaphore, #tpu.memory_space<semaphore_mem>>) src(%dma_wait3A_226 : memref<128xi32, #tpu.memory_space<hbm>>) dst(%dma_wait3A_223 : memref<128xi32, #tpu.memory_space<vmem>>)
    %dma_start3A_227 = arith.constant 1 : i32
    %dma_start3A_228 = arith.constant 0 : i32
    %dma_start3A_229 = tpu.memref_slice %arg7[%dma_start3A_227, %dma_start3A_228] : memref<2x128xi32, #tpu.memory_space<vmem>> -> memref<1x128xi32, #tpu.memory_space<vmem>>
    %dma_start3A_230 = tpu.memref_squeeze %dma_start3A_229 : memref<1x128xi32, #tpu.memory_space<vmem>> -> memref<128xi32, #tpu.memory_space<vmem>>
    %dma_start3A_231 = arith.constant 0 : i32
    %dma_start3A_232 = arith.constant 0 : i32
    %dma_start3A_233 = tpu.memref_slice %arg12[%dma_start3A_231, %dma_start3A_232] : memref<10240x128xf32, #tpu.memory_space<vmem_shared>> -> memref<10240x128xf32, #tpu.memory_space<vmem_shared>>
    tpu.enqueue_indirect_dma source(%arg10 : memref<128x128xf32, #tpu.memory_space<vmem>>) target(%dma_start3A_233 : memref<10240x128xf32, #tpu.memory_space<vmem_shared>>) offsets(%dma_start3A_230 : memref<128xi32, #tpu.memory_space<vmem>>) semaphore(%arg19 : memref<!tpu.dma_semaphore, #tpu.memory_space<semaphore_mem>>) {add = true}
    %run_scoped3A_234 = arith.constant 1 : i32
    "tpu.region"() ({
      %run_scoped3A_274 = tpu.sem_alloc : memref<!tpu.dma_semaphore, #tpu.memory_space<semaphore_mem>>
      %dma_start3A_275 = arith.constant 0 : i32
      %dma_start3A_276 = tpu.memref_slice %arg7[%run_scoped3A_234, %dma_start3A_275] : memref<2x128xi32, #tpu.memory_space<vmem>> -> memref<1x128xi32, #tpu.memory_space<vmem>>
      %dma_start3A_277 = tpu.memref_squeeze %dma_start3A_276 : memref<1x128xi32, #tpu.memory_space<vmem>> -> memref<128xi32, #tpu.memory_space<vmem>>
      %dma_start3A_278 = arith.constant 0 : i32
      %dma_start3A_279 = arith.constant 0 : i32
      %dma_start3A_280 = tpu.memref_slice %arg21[%dma_start3A_278, %dma_start3A_279] : memref<10240x16xf32, #tpu.memory_space<vmem_shared>> -> memref<10240x16xf32, #tpu.memory_space<vmem_shared>>
      tpu.enqueue_indirect_dma source(%arg20 : memref<128x16xf32, #tpu.memory_space<vmem>>) target(%dma_start3A_280 : memref<10240x16xf32, #tpu.memory_space<vmem_shared>>) offsets(%dma_start3A_277 : memref<128xi32, #tpu.memory_space<vmem>>) semaphore(%run_scoped3A_274 : memref<!tpu.dma_semaphore, #tpu.memory_space<semaphore_mem>>) {add = true}
      %dma_wait3A_281 = arith.constant 0 : i32
      %dma_wait3A_282 = tpu.memref_slice %arg7[%run_scoped3A_234, %dma_wait3A_281] : memref<2x128xi32, #tpu.memory_space<vmem>> -> memref<1x128xi32, #tpu.memory_space<vmem>>
      %dma_wait3A_283 = tpu.memref_squeeze %dma_wait3A_282 : memref<1x128xi32, #tpu.memory_space<vmem>> -> memref<128xi32, #tpu.memory_space<vmem>>
      %dma_wait3A_284 = arith.constant 0 : i32
      %dma_wait3A_285 = arith.constant 0 : i32
      %dma_wait3A_286 = tpu.memref_slice %arg21[%dma_wait3A_284, %dma_wait3A_285] : memref<10240x16xf32, #tpu.memory_space<vmem_shared>> -> memref<10240x16xf32, #tpu.memory_space<vmem_shared>>
      tpu.wait_indirect_dma semaphore(%run_scoped3A_274 : memref<!tpu.dma_semaphore, #tpu.memory_space<semaphore_mem>>) src(%arg20 : memref<128x16xf32, #tpu.memory_space<vmem>>) dst(%dma_wait3A_286 : memref<10240x16xf32, #tpu.memory_space<vmem_shared>>)
      tpu.yield
    }) : () -> ()
    %dma_wait3A_235 = arith.constant 1 : i32
    %dma_wait3A_236 = arith.constant 0 : i32
    %dma_wait3A_237 = tpu.memref_slice %arg7[%dma_wait3A_235, %dma_wait3A_236] : memref<2x128xi32, #tpu.memory_space<vmem>> -> memref<1x128xi32, #tpu.memory_space<vmem>>
    %dma_wait3A_238 = tpu.memref_squeeze %dma_wait3A_237 : memref<1x128xi32, #tpu.memory_space<vmem>> -> memref<128xi32, #tpu.memory_space<vmem>>
    %dma_wait3A_239 = arith.constant 0 : i32
    %dma_wait3A_240 = arith.constant 0 : i32
    %dma_wait3A_241 = tpu.memref_slice %arg12[%dma_wait3A_239, %dma_wait3A_240] : memref<10240x128xf32, #tpu.memory_space<vmem_shared>> -> memref<10240x128xf32, #tpu.memory_space<vmem_shared>>
    tpu.wait_indirect_dma semaphore(%arg19 : memref<!tpu.dma_semaphore, #tpu.memory_space<semaphore_mem>>) src(%arg10 : memref<128x128xf32, #tpu.memory_space<vmem>>) dst(%dma_wait3A_241 : memref<10240x128xf32, #tpu.memory_space<vmem_shared>>)
    %dma_wait3A_242 = arith.constant 0 : i32
    %dma_wait3A_243 = arith.constant 0 : i32
    %dma_wait3A_244 = arith.constant 0 : i32
    %dma_wait3A_245 = tpu.memref_slice %arg8[%dma_wait3A_243, %dma_wait3A_244] : memref<2x16xi32, #tpu.memory_space<vmem>> -> memref<1x16xi32, #tpu.memory_space<vmem>>
    %dma_wait3A_246 = tpu.memref_squeeze %dma_wait3A_245 : memref<1x16xi32, #tpu.memory_space<vmem>> -> memref<16xi32, #tpu.memory_space<vmem>>
    %dma_wait3A_247 = arith.constant 0 : i32
    %dma_wait3A_248 = tpu.memref_slice %arg3[%dma_wait3A_242, %dma_wait3A_247] : memref<2x320000xi32, #tpu.memory_space<hbm>> -> memref<1x16xi32, #tpu.memory_space<hbm>>
    %dma_wait3A_249 = tpu.memref_squeeze %dma_wait3A_248 : memref<1x16xi32, #tpu.memory_space<hbm>> -> memref<16xi32, #tpu.memory_space<hbm>>
    %dma_wait3A_250 = arith.constant 0 : i32
    %dma_wait3A_251 = tpu.memref_slice %arg8[%dma_wait3A_243, %dma_wait3A_250] : memref<2x16xi32, #tpu.memory_space<vmem>> -> memref<1x16xi32, #tpu.memory_space<vmem>>
    %dma_wait3A_252 = tpu.memref_squeeze %dma_wait3A_251 : memref<1x16xi32, #tpu.memory_space<vmem>> -> memref<16xi32, #tpu.memory_space<vmem>>
    %dma_wait3A_253 = arith.constant 0 : i32
    %dma_wait3A_254 = tpu.memref_slice %arg3[%dma_wait3A_242, %dma_wait3A_253] : memref<2x320000xi32, #tpu.memory_space<hbm>> -> memref<1x16xi32, #tpu.memory_space<hbm>>
    %dma_wait3A_255 = tpu.memref_squeeze %dma_wait3A_254 : memref<1x16xi32, #tpu.memory_space<hbm>> -> memref<16xi32, #tpu.memory_space<hbm>>
    tpu.wait_dma2 semaphore(%arg15 : memref<!tpu.dma_semaphore, #tpu.memory_space<semaphore_mem>>) src(%dma_wait3A_255 : memref<16xi32, #tpu.memory_space<hbm>>) dst(%dma_wait3A_252 : memref<16xi32, #tpu.memory_space<vmem>>)
    %run_scoped3A_256 = arith.constant 0 : i32
    "tpu.region"() ({
      %run_scoped3A_274 = tpu.sem_alloc : memref<!tpu.dma_semaphore, #tpu.memory_space<semaphore_mem>>
      %dma_start3A_275 = arith.constant 0 : i32
      %dma_start3A_276 = tpu.memref_slice %arg8[%run_scoped3A_256, %dma_start3A_275] : memref<2x16xi32, #tpu.memory_space<vmem>> -> memref<1x16xi32, #tpu.memory_space<vmem>>
      %dma_start3A_277 = tpu.memref_squeeze %dma_start3A_276 : memref<1x16xi32, #tpu.memory_space<vmem>> -> memref<16xi32, #tpu.memory_space<vmem>>
      %dma_start3A_278 = arith.constant 0 : i32
      %dma_start3A_279 = arith.constant 0 : i32
      %dma_start3A_280 = tpu.memref_slice %arg2[%dma_start3A_278, %dma_start3A_279] : memref<10000x128xf32, #tpu.memory_space<hbm>> -> memref<10000x128xf32, #tpu.memory_space<hbm>>
      tpu.enqueue_indirect_dma source(%dma_start3A_280 : memref<10000x128xf32, #tpu.memory_space<hbm>>) target(%arg11 : memref<16x128xf32, #tpu.memory_space<vmem>>) offsets(%dma_start3A_277 : memref<16xi32, #tpu.memory_space<vmem>>) semaphore(%run_scoped3A_274 : memref<!tpu.dma_semaphore, #tpu.memory_space<semaphore_mem>>)
      %dma_wait3A_281 = arith.constant 0 : i32
      %dma_wait3A_282 = tpu.memref_slice %arg8[%run_scoped3A_256, %dma_wait3A_281] : memref<2x16xi32, #tpu.memory_space<vmem>> -> memref<1x16xi32, #tpu.memory_space<vmem>>
      %dma_wait3A_283 = tpu.memref_squeeze %dma_wait3A_282 : memref<1x16xi32, #tpu.memory_space<vmem>> -> memref<16xi32, #tpu.memory_space<vmem>>
      %dma_wait3A_284 = arith.constant 0 : i32
      %dma_wait3A_285 = arith.constant 0 : i32
      %dma_wait3A_286 = tpu.memref_slice %arg2[%dma_wait3A_284, %dma_wait3A_285] : memref<10000x128xf32, #tpu.memory_space<hbm>> -> memref<10000x128xf32, #tpu.memory_space<hbm>>
      tpu.wait_indirect_dma semaphore(%run_scoped3A_274 : memref<!tpu.dma_semaphore, #tpu.memory_space<semaphore_mem>>) src(%dma_wait3A_286 : memref<10000x128xf32, #tpu.memory_space<hbm>>) dst(%arg11 : memref<16x128xf32, #tpu.memory_space<vmem>>)
      tpu.yield
    }) : () -> ()
    %dma_wait3A_257 = arith.constant 0 : i32
    %dma_wait3A_258 = arith.constant 1 : i32
    %dma_wait3A_259 = arith.constant 0 : i32
    %dma_wait3A_260 = tpu.memref_slice %arg8[%dma_wait3A_258, %dma_wait3A_259] : memref<2x16xi32, #tpu.memory_space<vmem>> -> memref<1x16xi32, #tpu.memory_space<vmem>>
    %dma_wait3A_261 = tpu.memref_squeeze %dma_wait3A_260 : memref<1x16xi32, #tpu.memory_space<vmem>> -> memref<16xi32, #tpu.memory_space<vmem>>
    %dma_wait3A_262 = arith.constant 0 : i32
    %dma_wait3A_263 = tpu.memref_slice %arg3[%dma_wait3A_257, %dma_wait3A_262] : memref<2x320000xi32, #tpu.memory_space<hbm>> -> memref<1x16xi32, #tpu.memory_space<hbm>>
    %dma_wait3A_264 = tpu.memref_squeeze %dma_wait3A_263 : memref<1x16xi32, #tpu.memory_space<hbm>> -> memref<16xi32, #tpu.memory_space<hbm>>
    %dma_wait3A_265 = arith.constant 0 : i32
    %dma_wait3A_266 = tpu.memref_slice %arg8[%dma_wait3A_258, %dma_wait3A_265] : memref<2x16xi32, #tpu.memory_space<vmem>> -> memref<1x16xi32, #tpu.memory_space<vmem>>
    %dma_wait3A_267 = tpu.memref_squeeze %dma_wait3A_266 : memref<1x16xi32, #tpu.memory_space<vmem>> -> memref<16xi32, #tpu.memory_space<vmem>>
    %dma_wait3A_268 = arith.constant 0 : i32
    %dma_wait3A_269 = tpu.memref_slice %arg3[%dma_wait3A_257, %dma_wait3A_268] : memref<2x320000xi32, #tpu.memory_space<hbm>> -> memref<1x16xi32, #tpu.memory_space<hbm>>
    %dma_wait3A_270 = tpu.memref_squeeze %dma_wait3A_269 : memref<1x16xi32, #tpu.memory_space<hbm>> -> memref<16xi32, #tpu.memory_space<hbm>>
    tpu.wait_dma2 semaphore(%arg17 : memref<!tpu.dma_semaphore, #tpu.memory_space<semaphore_mem>>) src(%dma_wait3A_270 : memref<16xi32, #tpu.memory_space<hbm>>) dst(%dma_wait3A_267 : memref<16xi32, #tpu.memory_space<vmem>>)
    %run_scoped3A_271 = arith.constant 1 : i32
    "tpu.region"() ({
      %run_scoped3A_274 = tpu.sem_alloc : memref<!tpu.dma_semaphore, #tpu.memory_space<semaphore_mem>>
      %dma_start3A_275 = arith.constant 0 : i32
      %dma_start3A_276 = tpu.memref_slice %arg8[%run_scoped3A_271, %dma_start3A_275] : memref<2x16xi32, #tpu.memory_space<vmem>> -> memref<1x16xi32, #tpu.memory_space<vmem>>
      %dma_start3A_277 = tpu.memref_squeeze %dma_start3A_276 : memref<1x16xi32, #tpu.memory_space<vmem>> -> memref<16xi32, #tpu.memory_space<vmem>>
      %dma_start3A_278 = arith.constant 0 : i32
      %dma_start3A_279 = arith.constant 0 : i32
      %dma_start3A_280 = tpu.memref_slice %arg12[%dma_start3A_278, %dma_start3A_279] : memref<10240x128xf32, #tpu.memory_space<vmem_shared>> -> memref<10240x128xf32, #tpu.memory_space<vmem_shared>>
      tpu.enqueue_indirect_dma source(%arg11 : memref<16x128xf32, #tpu.memory_space<vmem>>) target(%dma_start3A_280 : memref<10240x128xf32, #tpu.memory_space<vmem_shared>>) offsets(%dma_start3A_277 : memref<16xi32, #tpu.memory_space<vmem>>) semaphore(%run_scoped3A_274 : memref<!tpu.dma_semaphore, #tpu.memory_space<semaphore_mem>>) {add = true}
      %dma_wait3A_281 = arith.constant 0 : i32
      %dma_wait3A_282 = tpu.memref_slice %arg8[%run_scoped3A_271, %dma_wait3A_281] : memref<2x16xi32, #tpu.memory_space<vmem>> -> memref<1x16xi32, #tpu.memory_space<vmem>>
      %dma_wait3A_283 = tpu.memref_squeeze %dma_wait3A_282 : memref<1x16xi32, #tpu.memory_space<vmem>> -> memref<16xi32, #tpu.memory_space<vmem>>
      %dma_wait3A_284 = arith.constant 0 : i32
      %dma_wait3A_285 = arith.constant 0 : i32
      %dma_wait3A_286 = tpu.memref_slice %arg12[%dma_wait3A_284, %dma_wait3A_285] : memref<10240x128xf32, #tpu.memory_space<vmem_shared>> -> memref<10240x128xf32, #tpu.memory_space<vmem_shared>>
      tpu.wait_indirect_dma semaphore(%run_scoped3A_274 : memref<!tpu.dma_semaphore, #tpu.memory_space<semaphore_mem>>) src(%arg11 : memref<16x128xf32, #tpu.memory_space<vmem>>) dst(%dma_wait3A_286 : memref<10240x128xf32, #tpu.memory_space<vmem_shared>>)
      tpu.yield
    }) : () -> ()
    %run_scoped3A_272 = arith.constant 1 : i32
    "tpu.region"() ({
      %run_scoped3A_274 = tpu.sem_alloc : memref<!tpu.dma_semaphore, #tpu.memory_space<semaphore_mem>>
      %dma_start3A_275 = arith.constant 0 : i32
      %dma_start3A_276 = arith.constant 0 : i32
      %dma_start3A_277 = tpu.memref_slice %arg20[%dma_start3A_275, %dma_start3A_276] : memref<128x16xf32, #tpu.memory_space<vmem>> -> memref<16x16xf32, #tpu.memory_space<vmem>>
      %dma_start3A_278 = arith.constant 0 : i32
      %dma_start3A_279 = tpu.memref_slice %arg8[%run_scoped3A_272, %dma_start3A_278] : memref<2x16xi32, #tpu.memory_space<vmem>> -> memref<1x16xi32, #tpu.memory_space<vmem>>
      %dma_start3A_280 = tpu.memref_squeeze %dma_start3A_279 : memref<1x16xi32, #tpu.memory_space<vmem>> -> memref<16xi32, #tpu.memory_space<vmem>>
      %dma_start3A_281 = arith.constant 0 : i32
      %dma_start3A_282 = arith.constant 0 : i32
      %dma_start3A_283 = tpu.memref_slice %arg21[%dma_start3A_281, %dma_start3A_282] : memref<10240x16xf32, #tpu.memory_space<vmem_shared>> -> memref<10240x16xf32, #tpu.memory_space<vmem_shared>>
      tpu.enqueue_indirect_dma source(%dma_start3A_277 : memref<16x16xf32, #tpu.memory_space<vmem>>) target(%dma_start3A_283 : memref<10240x16xf32, #tpu.memory_space<vmem_shared>>) offsets(%dma_start3A_280 : memref<16xi32, #tpu.memory_space<vmem>>) semaphore(%run_scoped3A_274 : memref<!tpu.dma_semaphore, #tpu.memory_space<semaphore_mem>>) {add = true}
      %dma_wait3A_284 = arith.constant 0 : i32
      %dma_wait3A_285 = arith.constant 0 : i32
      %dma_wait3A_286 = tpu.memref_slice %arg20[%dma_wait3A_284, %dma_wait3A_285] : memref<128x16xf32, #tpu.memory_space<vmem>> -> memref<16x16xf32, #tpu.memory_space<vmem>>
      %dma_wait3A_287 = arith.constant 0 : i32
      %dma_wait3A_288 = tpu.memref_slice %arg8[%run_scoped3A_272, %dma_wait3A_287] : memref<2x16xi32, #tpu.memory_space<vmem>> -> memref<1x16xi32, #tpu.memory_space<vmem>>
      %dma_wait3A_289 = tpu.memref_squeeze %dma_wait3A_288 : memref<1x16xi32, #tpu.memory_space<vmem>> -> memref<16xi32, #tpu.memory_space<vmem>>
      %dma_wait3A_290 = arith.constant 0 : i32
      %dma_wait3A_291 = arith.constant 0 : i32
      %dma_wait3A_292 = tpu.memref_slice %arg21[%dma_wait3A_290, %dma_wait3A_291] : memref<10240x16xf32, #tpu.memory_space<vmem_shared>> -> memref<10240x16xf32, #tpu.memory_space<vmem_shared>>
      tpu.wait_indirect_dma semaphore(%run_scoped3A_274 : memref<!tpu.dma_semaphore, #tpu.memory_space<semaphore_mem>>) src(%dma_wait3A_286 : memref<16x16xf32, #tpu.memory_space<vmem>>) dst(%dma_wait3A_292 : memref<10240x16xf32, #tpu.memory_space<vmem_shared>>)
      tpu.yield
    }) : () -> ()
    %barrier3A_273 = arith.constant 0 : index
    tpu.barrier barrier_id(%barrier3A_273)
    "tpu.region"() ({
      %run_scoped3A_274 = tpu.sem_alloc : memref<!tpu.dma_semaphore, #tpu.memory_space<semaphore_mem>>
      %dma_start3A_275 = arith.constant 0 : i32
      %dma_start3A_276 = tpu.memref_slice %arg4[%arg0, %mul3A_4, %dma_start3A_275] : memref<2x10240x128xf32, #tpu.memory_space<hbm>> -> memref<1x640x128xf32, #tpu.memory_space<hbm>>
      %dma_start3A_277 = tpu.memref_squeeze %dma_start3A_276 : memref<1x640x128xf32, #tpu.memory_space<hbm>> -> memref<640x128xf32, #tpu.memory_space<hbm>>
      %dma_start3A_278 = arith.constant 0 : i32
      %dma_start3A_279 = tpu.memref_slice %arg12[%mul3A_4, %dma_start3A_278] : memref<10240x128xf32, #tpu.memory_space<vmem_shared>> -> memref<640x128xf32, #tpu.memory_space<vmem_shared>>
      tpu.enqueue_dma source(%dma_start3A_279 : memref<640x128xf32, #tpu.memory_space<vmem_shared>>) target(%dma_start3A_277 : memref<640x128xf32, #tpu.memory_space<hbm>>) target_semaphore(%run_scoped3A_274 : memref<!tpu.dma_semaphore, #tpu.memory_space<semaphore_mem>>)
      %dma_wait3A_280 = arith.constant 0 : i32
      %dma_wait3A_281 = tpu.memref_slice %arg4[%arg0, %mul3A_4, %dma_wait3A_280] : memref<2x10240x128xf32, #tpu.memory_space<hbm>> -> memref<1x640x128xf32, #tpu.memory_space<hbm>>
      %dma_wait3A_282 = tpu.memref_squeeze %dma_wait3A_281 : memref<1x640x128xf32, #tpu.memory_space<hbm>> -> memref<640x128xf32, #tpu.memory_space<hbm>>
      %dma_wait3A_283 = arith.constant 0 : i32
      %dma_wait3A_284 = tpu.memref_slice %arg12[%mul3A_4, %dma_wait3A_283] : memref<10240x128xf32, #tpu.memory_space<vmem_shared>> -> memref<640x128xf32, #tpu.memory_space<vmem_shared>>
      tpu.wait_dma2 semaphore(%run_scoped3A_274 : memref<!tpu.dma_semaphore, #tpu.memory_space<semaphore_mem>>) src(%dma_wait3A_284 : memref<640x128xf32, #tpu.memory_space<vmem_shared>>) dst(%dma_wait3A_282 : memref<640x128xf32, #tpu.memory_space<hbm>>)
      tpu.yield
    }) : () -> ()
    "tpu.region"() ({
      %run_scoped3A_274 = tpu.sem_alloc : memref<!tpu.dma_semaphore, #tpu.memory_space<semaphore_mem>>
      %dma_start3A_275 = arith.constant 0 : i32
      %dma_start3A_276 = tpu.memref_slice %arg5[%arg0, %mul3A_4, %dma_start3A_275] : memref<2x10240x16xf32, #tpu.memory_space<hbm>> -> memref<1x640x16xf32, #tpu.memory_space<hbm>>
      %dma_start3A_277 = tpu.memref_squeeze %dma_start3A_276 : memref<1x640x16xf32, #tpu.memory_space<hbm>> -> memref<640x16xf32, #tpu.memory_space<hbm>>
      %dma_start3A_278 = arith.constant 0 : i32
      %dma_start3A_279 = tpu.memref_slice %arg21[%mul3A_4, %dma_start3A_278] : memref<10240x16xf32, #tpu.memory_space<vmem_shared>> -> memref<640x16xf32, #tpu.memory_space<vmem_shared>>
      tpu.enqueue_dma source(%dma_start3A_279 : memref<640x16xf32, #tpu.memory_space<vmem_shared>>) target(%dma_start3A_277 : memref<640x16xf32, #tpu.memory_space<hbm>>) target_semaphore(%run_scoped3A_274 : memref<!tpu.dma_semaphore, #tpu.memory_space<semaphore_mem>>)
      %dma_wait3A_280 = arith.constant 0 : i32
      %dma_wait3A_281 = tpu.memref_slice %arg5[%arg0, %mul3A_4, %dma_wait3A_280] : memref<2x10240x16xf32, #tpu.memory_space<hbm>> -> memref<1x640x16xf32, #tpu.memory_space<hbm>>
      %dma_wait3A_282 = tpu.memref_squeeze %dma_wait3A_281 : memref<1x640x16xf32, #tpu.memory_space<hbm>> -> memref<640x16xf32, #tpu.memory_space<hbm>>
      %dma_wait3A_283 = arith.constant 0 : i32
      %dma_wait3A_284 = tpu.memref_slice %arg21[%mul3A_4, %dma_wait3A_283] : memref<10240x16xf32, #tpu.memory_space<vmem_shared>> -> memref<640x16xf32, #tpu.memory_space<vmem_shared>>
      tpu.wait_dma2 semaphore(%run_scoped3A_274 : memref<!tpu.dma_semaphore, #tpu.memory_space<semaphore_mem>>) src(%dma_wait3A_284 : memref<640x16xf32, #tpu.memory_space<vmem_shared>>) dst(%dma_wait3A_282 : memref<640x16xf32, #tpu.memory_space<hbm>>)
      tpu.yield
    }) : () -> ()
    return
  }
}

#map = affine_map<(d0, d1) -> (0, 0)>
#map1 = affine_map<(d0, d1) -> (0, 0, 0)>
module attributes {stable_mosaic.version = 14 : i64} {
  func.func @sc_kernel(%arg0: i32, %arg1: i32, %arg2: memref<10000x64xf32, #tpu.memory_space<hbm>>, %arg3: memref<2x320000xi32, #tpu.memory_space<hbm>>, %arg4: memref<2x10240x64xf32, #tpu.memory_space<hbm>>, %arg5: memref<2x128xi32, #tpu.memory_space<vmem>>, %arg6: memref<2x128xi32, #tpu.memory_space<vmem>>, %arg7: memref<2x16xi32, #tpu.memory_space<vmem>>, %arg8: memref<128x64xf32, #tpu.memory_space<vmem>>, %arg9: memref<128x64xf32, #tpu.memory_space<vmem>>, %arg10: memref<16x64xf32, #tpu.memory_space<vmem>>, %arg11: memref<10240x64xf32, #tpu.memory_space<vmem_shared>>, %arg12: memref<!tpu.dma_semaphore, #tpu.memory_space<semaphore_mem>>, %arg13: memref<!tpu.dma_semaphore, #tpu.memory_space<semaphore_mem>>, %arg14: memref<!tpu.dma_semaphore, #tpu.memory_space<semaphore_mem>>, %arg15: memref<!tpu.dma_semaphore, #tpu.memory_space<semaphore_mem>>, %arg16: memref<!tpu.dma_semaphore, #tpu.memory_space<semaphore_mem>>, %arg17: memref<!tpu.dma_semaphore, #tpu.memory_space<semaphore_mem>>, %arg18: memref<!tpu.dma_semaphore, #tpu.memory_space<semaphore_mem>>) attributes {dimension_semantics = [#tpu.dimension_semantics<core_parallel>, #tpu.dimension_semantics<subcore_parallel>], iteration_bounds = array<i64: 2, 16>, scalar_prefetch = 0 : i64, scratch_operands = 14 : i64, tpu.core_type = #tpu.core_type<sc_vector_subcore>, window_params = [{transform_indices = #map}, {transform_indices = #map}, {transform_indices = #map1}]} {
    %mul3A = arith.constant 16 : i32
    %mul3A_0 = arith.muli %arg0, %mul3A : i32
    %add3A = arith.addi %mul3A_0, %arg1 : i32
    %mul3A_1 = arith.constant 10000 : i32
    %mul3A_2 = arith.muli %add3A, %mul3A_1 : i32
    %mul3A_3 = arith.constant 640 : i32
    %mul3A_4 = arith.muli %arg1, %mul3A_3 : i32
    %broadcast_in_dim3A = arith.constant 0.000000e+00 : f32
    %broadcast_in_dim3A_5 = vector.broadcast %broadcast_in_dim3A : f32 to vector<16xf32>
    %scan3A = arith.constant 0 : i32
    %scan3A_6 = arith.constant 128 : i32
    %scan3A_7 = arith.addi %scan3A, %scan3A_6 : i32
    %scan3A_8 = arith.constant 1 : i32
    scf.for %scan3A_249 = %scan3A to %scan3A_7 step %scan3A_8  : i32 {
      %mul3A_250 = arith.constant 1 : i32
      %mul3A_251 = arith.muli %scan3A_249, %mul3A_250 : i32
      %add3A_252 = arith.constant 0 : i32
      %add3A_253 = arith.addi %add3A_252, %mul3A_251 : i32
      %swap3A = arith.index_cast %add3A_253 : i32 to index
      %swap3A_254 = arith.constant 0 : index
      %swap3A_255 = tpu.vector_load %arg8[%swap3A, %swap3A_254] {strides = array<i32>} : memref<128x64xf32, #tpu.memory_space<vmem>>, vector<1x16xf32>,
      %swap3A_256 = vector.shape_cast %swap3A_255 : vector<1x16xf32> to vector<16xf32>
      %swap3A_257 = vector.shape_cast %broadcast_in_dim3A_5 : vector<16xf32> to vector<1x16xf32>
      tpu.vector_store %arg8[%swap3A, %swap3A_254], %swap3A_257 {strides = array<i32>} : memref<128x64xf32, #tpu.memory_space<vmem>>, vector<1x16xf32>,
      %swap3A_258 = arith.index_cast %add3A_253 : i32 to index
      %swap3A_259 = arith.constant 16 : index
      %swap3A_260 = tpu.vector_load %arg8[%swap3A_258, %swap3A_259] {strides = array<i32>} : memref<128x64xf32, #tpu.memory_space<vmem>>, vector<1x16xf32>,
      %swap3A_261 = vector.shape_cast %swap3A_260 : vector<1x16xf32> to vector<16xf32>
      %swap3A_262 = vector.shape_cast %broadcast_in_dim3A_5 : vector<16xf32> to vector<1x16xf32>
      tpu.vector_store %arg8[%swap3A_258, %swap3A_259], %swap3A_262 {strides = array<i32>} : memref<128x64xf32, #tpu.memory_space<vmem>>, vector<1x16xf32>,
      %swap3A_263 = arith.index_cast %add3A_253 : i32 to index
      %swap3A_264 = arith.constant 32 : index
      %swap3A_265 = tpu.vector_load %arg8[%swap3A_263, %swap3A_264] {strides = array<i32>} : memref<128x64xf32, #tpu.memory_space<vmem>>, vector<1x16xf32>,
      %swap3A_266 = vector.shape_cast %swap3A_265 : vector<1x16xf32> to vector<16xf32>
      %swap3A_267 = vector.shape_cast %broadcast_in_dim3A_5 : vector<16xf32> to vector<1x16xf32>
      tpu.vector_store %arg8[%swap3A_263, %swap3A_264], %swap3A_267 {strides = array<i32>} : memref<128x64xf32, #tpu.memory_space<vmem>>, vector<1x16xf32>,
      %swap3A_268 = arith.index_cast %add3A_253 : i32 to index
      %swap3A_269 = arith.constant 48 : index
      %swap3A_270 = tpu.vector_load %arg8[%swap3A_268, %swap3A_269] {strides = array<i32>} : memref<128x64xf32, #tpu.memory_space<vmem>>, vector<1x16xf32>,
      %swap3A_271 = vector.shape_cast %swap3A_270 : vector<1x16xf32> to vector<16xf32>
      %swap3A_272 = vector.shape_cast %broadcast_in_dim3A_5 : vector<16xf32> to vector<1x16xf32>
      tpu.vector_store %arg8[%swap3A_268, %swap3A_269], %swap3A_272 {strides = array<i32>} : memref<128x64xf32, #tpu.memory_space<vmem>>, vector<1x16xf32>,
    }
    %scan3A_9 = arith.constant 128 : i32
    %add3A_10 = arith.constant 0 : i32
    %add3A_11 = arith.addi %mul3A_4, %add3A_10 : i32
    "tpu.region"() ({
      %run_scoped3A_249 = tpu.sem_alloc : memref<!tpu.dma_semaphore, #tpu.memory_space<semaphore_mem>>
      %dma_start3A_250 = arith.constant 0 : i32
      %dma_start3A_251 = tpu.memref_slice %arg11[%add3A_11, %dma_start3A_250] : memref<10240x64xf32, #tpu.memory_space<vmem_shared>> -> memref<128x64xf32, #tpu.memory_space<vmem_shared>>
      %dma_start3A_252 = arith.constant 0 : i32
      %dma_start3A_253 = tpu.memref_slice %arg11[%add3A_11, %dma_start3A_252] : memref<10240x64xf32, #tpu.memory_space<vmem_shared>> -> memref<128x64xf32, #tpu.memory_space<vmem_shared>>
      tpu.enqueue_dma source(%arg8 : memref<128x64xf32, #tpu.memory_space<vmem>>) target(%dma_start3A_253 : memref<128x64xf32, #tpu.memory_space<vmem_shared>>) target_semaphore(%run_scoped3A_249 : memref<!tpu.dma_semaphore, #tpu.memory_space<semaphore_mem>>)
      %dma_wait3A_254 = arith.constant 0 : i32
      %dma_wait3A_255 = tpu.memref_slice %arg11[%add3A_11, %dma_wait3A_254] : memref<10240x64xf32, #tpu.memory_space<vmem_shared>> -> memref<128x64xf32, #tpu.memory_space<vmem_shared>>
      %dma_wait3A_256 = arith.constant 0 : i32
      %dma_wait3A_257 = tpu.memref_slice %arg11[%add3A_11, %dma_wait3A_256] : memref<10240x64xf32, #tpu.memory_space<vmem_shared>> -> memref<128x64xf32, #tpu.memory_space<vmem_shared>>
      tpu.wait_dma2 semaphore(%run_scoped3A_249 : memref<!tpu.dma_semaphore, #tpu.memory_space<semaphore_mem>>) src(%arg8 : memref<128x64xf32, #tpu.memory_space<vmem>>) dst(%dma_wait3A_257 : memref<128x64xf32, #tpu.memory_space<vmem_shared>>)
      tpu.yield
    }) : () -> ()
    %add3A_12 = arith.constant 128 : i32
    %add3A_13 = arith.addi %mul3A_4, %add3A_12 : i32
    "tpu.region"() ({
      %run_scoped3A_249 = tpu.sem_alloc : memref<!tpu.dma_semaphore, #tpu.memory_space<semaphore_mem>>
      %dma_start3A_250 = arith.constant 0 : i32
      %dma_start3A_251 = tpu.memref_slice %arg11[%add3A_13, %dma_start3A_250] : memref<10240x64xf32, #tpu.memory_space<vmem_shared>> -> memref<128x64xf32, #tpu.memory_space<vmem_shared>>
      %dma_start3A_252 = arith.constant 0 : i32
      %dma_start3A_253 = tpu.memref_slice %arg11[%add3A_13, %dma_start3A_252] : memref<10240x64xf32, #tpu.memory_space<vmem_shared>> -> memref<128x64xf32, #tpu.memory_space<vmem_shared>>
      tpu.enqueue_dma source(%arg8 : memref<128x64xf32, #tpu.memory_space<vmem>>) target(%dma_start3A_253 : memref<128x64xf32, #tpu.memory_space<vmem_shared>>) target_semaphore(%run_scoped3A_249 : memref<!tpu.dma_semaphore, #tpu.memory_space<semaphore_mem>>)
      %dma_wait3A_254 = arith.constant 0 : i32
      %dma_wait3A_255 = tpu.memref_slice %arg11[%add3A_13, %dma_wait3A_254] : memref<10240x64xf32, #tpu.memory_space<vmem_shared>> -> memref<128x64xf32, #tpu.memory_space<vmem_shared>>
      %dma_wait3A_256 = arith.constant 0 : i32
      %dma_wait3A_257 = tpu.memref_slice %arg11[%add3A_13, %dma_wait3A_256] : memref<10240x64xf32, #tpu.memory_space<vmem_shared>> -> memref<128x64xf32, #tpu.memory_space<vmem_shared>>
      tpu.wait_dma2 semaphore(%run_scoped3A_249 : memref<!tpu.dma_semaphore, #tpu.memory_space<semaphore_mem>>) src(%arg8 : memref<128x64xf32, #tpu.memory_space<vmem>>) dst(%dma_wait3A_257 : memref<128x64xf32, #tpu.memory_space<vmem_shared>>)
      tpu.yield
    }) : () -> ()
    %add3A_14 = arith.constant 256 : i32
    %add3A_15 = arith.addi %mul3A_4, %add3A_14 : i32
    "tpu.region"() ({
      %run_scoped3A_249 = tpu.sem_alloc : memref<!tpu.dma_semaphore, #tpu.memory_space<semaphore_mem>>
      %dma_start3A_250 = arith.constant 0 : i32
      %dma_start3A_251 = tpu.memref_slice %arg11[%add3A_15, %dma_start3A_250] : memref<10240x64xf32, #tpu.memory_space<vmem_shared>> -> memref<128x64xf32, #tpu.memory_space<vmem_shared>>
      %dma_start3A_252 = arith.constant 0 : i32
      %dma_start3A_253 = tpu.memref_slice %arg11[%add3A_15, %dma_start3A_252] : memref<10240x64xf32, #tpu.memory_space<vmem_shared>> -> memref<128x64xf32, #tpu.memory_space<vmem_shared>>
      tpu.enqueue_dma source(%arg8 : memref<128x64xf32, #tpu.memory_space<vmem>>) target(%dma_start3A_253 : memref<128x64xf32, #tpu.memory_space<vmem_shared>>) target_semaphore(%run_scoped3A_249 : memref<!tpu.dma_semaphore, #tpu.memory_space<semaphore_mem>>)
      %dma_wait3A_254 = arith.constant 0 : i32
      %dma_wait3A_255 = tpu.memref_slice %arg11[%add3A_15, %dma_wait3A_254] : memref<10240x64xf32, #tpu.memory_space<vmem_shared>> -> memref<128x64xf32, #tpu.memory_space<vmem_shared>>
      %dma_wait3A_256 = arith.constant 0 : i32
      %dma_wait3A_257 = tpu.memref_slice %arg11[%add3A_15, %dma_wait3A_256] : memref<10240x64xf32, #tpu.memory_space<vmem_shared>> -> memref<128x64xf32, #tpu.memory_space<vmem_shared>>
      tpu.wait_dma2 semaphore(%run_scoped3A_249 : memref<!tpu.dma_semaphore, #tpu.memory_space<semaphore_mem>>) src(%arg8 : memref<128x64xf32, #tpu.memory_space<vmem>>) dst(%dma_wait3A_257 : memref<128x64xf32, #tpu.memory_space<vmem_shared>>)
      tpu.yield
    }) : () -> ()
    %add3A_16 = arith.constant 384 : i32
    %add3A_17 = arith.addi %mul3A_4, %add3A_16 : i32
    "tpu.region"() ({
      %run_scoped3A_249 = tpu.sem_alloc : memref<!tpu.dma_semaphore, #tpu.memory_space<semaphore_mem>>
      %dma_start3A_250 = arith.constant 0 : i32
      %dma_start3A_251 = tpu.memref_slice %arg11[%add3A_17, %dma_start3A_250] : memref<10240x64xf32, #tpu.memory_space<vmem_shared>> -> memref<128x64xf32, #tpu.memory_space<vmem_shared>>
      %dma_start3A_252 = arith.constant 0 : i32
      %dma_start3A_253 = tpu.memref_slice %arg11[%add3A_17, %dma_start3A_252] : memref<10240x64xf32, #tpu.memory_space<vmem_shared>> -> memref<128x64xf32, #tpu.memory_space<vmem_shared>>
      tpu.enqueue_dma source(%arg8 : memref<128x64xf32, #tpu.memory_space<vmem>>) target(%dma_start3A_253 : memref<128x64xf32, #tpu.memory_space<vmem_shared>>) target_semaphore(%run_scoped3A_249 : memref<!tpu.dma_semaphore, #tpu.memory_space<semaphore_mem>>)
      %dma_wait3A_254 = arith.constant 0 : i32
      %dma_wait3A_255 = tpu.memref_slice %arg11[%add3A_17, %dma_wait3A_254] : memref<10240x64xf32, #tpu.memory_space<vmem_shared>> -> memref<128x64xf32, #tpu.memory_space<vmem_shared>>
      %dma_wait3A_256 = arith.constant 0 : i32
      %dma_wait3A_257 = tpu.memref_slice %arg11[%add3A_17, %dma_wait3A_256] : memref<10240x64xf32, #tpu.memory_space<vmem_shared>> -> memref<128x64xf32, #tpu.memory_space<vmem_shared>>
      tpu.wait_dma2 semaphore(%run_scoped3A_249 : memref<!tpu.dma_semaphore, #tpu.memory_space<semaphore_mem>>) src(%arg8 : memref<128x64xf32, #tpu.memory_space<vmem>>) dst(%dma_wait3A_257 : memref<128x64xf32, #tpu.memory_space<vmem_shared>>)
      tpu.yield
    }) : () -> ()
    %add3A_18 = arith.constant 512 : i32
    %add3A_19 = arith.addi %mul3A_4, %add3A_18 : i32
    "tpu.region"() ({
      %run_scoped3A_249 = tpu.sem_alloc : memref<!tpu.dma_semaphore, #tpu.memory_space<semaphore_mem>>
      %dma_start3A_250 = arith.constant 0 : i32
      %dma_start3A_251 = tpu.memref_slice %arg11[%add3A_19, %dma_start3A_250] : memref<10240x64xf32, #tpu.memory_space<vmem_shared>> -> memref<128x64xf32, #tpu.memory_space<vmem_shared>>
      %dma_start3A_252 = arith.constant 0 : i32
      %dma_start3A_253 = tpu.memref_slice %arg11[%add3A_19, %dma_start3A_252] : memref<10240x64xf32, #tpu.memory_space<vmem_shared>> -> memref<128x64xf32, #tpu.memory_space<vmem_shared>>
      tpu.enqueue_dma source(%arg8 : memref<128x64xf32, #tpu.memory_space<vmem>>) target(%dma_start3A_253 : memref<128x64xf32, #tpu.memory_space<vmem_shared>>) target_semaphore(%run_scoped3A_249 : memref<!tpu.dma_semaphore, #tpu.memory_space<semaphore_mem>>)
      %dma_wait3A_254 = arith.constant 0 : i32
      %dma_wait3A_255 = tpu.memref_slice %arg11[%add3A_19, %dma_wait3A_254] : memref<10240x64xf32, #tpu.memory_space<vmem_shared>> -> memref<128x64xf32, #tpu.memory_space<vmem_shared>>
      %dma_wait3A_256 = arith.constant 0 : i32
      %dma_wait3A_257 = tpu.memref_slice %arg11[%add3A_19, %dma_wait3A_256] : memref<10240x64xf32, #tpu.memory_space<vmem_shared>> -> memref<128x64xf32, #tpu.memory_space<vmem_shared>>
      tpu.wait_dma2 semaphore(%run_scoped3A_249 : memref<!tpu.dma_semaphore, #tpu.memory_space<semaphore_mem>>) src(%arg8 : memref<128x64xf32, #tpu.memory_space<vmem>>) dst(%dma_wait3A_257 : memref<128x64xf32, #tpu.memory_space<vmem_shared>>)
      tpu.yield
    }) : () -> ()
    %barrier3A = arith.constant 0 : index
    tpu.barrier barrier_id(%barrier3A)
    %add3A_20 = arith.constant 0 : i32
    %add3A_21 = arith.addi %mul3A_2, %add3A_20 : i32
    %dma_start3A = arith.constant 0 : i32
    %dma_start3A_22 = arith.constant 0 : i32
    %dma_start3A_23 = arith.constant 0 : i32
    %dma_start3A_24 = tpu.memref_slice %arg5[%dma_start3A_22, %dma_start3A_23] : memref<2x128xi32, #tpu.memory_space<vmem>> -> memref<1x128xi32, #tpu.memory_space<vmem>>
    %dma_start3A_25 = tpu.memref_squeeze %dma_start3A_24 : memref<1x128xi32, #tpu.memory_space<vmem>> -> memref<128xi32, #tpu.memory_space<vmem>>
    %dma_start3A_26 = tpu.memref_slice %arg3[%dma_start3A, %add3A_21] : memref<2x320000xi32, #tpu.memory_space<hbm>> -> memref<1x128xi32, #tpu.memory_space<hbm>>
    %dma_start3A_27 = tpu.memref_squeeze %dma_start3A_26 : memref<1x128xi32, #tpu.memory_space<hbm>> -> memref<128xi32, #tpu.memory_space<hbm>>
    %dma_start3A_28 = arith.constant 0 : i32
    %dma_start3A_29 = tpu.memref_slice %arg5[%dma_start3A_22, %dma_start3A_28] : memref<2x128xi32, #tpu.memory_space<vmem>> -> memref<1x128xi32, #tpu.memory_space<vmem>>
    %dma_start3A_30 = tpu.memref_squeeze %dma_start3A_29 : memref<1x128xi32, #tpu.memory_space<vmem>> -> memref<128xi32, #tpu.memory_space<vmem>>
    %dma_start3A_31 = tpu.memref_slice %arg3[%dma_start3A, %add3A_21] : memref<2x320000xi32, #tpu.memory_space<hbm>> -> memref<1x128xi32, #tpu.memory_space<hbm>>
    %dma_start3A_32 = tpu.memref_squeeze %dma_start3A_31 : memref<1x128xi32, #tpu.memory_space<hbm>> -> memref<128xi32, #tpu.memory_space<hbm>>
    tpu.enqueue_dma source(%dma_start3A_32 : memref<128xi32, #tpu.memory_space<hbm>>) target(%dma_start3A_30 : memref<128xi32, #tpu.memory_space<vmem>>) target_semaphore(%arg14 : memref<!tpu.dma_semaphore, #tpu.memory_space<semaphore_mem>>)
    %add3A_33 = arith.constant 128 : i32
    %add3A_34 = arith.addi %mul3A_2, %add3A_33 : i32
    %dma_start3A_35 = arith.constant 0 : i32
    %dma_start3A_36 = arith.constant 1 : i32
    %dma_start3A_37 = arith.constant 0 : i32
    %dma_start3A_38 = tpu.memref_slice %arg5[%dma_start3A_36, %dma_start3A_37] : memref<2x128xi32, #tpu.memory_space<vmem>> -> memref<1x128xi32, #tpu.memory_space<vmem>>
    %dma_start3A_39 = tpu.memref_squeeze %dma_start3A_38 : memref<1x128xi32, #tpu.memory_space<vmem>> -> memref<128xi32, #tpu.memory_space<vmem>>
    %dma_start3A_40 = tpu.memref_slice %arg3[%dma_start3A_35, %add3A_34] : memref<2x320000xi32, #tpu.memory_space<hbm>> -> memref<1x128xi32, #tpu.memory_space<hbm>>
    %dma_start3A_41 = tpu.memref_squeeze %dma_start3A_40 : memref<1x128xi32, #tpu.memory_space<hbm>> -> memref<128xi32, #tpu.memory_space<hbm>>
    %dma_start3A_42 = arith.constant 0 : i32
    %dma_start3A_43 = tpu.memref_slice %arg5[%dma_start3A_36, %dma_start3A_42] : memref<2x128xi32, #tpu.memory_space<vmem>> -> memref<1x128xi32, #tpu.memory_space<vmem>>
    %dma_start3A_44 = tpu.memref_squeeze %dma_start3A_43 : memref<1x128xi32, #tpu.memory_space<vmem>> -> memref<128xi32, #tpu.memory_space<vmem>>
    %dma_start3A_45 = tpu.memref_slice %arg3[%dma_start3A_35, %add3A_34] : memref<2x320000xi32, #tpu.memory_space<hbm>> -> memref<1x128xi32, #tpu.memory_space<hbm>>
    %dma_start3A_46 = tpu.memref_squeeze %dma_start3A_45 : memref<1x128xi32, #tpu.memory_space<hbm>> -> memref<128xi32, #tpu.memory_space<hbm>>
    tpu.enqueue_dma source(%dma_start3A_46 : memref<128xi32, #tpu.memory_space<hbm>>) target(%dma_start3A_44 : memref<128xi32, #tpu.memory_space<vmem>>) target_semaphore(%arg15 : memref<!tpu.dma_semaphore, #tpu.memory_space<semaphore_mem>>)
    %add3A_47 = arith.constant 0 : i32
    %add3A_48 = arith.addi %mul3A_2, %add3A_47 : i32
    %dma_start3A_49 = arith.constant 1 : i32
    %dma_start3A_50 = arith.constant 0 : i32
    %dma_start3A_51 = arith.constant 0 : i32
    %dma_start3A_52 = tpu.memref_slice %arg6[%dma_start3A_50, %dma_start3A_51] : memref<2x128xi32, #tpu.memory_space<vmem>> -> memref<1x128xi32, #tpu.memory_space<vmem>>
    %dma_start3A_53 = tpu.memref_squeeze %dma_start3A_52 : memref<1x128xi32, #tpu.memory_space<vmem>> -> memref<128xi32, #tpu.memory_space<vmem>>
    %dma_start3A_54 = tpu.memref_slice %arg3[%dma_start3A_49, %add3A_48] : memref<2x320000xi32, #tpu.memory_space<hbm>> -> memref<1x128xi32, #tpu.memory_space<hbm>>
    %dma_start3A_55 = tpu.memref_squeeze %dma_start3A_54 : memref<1x128xi32, #tpu.memory_space<hbm>> -> memref<128xi32, #tpu.memory_space<hbm>>
    %dma_start3A_56 = arith.constant 0 : i32
    %dma_start3A_57 = tpu.memref_slice %arg6[%dma_start3A_50, %dma_start3A_56] : memref<2x128xi32, #tpu.memory_space<vmem>> -> memref<1x128xi32, #tpu.memory_space<vmem>>
    %dma_start3A_58 = tpu.memref_squeeze %dma_start3A_57 : memref<1x128xi32, #tpu.memory_space<vmem>> -> memref<128xi32, #tpu.memory_space<vmem>>
    %dma_start3A_59 = tpu.memref_slice %arg3[%dma_start3A_49, %add3A_48] : memref<2x320000xi32, #tpu.memory_space<hbm>> -> memref<1x128xi32, #tpu.memory_space<hbm>>
    %dma_start3A_60 = tpu.memref_squeeze %dma_start3A_59 : memref<1x128xi32, #tpu.memory_space<hbm>> -> memref<128xi32, #tpu.memory_space<hbm>>
    tpu.enqueue_dma source(%dma_start3A_60 : memref<128xi32, #tpu.memory_space<hbm>>) target(%dma_start3A_58 : memref<128xi32, #tpu.memory_space<vmem>>) target_semaphore(%arg16 : memref<!tpu.dma_semaphore, #tpu.memory_space<semaphore_mem>>)
    %add3A_61 = arith.constant 128 : i32
    %add3A_62 = arith.addi %mul3A_2, %add3A_61 : i32
    %dma_start3A_63 = arith.constant 1 : i32
    %dma_start3A_64 = arith.constant 1 : i32
    %dma_start3A_65 = arith.constant 0 : i32
    %dma_start3A_66 = tpu.memref_slice %arg6[%dma_start3A_64, %dma_start3A_65] : memref<2x128xi32, #tpu.memory_space<vmem>> -> memref<1x128xi32, #tpu.memory_space<vmem>>
    %dma_start3A_67 = tpu.memref_squeeze %dma_start3A_66 : memref<1x128xi32, #tpu.memory_space<vmem>> -> memref<128xi32, #tpu.memory_space<vmem>>
    %dma_start3A_68 = tpu.memref_slice %arg3[%dma_start3A_63, %add3A_62] : memref<2x320000xi32, #tpu.memory_space<hbm>> -> memref<1x128xi32, #tpu.memory_space<hbm>>
    %dma_start3A_69 = tpu.memref_squeeze %dma_start3A_68 : memref<1x128xi32, #tpu.memory_space<hbm>> -> memref<128xi32, #tpu.memory_space<hbm>>
    %dma_start3A_70 = arith.constant 0 : i32
    %dma_start3A_71 = tpu.memref_slice %arg6[%dma_start3A_64, %dma_start3A_70] : memref<2x128xi32, #tpu.memory_space<vmem>> -> memref<1x128xi32, #tpu.memory_space<vmem>>
    %dma_start3A_72 = tpu.memref_squeeze %dma_start3A_71 : memref<1x128xi32, #tpu.memory_space<vmem>> -> memref<128xi32, #tpu.memory_space<vmem>>
    %dma_start3A_73 = tpu.memref_slice %arg3[%dma_start3A_63, %add3A_62] : memref<2x320000xi32, #tpu.memory_space<hbm>> -> memref<1x128xi32, #tpu.memory_space<hbm>>
    %dma_start3A_74 = tpu.memref_squeeze %dma_start3A_73 : memref<1x128xi32, #tpu.memory_space<hbm>> -> memref<128xi32, #tpu.memory_space<hbm>>
    tpu.enqueue_dma source(%dma_start3A_74 : memref<128xi32, #tpu.memory_space<hbm>>) target(%dma_start3A_72 : memref<128xi32, #tpu.memory_space<vmem>>) target_semaphore(%arg17 : memref<!tpu.dma_semaphore, #tpu.memory_space<semaphore_mem>>)
    %dma_wait3A = arith.constant 0 : i32
    %dma_wait3A_75 = arith.constant 0 : i32
    %dma_wait3A_76 = arith.constant 0 : i32
    %dma_wait3A_77 = tpu.memref_slice %arg5[%dma_wait3A_75, %dma_wait3A_76] : memref<2x128xi32, #tpu.memory_space<vmem>> -> memref<1x128xi32, #tpu.memory_space<vmem>>
    %dma_wait3A_78 = tpu.memref_squeeze %dma_wait3A_77 : memref<1x128xi32, #tpu.memory_space<vmem>> -> memref<128xi32, #tpu.memory_space<vmem>>
    %dma_wait3A_79 = arith.constant 0 : i32
    %dma_wait3A_80 = tpu.memref_slice %arg3[%dma_wait3A, %dma_wait3A_79] : memref<2x320000xi32, #tpu.memory_space<hbm>> -> memref<1x128xi32, #tpu.memory_space<hbm>>
    %dma_wait3A_81 = tpu.memref_squeeze %dma_wait3A_80 : memref<1x128xi32, #tpu.memory_space<hbm>> -> memref<128xi32, #tpu.memory_space<hbm>>
    %dma_wait3A_82 = arith.constant 0 : i32
    %dma_wait3A_83 = tpu.memref_slice %arg5[%dma_wait3A_75, %dma_wait3A_82] : memref<2x128xi32, #tpu.memory_space<vmem>> -> memref<1x128xi32, #tpu.memory_space<vmem>>
    %dma_wait3A_84 = tpu.memref_squeeze %dma_wait3A_83 : memref<1x128xi32, #tpu.memory_space<vmem>> -> memref<128xi32, #tpu.memory_space<vmem>>
    %dma_wait3A_85 = arith.constant 0 : i32
    %dma_wait3A_86 = tpu.memref_slice %arg3[%dma_wait3A, %dma_wait3A_85] : memref<2x320000xi32, #tpu.memory_space<hbm>> -> memref<1x128xi32, #tpu.memory_space<hbm>>
    %dma_wait3A_87 = tpu.memref_squeeze %dma_wait3A_86 : memref<1x128xi32, #tpu.memory_space<hbm>> -> memref<128xi32, #tpu.memory_space<hbm>>
    tpu.wait_dma2 semaphore(%arg14 : memref<!tpu.dma_semaphore, #tpu.memory_space<semaphore_mem>>) src(%dma_wait3A_87 : memref<128xi32, #tpu.memory_space<hbm>>) dst(%dma_wait3A_84 : memref<128xi32, #tpu.memory_space<vmem>>)
    %dma_start3A_88 = arith.constant 0 : i32
    %dma_start3A_89 = arith.constant 0 : i32
    %dma_start3A_90 = tpu.memref_slice %arg5[%dma_start3A_88, %dma_start3A_89] : memref<2x128xi32, #tpu.memory_space<vmem>> -> memref<1x128xi32, #tpu.memory_space<vmem>>
    %dma_start3A_91 = tpu.memref_squeeze %dma_start3A_90 : memref<1x128xi32, #tpu.memory_space<vmem>> -> memref<128xi32, #tpu.memory_space<vmem>>
    %dma_start3A_92 = arith.constant 0 : i32
    %dma_start3A_93 = arith.constant 0 : i32
    %dma_start3A_94 = tpu.memref_slice %arg2[%dma_start3A_92, %dma_start3A_93] : memref<10000x64xf32, #tpu.memory_space<hbm>> -> memref<10000x64xf32, #tpu.memory_space<hbm>>
    tpu.enqueue_indirect_dma source(%dma_start3A_94 : memref<10000x64xf32, #tpu.memory_space<hbm>>) target(%arg8 : memref<128x64xf32, #tpu.memory_space<vmem>>) offsets(%dma_start3A_91 : memref<128xi32, #tpu.memory_space<vmem>>) semaphore(%arg12 : memref<!tpu.dma_semaphore, #tpu.memory_space<semaphore_mem>>)
    %dma_wait3A_95 = arith.constant 0 : i32
    %dma_wait3A_96 = arith.constant 1 : i32
    %dma_wait3A_97 = arith.constant 0 : i32
    %dma_wait3A_98 = tpu.memref_slice %arg5[%dma_wait3A_96, %dma_wait3A_97] : memref<2x128xi32, #tpu.memory_space<vmem>> -> memref<1x128xi32, #tpu.memory_space<vmem>>
    %dma_wait3A_99 = tpu.memref_squeeze %dma_wait3A_98 : memref<1x128xi32, #tpu.memory_space<vmem>> -> memref<128xi32, #tpu.memory_space<vmem>>
    %dma_wait3A_100 = arith.constant 0 : i32
    %dma_wait3A_101 = tpu.memref_slice %arg3[%dma_wait3A_95, %dma_wait3A_100] : memref<2x320000xi32, #tpu.memory_space<hbm>> -> memref<1x128xi32, #tpu.memory_space<hbm>>
    %dma_wait3A_102 = tpu.memref_squeeze %dma_wait3A_101 : memref<1x128xi32, #tpu.memory_space<hbm>> -> memref<128xi32, #tpu.memory_space<hbm>>
    %dma_wait3A_103 = arith.constant 0 : i32
    %dma_wait3A_104 = tpu.memref_slice %arg5[%dma_wait3A_96, %dma_wait3A_103] : memref<2x128xi32, #tpu.memory_space<vmem>> -> memref<1x128xi32, #tpu.memory_space<vmem>>
    %dma_wait3A_105 = tpu.memref_squeeze %dma_wait3A_104 : memref<1x128xi32, #tpu.memory_space<vmem>> -> memref<128xi32, #tpu.memory_space<vmem>>
    %dma_wait3A_106 = arith.constant 0 : i32
    %dma_wait3A_107 = tpu.memref_slice %arg3[%dma_wait3A_95, %dma_wait3A_106] : memref<2x320000xi32, #tpu.memory_space<hbm>> -> memref<1x128xi32, #tpu.memory_space<hbm>>
    %dma_wait3A_108 = tpu.memref_squeeze %dma_wait3A_107 : memref<1x128xi32, #tpu.memory_space<hbm>> -> memref<128xi32, #tpu.memory_space<hbm>>
    tpu.wait_dma2 semaphore(%arg15 : memref<!tpu.dma_semaphore, #tpu.memory_space<semaphore_mem>>) src(%dma_wait3A_108 : memref<128xi32, #tpu.memory_space<hbm>>) dst(%dma_wait3A_105 : memref<128xi32, #tpu.memory_space<vmem>>)
    %dma_start3A_109 = arith.constant 1 : i32
    %dma_start3A_110 = arith.constant 0 : i32
    %dma_start3A_111 = tpu.memref_slice %arg5[%dma_start3A_109, %dma_start3A_110] : memref<2x128xi32, #tpu.memory_space<vmem>> -> memref<1x128xi32, #tpu.memory_space<vmem>>
    %dma_start3A_112 = tpu.memref_squeeze %dma_start3A_111 : memref<1x128xi32, #tpu.memory_space<vmem>> -> memref<128xi32, #tpu.memory_space<vmem>>
    %dma_start3A_113 = arith.constant 0 : i32
    %dma_start3A_114 = arith.constant 0 : i32
    %dma_start3A_115 = tpu.memref_slice %arg2[%dma_start3A_113, %dma_start3A_114] : memref<10000x64xf32, #tpu.memory_space<hbm>> -> memref<10000x64xf32, #tpu.memory_space<hbm>>
    tpu.enqueue_indirect_dma source(%dma_start3A_115 : memref<10000x64xf32, #tpu.memory_space<hbm>>) target(%arg9 : memref<128x64xf32, #tpu.memory_space<vmem>>) offsets(%dma_start3A_112 : memref<128xi32, #tpu.memory_space<vmem>>) semaphore(%arg13 : memref<!tpu.dma_semaphore, #tpu.memory_space<semaphore_mem>>)
    %scan3A_116 = arith.constant 0 : i32
    %scan3A_117 = arith.constant 38 : i32
    %scan3A_118 = arith.addi %scan3A_116, %scan3A_117 : i32
    %scan3A_119 = arith.constant 1 : i32
    scf.for %scan3A_249 = %scan3A_116 to %scan3A_118 step %scan3A_119  : i32 {
      %mul3A_250 = arith.constant 2 : i32
      %mul3A_251 = arith.muli %scan3A_249, %mul3A_250 : i32
      %add3A_252 = arith.constant 0 : i32
      %add3A_253 = arith.addi %add3A_252, %mul3A_251 : i32
      %dma_wait3A_254 = arith.constant 0 : i32
      %dma_wait3A_255 = arith.constant 0 : i32
      %dma_wait3A_256 = tpu.memref_slice %arg5[%dma_wait3A_254, %dma_wait3A_255] : memref<2x128xi32, #tpu.memory_space<vmem>> -> memref<1x128xi32, #tpu.memory_space<vmem>>
      %dma_wait3A_257 = tpu.memref_squeeze %dma_wait3A_256 : memref<1x128xi32, #tpu.memory_space<vmem>> -> memref<128xi32, #tpu.memory_space<vmem>>
      %dma_wait3A_258 = arith.constant 0 : i32
      %dma_wait3A_259 = arith.constant 0 : i32
      %dma_wait3A_260 = tpu.memref_slice %arg2[%dma_wait3A_258, %dma_wait3A_259] : memref<10000x64xf32, #tpu.memory_space<hbm>> -> memref<10000x64xf32, #tpu.memory_space<hbm>>
      tpu.wait_indirect_dma semaphore(%arg12 : memref<!tpu.dma_semaphore, #tpu.memory_space<semaphore_mem>>) src(%dma_wait3A_260 : memref<10000x64xf32, #tpu.memory_space<hbm>>) dst(%arg8 : memref<128x64xf32, #tpu.memory_space<vmem>>)
      %add3A_261 = arith.constant 2 : i32
      %add3A_262 = arith.addi %add3A_253, %add3A_261 : i32
      %mul3A_263 = arith.constant 128 : i32
      %mul3A_264 = arith.muli %add3A_262, %mul3A_263 : i32
      %add3A_265 = arith.addi %mul3A_2, %mul3A_264 : i32
      %dma_start3A_266 = arith.constant 0 : i32
      %dma_start3A_267 = arith.constant 0 : i32
      %dma_start3A_268 = arith.constant 0 : i32
      %dma_start3A_269 = tpu.memref_slice %arg5[%dma_start3A_267, %dma_start3A_268] : memref<2x128xi32, #tpu.memory_space<vmem>> -> memref<1x128xi32, #tpu.memory_space<vmem>>
      %dma_start3A_270 = tpu.memref_squeeze %dma_start3A_269 : memref<1x128xi32, #tpu.memory_space<vmem>> -> memref<128xi32, #tpu.memory_space<vmem>>
      %dma_start3A_271 = tpu.memref_slice %arg3[%dma_start3A_266, %add3A_265] : memref<2x320000xi32, #tpu.memory_space<hbm>> -> memref<1x128xi32, #tpu.memory_space<hbm>>
      %dma_start3A_272 = tpu.memref_squeeze %dma_start3A_271 : memref<1x128xi32, #tpu.memory_space<hbm>> -> memref<128xi32, #tpu.memory_space<hbm>>
      %dma_start3A_273 = arith.constant 0 : i32
      %dma_start3A_274 = tpu.memref_slice %arg5[%dma_start3A_267, %dma_start3A_273] : memref<2x128xi32, #tpu.memory_space<vmem>> -> memref<1x128xi32, #tpu.memory_space<vmem>>
      %dma_start3A_275 = tpu.memref_squeeze %dma_start3A_274 : memref<1x128xi32, #tpu.memory_space<vmem>> -> memref<128xi32, #tpu.memory_space<vmem>>
      %dma_start3A_276 = tpu.memref_slice %arg3[%dma_start3A_266, %add3A_265] : memref<2x320000xi32, #tpu.memory_space<hbm>> -> memref<1x128xi32, #tpu.memory_space<hbm>>
      %dma_start3A_277 = tpu.memref_squeeze %dma_start3A_276 : memref<1x128xi32, #tpu.memory_space<hbm>> -> memref<128xi32, #tpu.memory_space<hbm>>
      tpu.enqueue_dma source(%dma_start3A_277 : memref<128xi32, #tpu.memory_space<hbm>>) target(%dma_start3A_275 : memref<128xi32, #tpu.memory_space<vmem>>) target_semaphore(%arg14 : memref<!tpu.dma_semaphore, #tpu.memory_space<semaphore_mem>>)
      %dma_wait3A_278 = arith.constant 0 : i32
      %dma_wait3A_279 = arith.constant 0 : i32
      %dma_wait3A_280 = arith.constant 0 : i32
      %dma_wait3A_281 = tpu.memref_slice %arg6[%dma_wait3A_279, %dma_wait3A_280] : memref<2x128xi32, #tpu.memory_space<vmem>> -> memref<1x128xi32, #tpu.memory_space<vmem>>
      %dma_wait3A_282 = tpu.memref_squeeze %dma_wait3A_281 : memref<1x128xi32, #tpu.memory_space<vmem>> -> memref<128xi32, #tpu.memory_space<vmem>>
      %dma_wait3A_283 = arith.constant 0 : i32
      %dma_wait3A_284 = tpu.memref_slice %arg3[%dma_wait3A_278, %dma_wait3A_283] : memref<2x320000xi32, #tpu.memory_space<hbm>> -> memref<1x128xi32, #tpu.memory_space<hbm>>
      %dma_wait3A_285 = tpu.memref_squeeze %dma_wait3A_284 : memref<1x128xi32, #tpu.memory_space<hbm>> -> memref<128xi32, #tpu.memory_space<hbm>>
      %dma_wait3A_286 = arith.constant 0 : i32
      %dma_wait3A_287 = tpu.memref_slice %arg6[%dma_wait3A_279, %dma_wait3A_286] : memref<2x128xi32, #tpu.memory_space<vmem>> -> memref<1x128xi32, #tpu.memory_space<vmem>>
      %dma_wait3A_288 = tpu.memref_squeeze %dma_wait3A_287 : memref<1x128xi32, #tpu.memory_space<vmem>> -> memref<128xi32, #tpu.memory_space<vmem>>
      %dma_wait3A_289 = arith.constant 0 : i32
      %dma_wait3A_290 = tpu.memref_slice %arg3[%dma_wait3A_278, %dma_wait3A_289] : memref<2x320000xi32, #tpu.memory_space<hbm>> -> memref<1x128xi32, #tpu.memory_space<hbm>>
      %dma_wait3A_291 = tpu.memref_squeeze %dma_wait3A_290 : memref<1x128xi32, #tpu.memory_space<hbm>> -> memref<128xi32, #tpu.memory_space<hbm>>
      tpu.wait_dma2 semaphore(%arg16 : memref<!tpu.dma_semaphore, #tpu.memory_space<semaphore_mem>>) src(%dma_wait3A_291 : memref<128xi32, #tpu.memory_space<hbm>>) dst(%dma_wait3A_288 : memref<128xi32, #tpu.memory_space<vmem>>)
      %dma_start3A_292 = arith.constant 0 : i32
      %dma_start3A_293 = arith.constant 0 : i32
      %dma_start3A_294 = tpu.memref_slice %arg6[%dma_start3A_292, %dma_start3A_293] : memref<2x128xi32, #tpu.memory_space<vmem>> -> memref<1x128xi32, #tpu.memory_space<vmem>>
      %dma_start3A_295 = tpu.memref_squeeze %dma_start3A_294 : memref<1x128xi32, #tpu.memory_space<vmem>> -> memref<128xi32, #tpu.memory_space<vmem>>
      %dma_start3A_296 = arith.constant 0 : i32
      %dma_start3A_297 = arith.constant 0 : i32
      %dma_start3A_298 = tpu.memref_slice %arg11[%dma_start3A_296, %dma_start3A_297] : memref<10240x64xf32, #tpu.memory_space<vmem_shared>> -> memref<10240x64xf32, #tpu.memory_space<vmem_shared>>
      tpu.enqueue_indirect_dma source(%arg8 : memref<128x64xf32, #tpu.memory_space<vmem>>) target(%dma_start3A_298 : memref<10240x64xf32, #tpu.memory_space<vmem_shared>>) offsets(%dma_start3A_295 : memref<128xi32, #tpu.memory_space<vmem>>) semaphore(%arg18 : memref<!tpu.dma_semaphore, #tpu.memory_space<semaphore_mem>>) {add = true}
      %dma_wait3A_299 = arith.constant 0 : i32
      %dma_wait3A_300 = arith.constant 0 : i32
      %dma_wait3A_301 = tpu.memref_slice %arg6[%dma_wait3A_299, %dma_wait3A_300] : memref<2x128xi32, #tpu.memory_space<vmem>> -> memref<1x128xi32, #tpu.memory_space<vmem>>
      %dma_wait3A_302 = tpu.memref_squeeze %dma_wait3A_301 : memref<1x128xi32, #tpu.memory_space<vmem>> -> memref<128xi32, #tpu.memory_space<vmem>>
      %dma_wait3A_303 = arith.constant 0 : i32
      %dma_wait3A_304 = arith.constant 0 : i32
      %dma_wait3A_305 = tpu.memref_slice %arg11[%dma_wait3A_303, %dma_wait3A_304] : memref<10240x64xf32, #tpu.memory_space<vmem_shared>> -> memref<10240x64xf32, #tpu.memory_space<vmem_shared>>
      tpu.wait_indirect_dma semaphore(%arg18 : memref<!tpu.dma_semaphore, #tpu.memory_space<semaphore_mem>>) src(%arg8 : memref<128x64xf32, #tpu.memory_space<vmem>>) dst(%dma_wait3A_305 : memref<10240x64xf32, #tpu.memory_space<vmem_shared>>)
      %add3A_306 = arith.constant 2 : i32
      %add3A_307 = arith.addi %add3A_253, %add3A_306 : i32
      %mul3A_308 = arith.constant 128 : i32
      %mul3A_309 = arith.muli %add3A_307, %mul3A_308 : i32
      %add3A_310 = arith.addi %mul3A_2, %mul3A_309 : i32
      %dma_start3A_311 = arith.constant 1 : i32
      %dma_start3A_312 = arith.constant 0 : i32
      %dma_start3A_313 = arith.constant 0 : i32
      %dma_start3A_314 = tpu.memref_slice %arg6[%dma_start3A_312, %dma_start3A_313] : memref<2x128xi32, #tpu.memory_space<vmem>> -> memref<1x128xi32, #tpu.memory_space<vmem>>
      %dma_start3A_315 = tpu.memref_squeeze %dma_start3A_314 : memref<1x128xi32, #tpu.memory_space<vmem>> -> memref<128xi32, #tpu.memory_space<vmem>>
      %dma_start3A_316 = tpu.memref_slice %arg3[%dma_start3A_311, %add3A_310] : memref<2x320000xi32, #tpu.memory_space<hbm>> -> memref<1x128xi32, #tpu.memory_space<hbm>>
      %dma_start3A_317 = tpu.memref_squeeze %dma_start3A_316 : memref<1x128xi32, #tpu.memory_space<hbm>> -> memref<128xi32, #tpu.memory_space<hbm>>
      %dma_start3A_318 = arith.constant 0 : i32
      %dma_start3A_319 = tpu.memref_slice %arg6[%dma_start3A_312, %dma_start3A_318] : memref<2x128xi32, #tpu.memory_space<vmem>> -> memref<1x128xi32, #tpu.memory_space<vmem>>
      %dma_start3A_320 = tpu.memref_squeeze %dma_start3A_319 : memref<1x128xi32, #tpu.memory_space<vmem>> -> memref<128xi32, #tpu.memory_space<vmem>>
      %dma_start3A_321 = tpu.memref_slice %arg3[%dma_start3A_311, %add3A_310] : memref<2x320000xi32, #tpu.memory_space<hbm>> -> memref<1x128xi32, #tpu.memory_space<hbm>>
      %dma_start3A_322 = tpu.memref_squeeze %dma_start3A_321 : memref<1x128xi32, #tpu.memory_space<hbm>> -> memref<128xi32, #tpu.memory_space<hbm>>
      tpu.enqueue_dma source(%dma_start3A_322 : memref<128xi32, #tpu.memory_space<hbm>>) target(%dma_start3A_320 : memref<128xi32, #tpu.memory_space<vmem>>) target_semaphore(%arg16 : memref<!tpu.dma_semaphore, #tpu.memory_space<semaphore_mem>>)
      %dma_wait3A_323 = arith.constant 0 : i32
      %dma_wait3A_324 = arith.constant 0 : i32
      %dma_wait3A_325 = arith.constant 0 : i32
      %dma_wait3A_326 = tpu.memref_slice %arg5[%dma_wait3A_324, %dma_wait3A_325] : memref<2x128xi32, #tpu.memory_space<vmem>> -> memref<1x128xi32, #tpu.memory_space<vmem>>
      %dma_wait3A_327 = tpu.memref_squeeze %dma_wait3A_326 : memref<1x128xi32, #tpu.memory_space<vmem>> -> memref<128xi32, #tpu.memory_space<vmem>>
      %dma_wait3A_328 = arith.constant 0 : i32
      %dma_wait3A_329 = tpu.memref_slice %arg3[%dma_wait3A_323, %dma_wait3A_328] : memref<2x320000xi32, #tpu.memory_space<hbm>> -> memref<1x128xi32, #tpu.memory_space<hbm>>
      %dma_wait3A_330 = tpu.memref_squeeze %dma_wait3A_329 : memref<1x128xi32, #tpu.memory_space<hbm>> -> memref<128xi32, #tpu.memory_space<hbm>>
      %dma_wait3A_331 = arith.constant 0 : i32
      %dma_wait3A_332 = tpu.memref_slice %arg5[%dma_wait3A_324, %dma_wait3A_331] : memref<2x128xi32, #tpu.memory_space<vmem>> -> memref<1x128xi32, #tpu.memory_space<vmem>>
      %dma_wait3A_333 = tpu.memref_squeeze %dma_wait3A_332 : memref<1x128xi32, #tpu.memory_space<vmem>> -> memref<128xi32, #tpu.memory_space<vmem>>
      %dma_wait3A_334 = arith.constant 0 : i32
      %dma_wait3A_335 = tpu.memref_slice %arg3[%dma_wait3A_323, %dma_wait3A_334] : memref<2x320000xi32, #tpu.memory_space<hbm>> -> memref<1x128xi32, #tpu.memory_space<hbm>>
      %dma_wait3A_336 = tpu.memref_squeeze %dma_wait3A_335 : memref<1x128xi32, #tpu.memory_space<hbm>> -> memref<128xi32, #tpu.memory_space<hbm>>
      tpu.wait_dma2 semaphore(%arg14 : memref<!tpu.dma_semaphore, #tpu.memory_space<semaphore_mem>>) src(%dma_wait3A_336 : memref<128xi32, #tpu.memory_space<hbm>>) dst(%dma_wait3A_333 : memref<128xi32, #tpu.memory_space<vmem>>)
      %dma_start3A_337 = arith.constant 0 : i32
      %dma_start3A_338 = arith.constant 0 : i32
      %dma_start3A_339 = tpu.memref_slice %arg5[%dma_start3A_337, %dma_start3A_338] : memref<2x128xi32, #tpu.memory_space<vmem>> -> memref<1x128xi32, #tpu.memory_space<vmem>>
      %dma_start3A_340 = tpu.memref_squeeze %dma_start3A_339 : memref<1x128xi32, #tpu.memory_space<vmem>> -> memref<128xi32, #tpu.memory_space<vmem>>
      %dma_start3A_341 = arith.constant 0 : i32
      %dma_start3A_342 = arith.constant 0 : i32
      %dma_start3A_343 = tpu.memref_slice %arg2[%dma_start3A_341, %dma_start3A_342] : memref<10000x64xf32, #tpu.memory_space<hbm>> -> memref<10000x64xf32, #tpu.memory_space<hbm>>
      tpu.enqueue_indirect_dma source(%dma_start3A_343 : memref<10000x64xf32, #tpu.memory_space<hbm>>) target(%arg8 : memref<128x64xf32, #tpu.memory_space<vmem>>) offsets(%dma_start3A_340 : memref<128xi32, #tpu.memory_space<vmem>>) semaphore(%arg12 : memref<!tpu.dma_semaphore, #tpu.memory_space<semaphore_mem>>)
      %dma_wait3A_344 = arith.constant 1 : i32
      %dma_wait3A_345 = arith.constant 0 : i32
      %dma_wait3A_346 = tpu.memref_slice %arg5[%dma_wait3A_344, %dma_wait3A_345] : memref<2x128xi32, #tpu.memory_space<vmem>> -> memref<1x128xi32, #tpu.memory_space<vmem>>
      %dma_wait3A_347 = tpu.memref_squeeze %dma_wait3A_346 : memref<1x128xi32, #tpu.memory_space<vmem>> -> memref<128xi32, #tpu.memory_space<vmem>>
      %dma_wait3A_348 = arith.constant 0 : i32
      %dma_wait3A_349 = arith.constant 0 : i32
      %dma_wait3A_350 = tpu.memref_slice %arg2[%dma_wait3A_348, %dma_wait3A_349] : memref<10000x64xf32, #tpu.memory_space<hbm>> -> memref<10000x64xf32, #tpu.memory_space<hbm>>
      tpu.wait_indirect_dma semaphore(%arg13 : memref<!tpu.dma_semaphore, #tpu.memory_space<semaphore_mem>>) src(%dma_wait3A_350 : memref<10000x64xf32, #tpu.memory_space<hbm>>) dst(%arg9 : memref<128x64xf32, #tpu.memory_space<vmem>>)
      %add3A_351 = arith.constant 3 : i32
      %add3A_352 = arith.addi %add3A_253, %add3A_351 : i32
      %mul3A_353 = arith.constant 128 : i32
      %mul3A_354 = arith.muli %add3A_352, %mul3A_353 : i32
      %add3A_355 = arith.addi %mul3A_2, %mul3A_354 : i32
      %dma_start3A_356 = arith.constant 0 : i32
      %dma_start3A_357 = arith.constant 1 : i32
      %dma_start3A_358 = arith.constant 0 : i32
      %dma_start3A_359 = tpu.memref_slice %arg5[%dma_start3A_357, %dma_start3A_358] : memref<2x128xi32, #tpu.memory_space<vmem>> -> memref<1x128xi32, #tpu.memory_space<vmem>>
      %dma_start3A_360 = tpu.memref_squeeze %dma_start3A_359 : memref<1x128xi32, #tpu.memory_space<vmem>> -> memref<128xi32, #tpu.memory_space<vmem>>
      %dma_start3A_361 = tpu.memref_slice %arg3[%dma_start3A_356, %add3A_355] : memref<2x320000xi32, #tpu.memory_space<hbm>> -> memref<1x128xi32, #tpu.memory_space<hbm>>
      %dma_start3A_362 = tpu.memref_squeeze %dma_start3A_361 : memref<1x128xi32, #tpu.memory_space<hbm>> -> memref<128xi32, #tpu.memory_space<hbm>>
      %dma_start3A_363 = arith.constant 0 : i32
      %dma_start3A_364 = tpu.memref_slice %arg5[%dma_start3A_357, %dma_start3A_363] : memref<2x128xi32, #tpu.memory_space<vmem>> -> memref<1x128xi32, #tpu.memory_space<vmem>>
      %dma_start3A_365 = tpu.memref_squeeze %dma_start3A_364 : memref<1x128xi32, #tpu.memory_space<vmem>> -> memref<128xi32, #tpu.memory_space<vmem>>
      %dma_start3A_366 = tpu.memref_slice %arg3[%dma_start3A_356, %add3A_355] : memref<2x320000xi32, #tpu.memory_space<hbm>> -> memref<1x128xi32, #tpu.memory_space<hbm>>
      %dma_start3A_367 = tpu.memref_squeeze %dma_start3A_366 : memref<1x128xi32, #tpu.memory_space<hbm>> -> memref<128xi32, #tpu.memory_space<hbm>>
      tpu.enqueue_dma source(%dma_start3A_367 : memref<128xi32, #tpu.memory_space<hbm>>) target(%dma_start3A_365 : memref<128xi32, #tpu.memory_space<vmem>>) target_semaphore(%arg15 : memref<!tpu.dma_semaphore, #tpu.memory_space<semaphore_mem>>)
      %dma_wait3A_368 = arith.constant 0 : i32
      %dma_wait3A_369 = arith.constant 1 : i32
      %dma_wait3A_370 = arith.constant 0 : i32
      %dma_wait3A_371 = tpu.memref_slice %arg6[%dma_wait3A_369, %dma_wait3A_370] : memref<2x128xi32, #tpu.memory_space<vmem>> -> memref<1x128xi32, #tpu.memory_space<vmem>>
      %dma_wait3A_372 = tpu.memref_squeeze %dma_wait3A_371 : memref<1x128xi32, #tpu.memory_space<vmem>> -> memref<128xi32, #tpu.memory_space<vmem>>
      %dma_wait3A_373 = arith.constant 0 : i32
      %dma_wait3A_374 = tpu.memref_slice %arg3[%dma_wait3A_368, %dma_wait3A_373] : memref<2x320000xi32, #tpu.memory_space<hbm>> -> memref<1x128xi32, #tpu.memory_space<hbm>>
      %dma_wait3A_375 = tpu.memref_squeeze %dma_wait3A_374 : memref<1x128xi32, #tpu.memory_space<hbm>> -> memref<128xi32, #tpu.memory_space<hbm>>
      %dma_wait3A_376 = arith.constant 0 : i32
      %dma_wait3A_377 = tpu.memref_slice %arg6[%dma_wait3A_369, %dma_wait3A_376] : memref<2x128xi32, #tpu.memory_space<vmem>> -> memref<1x128xi32, #tpu.memory_space<vmem>>
      %dma_wait3A_378 = tpu.memref_squeeze %dma_wait3A_377 : memref<1x128xi32, #tpu.memory_space<vmem>> -> memref<128xi32, #tpu.memory_space<vmem>>
      %dma_wait3A_379 = arith.constant 0 : i32
      %dma_wait3A_380 = tpu.memref_slice %arg3[%dma_wait3A_368, %dma_wait3A_379] : memref<2x320000xi32, #tpu.memory_space<hbm>> -> memref<1x128xi32, #tpu.memory_space<hbm>>
      %dma_wait3A_381 = tpu.memref_squeeze %dma_wait3A_380 : memref<1x128xi32, #tpu.memory_space<hbm>> -> memref<128xi32, #tpu.memory_space<hbm>>
      tpu.wait_dma2 semaphore(%arg17 : memref<!tpu.dma_semaphore, #tpu.memory_space<semaphore_mem>>) src(%dma_wait3A_381 : memref<128xi32, #tpu.memory_space<hbm>>) dst(%dma_wait3A_378 : memref<128xi32, #tpu.memory_space<vmem>>)
      %dma_start3A_382 = arith.constant 1 : i32
      %dma_start3A_383 = arith.constant 0 : i32
      %dma_start3A_384 = tpu.memref_slice %arg6[%dma_start3A_382, %dma_start3A_383] : memref<2x128xi32, #tpu.memory_space<vmem>> -> memref<1x128xi32, #tpu.memory_space<vmem>>
      %dma_start3A_385 = tpu.memref_squeeze %dma_start3A_384 : memref<1x128xi32, #tpu.memory_space<vmem>> -> memref<128xi32, #tpu.memory_space<vmem>>
      %dma_start3A_386 = arith.constant 0 : i32
      %dma_start3A_387 = arith.constant 0 : i32
      %dma_start3A_388 = tpu.memref_slice %arg11[%dma_start3A_386, %dma_start3A_387] : memref<10240x64xf32, #tpu.memory_space<vmem_shared>> -> memref<10240x64xf32, #tpu.memory_space<vmem_shared>>
      tpu.enqueue_indirect_dma source(%arg9 : memref<128x64xf32, #tpu.memory_space<vmem>>) target(%dma_start3A_388 : memref<10240x64xf32, #tpu.memory_space<vmem_shared>>) offsets(%dma_start3A_385 : memref<128xi32, #tpu.memory_space<vmem>>) semaphore(%arg18 : memref<!tpu.dma_semaphore, #tpu.memory_space<semaphore_mem>>) {add = true}
      %dma_wait3A_389 = arith.constant 1 : i32
      %dma_wait3A_390 = arith.constant 0 : i32
      %dma_wait3A_391 = tpu.memref_slice %arg6[%dma_wait3A_389, %dma_wait3A_390] : memref<2x128xi32, #tpu.memory_space<vmem>> -> memref<1x128xi32, #tpu.memory_space<vmem>>
      %dma_wait3A_392 = tpu.memref_squeeze %dma_wait3A_391 : memref<1x128xi32, #tpu.memory_space<vmem>> -> memref<128xi32, #tpu.memory_space<vmem>>
      %dma_wait3A_393 = arith.constant 0 : i32
      %dma_wait3A_394 = arith.constant 0 : i32
      %dma_wait3A_395 = tpu.memref_slice %arg11[%dma_wait3A_393, %dma_wait3A_394] : memref<10240x64xf32, #tpu.memory_space<vmem_shared>> -> memref<10240x64xf32, #tpu.memory_space<vmem_shared>>
      tpu.wait_indirect_dma semaphore(%arg18 : memref<!tpu.dma_semaphore, #tpu.memory_space<semaphore_mem>>) src(%arg9 : memref<128x64xf32, #tpu.memory_space<vmem>>) dst(%dma_wait3A_395 : memref<10240x64xf32, #tpu.memory_space<vmem_shared>>)
      %add3A_396 = arith.constant 3 : i32
      %add3A_397 = arith.addi %add3A_253, %add3A_396 : i32
      %mul3A_398 = arith.constant 128 : i32
      %mul3A_399 = arith.muli %add3A_397, %mul3A_398 : i32
      %add3A_400 = arith.addi %mul3A_2, %mul3A_399 : i32
      %dma_start3A_401 = arith.constant 1 : i32
      %dma_start3A_402 = arith.constant 1 : i32
      %dma_start3A_403 = arith.constant 0 : i32
      %dma_start3A_404 = tpu.memref_slice %arg6[%dma_start3A_402, %dma_start3A_403] : memref<2x128xi32, #tpu.memory_space<vmem>> -> memref<1x128xi32, #tpu.memory_space<vmem>>
      %dma_start3A_405 = tpu.memref_squeeze %dma_start3A_404 : memref<1x128xi32, #tpu.memory_space<vmem>> -> memref<128xi32, #tpu.memory_space<vmem>>
      %dma_start3A_406 = tpu.memref_slice %arg3[%dma_start3A_401, %add3A_400] : memref<2x320000xi32, #tpu.memory_space<hbm>> -> memref<1x128xi32, #tpu.memory_space<hbm>>
      %dma_start3A_407 = tpu.memref_squeeze %dma_start3A_406 : memref<1x128xi32, #tpu.memory_space<hbm>> -> memref<128xi32, #tpu.memory_space<hbm>>
      %dma_start3A_408 = arith.constant 0 : i32
      %dma_start3A_409 = tpu.memref_slice %arg6[%dma_start3A_402, %dma_start3A_408] : memref<2x128xi32, #tpu.memory_space<vmem>> -> memref<1x128xi32, #tpu.memory_space<vmem>>
      %dma_start3A_410 = tpu.memref_squeeze %dma_start3A_409 : memref<1x128xi32, #tpu.memory_space<vmem>> -> memref<128xi32, #tpu.memory_space<vmem>>
      %dma_start3A_411 = tpu.memref_slice %arg3[%dma_start3A_401, %add3A_400] : memref<2x320000xi32, #tpu.memory_space<hbm>> -> memref<1x128xi32, #tpu.memory_space<hbm>>
      %dma_start3A_412 = tpu.memref_squeeze %dma_start3A_411 : memref<1x128xi32, #tpu.memory_space<hbm>> -> memref<128xi32, #tpu.memory_space<hbm>>
      tpu.enqueue_dma source(%dma_start3A_412 : memref<128xi32, #tpu.memory_space<hbm>>) target(%dma_start3A_410 : memref<128xi32, #tpu.memory_space<vmem>>) target_semaphore(%arg17 : memref<!tpu.dma_semaphore, #tpu.memory_space<semaphore_mem>>)
      %dma_wait3A_413 = arith.constant 0 : i32
      %dma_wait3A_414 = arith.constant 1 : i32
      %dma_wait3A_415 = arith.constant 0 : i32
      %dma_wait3A_416 = tpu.memref_slice %arg5[%dma_wait3A_414, %dma_wait3A_415] : memref<2x128xi32, #tpu.memory_space<vmem>> -> memref<1x128xi32, #tpu.memory_space<vmem>>
      %dma_wait3A_417 = tpu.memref_squeeze %dma_wait3A_416 : memref<1x128xi32, #tpu.memory_space<vmem>> -> memref<128xi32, #tpu.memory_space<vmem>>
      %dma_wait3A_418 = arith.constant 0 : i32
      %dma_wait3A_419 = tpu.memref_slice %arg3[%dma_wait3A_413, %dma_wait3A_418] : memref<2x320000xi32, #tpu.memory_space<hbm>> -> memref<1x128xi32, #tpu.memory_space<hbm>>
      %dma_wait3A_420 = tpu.memref_squeeze %dma_wait3A_419 : memref<1x128xi32, #tpu.memory_space<hbm>> -> memref<128xi32, #tpu.memory_space<hbm>>
      %dma_wait3A_421 = arith.constant 0 : i32
      %dma_wait3A_422 = tpu.memref_slice %arg5[%dma_wait3A_414, %dma_wait3A_421] : memref<2x128xi32, #tpu.memory_space<vmem>> -> memref<1x128xi32, #tpu.memory_space<vmem>>
      %dma_wait3A_423 = tpu.memref_squeeze %dma_wait3A_422 : memref<1x128xi32, #tpu.memory_space<vmem>> -> memref<128xi32, #tpu.memory_space<vmem>>
      %dma_wait3A_424 = arith.constant 0 : i32
      %dma_wait3A_425 = tpu.memref_slice %arg3[%dma_wait3A_413, %dma_wait3A_424] : memref<2x320000xi32, #tpu.memory_space<hbm>> -> memref<1x128xi32, #tpu.memory_space<hbm>>
      %dma_wait3A_426 = tpu.memref_squeeze %dma_wait3A_425 : memref<1x128xi32, #tpu.memory_space<hbm>> -> memref<128xi32, #tpu.memory_space<hbm>>
      tpu.wait_dma2 semaphore(%arg15 : memref<!tpu.dma_semaphore, #tpu.memory_space<semaphore_mem>>) src(%dma_wait3A_426 : memref<128xi32, #tpu.memory_space<hbm>>) dst(%dma_wait3A_423 : memref<128xi32, #tpu.memory_space<vmem>>)
      %dma_start3A_427 = arith.constant 1 : i32
      %dma_start3A_428 = arith.constant 0 : i32
      %dma_start3A_429 = tpu.memref_slice %arg5[%dma_start3A_427, %dma_start3A_428] : memref<2x128xi32, #tpu.memory_space<vmem>> -> memref<1x128xi32, #tpu.memory_space<vmem>>
      %dma_start3A_430 = tpu.memref_squeeze %dma_start3A_429 : memref<1x128xi32, #tpu.memory_space<vmem>> -> memref<128xi32, #tpu.memory_space<vmem>>
      %dma_start3A_431 = arith.constant 0 : i32
      %dma_start3A_432 = arith.constant 0 : i32
      %dma_start3A_433 = tpu.memref_slice %arg2[%dma_start3A_431, %dma_start3A_432] : memref<10000x64xf32, #tpu.memory_space<hbm>> -> memref<10000x64xf32, #tpu.memory_space<hbm>>
      tpu.enqueue_indirect_dma source(%dma_start3A_433 : memref<10000x64xf32, #tpu.memory_space<hbm>>) target(%arg9 : memref<128x64xf32, #tpu.memory_space<vmem>>) offsets(%dma_start3A_430 : memref<128xi32, #tpu.memory_space<vmem>>) semaphore(%arg13 : memref<!tpu.dma_semaphore, #tpu.memory_space<semaphore_mem>>)
    }
    %scan3A_120 = arith.constant 38 : i32
    %dma_wait3A_121 = arith.constant 0 : i32
    %dma_wait3A_122 = arith.constant 0 : i32
    %dma_wait3A_123 = tpu.memref_slice %arg5[%dma_wait3A_121, %dma_wait3A_122] : memref<2x128xi32, #tpu.memory_space<vmem>> -> memref<1x128xi32, #tpu.memory_space<vmem>>
    %dma_wait3A_124 = tpu.memref_squeeze %dma_wait3A_123 : memref<1x128xi32, #tpu.memory_space<vmem>> -> memref<128xi32, #tpu.memory_space<vmem>>
    %dma_wait3A_125 = arith.constant 0 : i32
    %dma_wait3A_126 = arith.constant 0 : i32
    %dma_wait3A_127 = tpu.memref_slice %arg2[%dma_wait3A_125, %dma_wait3A_126] : memref<10000x64xf32, #tpu.memory_space<hbm>> -> memref<10000x64xf32, #tpu.memory_space<hbm>>
    tpu.wait_indirect_dma semaphore(%arg12 : memref<!tpu.dma_semaphore, #tpu.memory_space<semaphore_mem>>) src(%dma_wait3A_127 : memref<10000x64xf32, #tpu.memory_space<hbm>>) dst(%arg8 : memref<128x64xf32, #tpu.memory_space<vmem>>)
    %dma_wait3A_128 = arith.constant 0 : i32
    %dma_wait3A_129 = arith.constant 0 : i32
    %dma_wait3A_130 = arith.constant 0 : i32
    %dma_wait3A_131 = tpu.memref_slice %arg6[%dma_wait3A_129, %dma_wait3A_130] : memref<2x128xi32, #tpu.memory_space<vmem>> -> memref<1x128xi32, #tpu.memory_space<vmem>>
    %dma_wait3A_132 = tpu.memref_squeeze %dma_wait3A_131 : memref<1x128xi32, #tpu.memory_space<vmem>> -> memref<128xi32, #tpu.memory_space<vmem>>
    %dma_wait3A_133 = arith.constant 0 : i32
    %dma_wait3A_134 = tpu.memref_slice %arg3[%dma_wait3A_128, %dma_wait3A_133] : memref<2x320000xi32, #tpu.memory_space<hbm>> -> memref<1x128xi32, #tpu.memory_space<hbm>>
    %dma_wait3A_135 = tpu.memref_squeeze %dma_wait3A_134 : memref<1x128xi32, #tpu.memory_space<hbm>> -> memref<128xi32, #tpu.memory_space<hbm>>
    %dma_wait3A_136 = arith.constant 0 : i32
    %dma_wait3A_137 = tpu.memref_slice %arg6[%dma_wait3A_129, %dma_wait3A_136] : memref<2x128xi32, #tpu.memory_space<vmem>> -> memref<1x128xi32, #tpu.memory_space<vmem>>
    %dma_wait3A_138 = tpu.memref_squeeze %dma_wait3A_137 : memref<1x128xi32, #tpu.memory_space<vmem>> -> memref<128xi32, #tpu.memory_space<vmem>>
    %dma_wait3A_139 = arith.constant 0 : i32
    %dma_wait3A_140 = tpu.memref_slice %arg3[%dma_wait3A_128, %dma_wait3A_139] : memref<2x320000xi32, #tpu.memory_space<hbm>> -> memref<1x128xi32, #tpu.memory_space<hbm>>
    %dma_wait3A_141 = tpu.memref_squeeze %dma_wait3A_140 : memref<1x128xi32, #tpu.memory_space<hbm>> -> memref<128xi32, #tpu.memory_space<hbm>>
    tpu.wait_dma2 semaphore(%arg16 : memref<!tpu.dma_semaphore, #tpu.memory_space<semaphore_mem>>) src(%dma_wait3A_141 : memref<128xi32, #tpu.memory_space<hbm>>) dst(%dma_wait3A_138 : memref<128xi32, #tpu.memory_space<vmem>>)
    %dma_start3A_142 = arith.constant 0 : i32
    %dma_start3A_143 = arith.constant 0 : i32
    %dma_start3A_144 = tpu.memref_slice %arg6[%dma_start3A_142, %dma_start3A_143] : memref<2x128xi32, #tpu.memory_space<vmem>> -> memref<1x128xi32, #tpu.memory_space<vmem>>
    %dma_start3A_145 = tpu.memref_squeeze %dma_start3A_144 : memref<1x128xi32, #tpu.memory_space<vmem>> -> memref<128xi32, #tpu.memory_space<vmem>>
    %dma_start3A_146 = arith.constant 0 : i32
    %dma_start3A_147 = arith.constant 0 : i32
    %dma_start3A_148 = tpu.memref_slice %arg11[%dma_start3A_146, %dma_start3A_147] : memref<10240x64xf32, #tpu.memory_space<vmem_shared>> -> memref<10240x64xf32, #tpu.memory_space<vmem_shared>>
    tpu.enqueue_indirect_dma source(%arg8 : memref<128x64xf32, #tpu.memory_space<vmem>>) target(%dma_start3A_148 : memref<10240x64xf32, #tpu.memory_space<vmem_shared>>) offsets(%dma_start3A_145 : memref<128xi32, #tpu.memory_space<vmem>>) semaphore(%arg18 : memref<!tpu.dma_semaphore, #tpu.memory_space<semaphore_mem>>) {add = true}
    %dma_wait3A_149 = arith.constant 0 : i32
    %dma_wait3A_150 = arith.constant 0 : i32
    %dma_wait3A_151 = tpu.memref_slice %arg6[%dma_wait3A_149, %dma_wait3A_150] : memref<2x128xi32, #tpu.memory_space<vmem>> -> memref<1x128xi32, #tpu.memory_space<vmem>>
    %dma_wait3A_152 = tpu.memref_squeeze %dma_wait3A_151 : memref<1x128xi32, #tpu.memory_space<vmem>> -> memref<128xi32, #tpu.memory_space<vmem>>
    %dma_wait3A_153 = arith.constant 0 : i32
    %dma_wait3A_154 = arith.constant 0 : i32
    %dma_wait3A_155 = tpu.memref_slice %arg11[%dma_wait3A_153, %dma_wait3A_154] : memref<10240x64xf32, #tpu.memory_space<vmem_shared>> -> memref<10240x64xf32, #tpu.memory_space<vmem_shared>>
    tpu.wait_indirect_dma semaphore(%arg18 : memref<!tpu.dma_semaphore, #tpu.memory_space<semaphore_mem>>) src(%arg8 : memref<128x64xf32, #tpu.memory_space<vmem>>) dst(%dma_wait3A_155 : memref<10240x64xf32, #tpu.memory_space<vmem_shared>>)
    %add3A_156 = arith.constant 9984 : i32
    %add3A_157 = arith.addi %mul3A_2, %add3A_156 : i32
    %dma_start3A_158 = arith.constant 0 : i32
    %dma_start3A_159 = arith.constant 0 : i32
    %dma_start3A_160 = arith.constant 0 : i32
    %dma_start3A_161 = tpu.memref_slice %arg7[%dma_start3A_159, %dma_start3A_160] : memref<2x16xi32, #tpu.memory_space<vmem>> -> memref<1x16xi32, #tpu.memory_space<vmem>>
    %dma_start3A_162 = tpu.memref_squeeze %dma_start3A_161 : memref<1x16xi32, #tpu.memory_space<vmem>> -> memref<16xi32, #tpu.memory_space<vmem>>
    %dma_start3A_163 = tpu.memref_slice %arg3[%dma_start3A_158, %add3A_157] : memref<2x320000xi32, #tpu.memory_space<hbm>> -> memref<1x16xi32, #tpu.memory_space<hbm>>
    %dma_start3A_164 = tpu.memref_squeeze %dma_start3A_163 : memref<1x16xi32, #tpu.memory_space<hbm>> -> memref<16xi32, #tpu.memory_space<hbm>>
    %dma_start3A_165 = arith.constant 0 : i32
    %dma_start3A_166 = tpu.memref_slice %arg7[%dma_start3A_159, %dma_start3A_165] : memref<2x16xi32, #tpu.memory_space<vmem>> -> memref<1x16xi32, #tpu.memory_space<vmem>>
    %dma_start3A_167 = tpu.memref_squeeze %dma_start3A_166 : memref<1x16xi32, #tpu.memory_space<vmem>> -> memref<16xi32, #tpu.memory_space<vmem>>
    %dma_start3A_168 = tpu.memref_slice %arg3[%dma_start3A_158, %add3A_157] : memref<2x320000xi32, #tpu.memory_space<hbm>> -> memref<1x16xi32, #tpu.memory_space<hbm>>
    %dma_start3A_169 = tpu.memref_squeeze %dma_start3A_168 : memref<1x16xi32, #tpu.memory_space<hbm>> -> memref<16xi32, #tpu.memory_space<hbm>>
    tpu.enqueue_dma source(%dma_start3A_169 : memref<16xi32, #tpu.memory_space<hbm>>) target(%dma_start3A_167 : memref<16xi32, #tpu.memory_space<vmem>>) target_semaphore(%arg14 : memref<!tpu.dma_semaphore, #tpu.memory_space<semaphore_mem>>)
    %add3A_170 = arith.constant 9984 : i32
    %add3A_171 = arith.addi %mul3A_2, %add3A_170 : i32
    %dma_start3A_172 = arith.constant 1 : i32
    %dma_start3A_173 = arith.constant 1 : i32
    %dma_start3A_174 = arith.constant 0 : i32
    %dma_start3A_175 = tpu.memref_slice %arg7[%dma_start3A_173, %dma_start3A_174] : memref<2x16xi32, #tpu.memory_space<vmem>> -> memref<1x16xi32, #tpu.memory_space<vmem>>
    %dma_start3A_176 = tpu.memref_squeeze %dma_start3A_175 : memref<1x16xi32, #tpu.memory_space<vmem>> -> memref<16xi32, #tpu.memory_space<vmem>>
    %dma_start3A_177 = tpu.memref_slice %arg3[%dma_start3A_172, %add3A_171] : memref<2x320000xi32, #tpu.memory_space<hbm>> -> memref<1x16xi32, #tpu.memory_space<hbm>>
    %dma_start3A_178 = tpu.memref_squeeze %dma_start3A_177 : memref<1x16xi32, #tpu.memory_space<hbm>> -> memref<16xi32, #tpu.memory_space<hbm>>
    %dma_start3A_179 = arith.constant 0 : i32
    %dma_start3A_180 = tpu.memref_slice %arg7[%dma_start3A_173, %dma_start3A_179] : memref<2x16xi32, #tpu.memory_space<vmem>> -> memref<1x16xi32, #tpu.memory_space<vmem>>
    %dma_start3A_181 = tpu.memref_squeeze %dma_start3A_180 : memref<1x16xi32, #tpu.memory_space<vmem>> -> memref<16xi32, #tpu.memory_space<vmem>>
    %dma_start3A_182 = tpu.memref_slice %arg3[%dma_start3A_172, %add3A_171] : memref<2x320000xi32, #tpu.memory_space<hbm>> -> memref<1x16xi32, #tpu.memory_space<hbm>>
    %dma_start3A_183 = tpu.memref_squeeze %dma_start3A_182 : memref<1x16xi32, #tpu.memory_space<hbm>> -> memref<16xi32, #tpu.memory_space<hbm>>
    tpu.enqueue_dma source(%dma_start3A_183 : memref<16xi32, #tpu.memory_space<hbm>>) target(%dma_start3A_181 : memref<16xi32, #tpu.memory_space<vmem>>) target_semaphore(%arg16 : memref<!tpu.dma_semaphore, #tpu.memory_space<semaphore_mem>>)
    %dma_wait3A_184 = arith.constant 1 : i32
    %dma_wait3A_185 = arith.constant 0 : i32
    %dma_wait3A_186 = tpu.memref_slice %arg5[%dma_wait3A_184, %dma_wait3A_185] : memref<2x128xi32, #tpu.memory_space<vmem>> -> memref<1x128xi32, #tpu.memory_space<vmem>>
    %dma_wait3A_187 = tpu.memref_squeeze %dma_wait3A_186 : memref<1x128xi32, #tpu.memory_space<vmem>> -> memref<128xi32, #tpu.memory_space<vmem>>
    %dma_wait3A_188 = arith.constant 0 : i32
    %dma_wait3A_189 = arith.constant 0 : i32
    %dma_wait3A_190 = tpu.memref_slice %arg2[%dma_wait3A_188, %dma_wait3A_189] : memref<10000x64xf32, #tpu.memory_space<hbm>> -> memref<10000x64xf32, #tpu.memory_space<hbm>>
    tpu.wait_indirect_dma semaphore(%arg13 : memref<!tpu.dma_semaphore, #tpu.memory_space<semaphore_mem>>) src(%dma_wait3A_190 : memref<10000x64xf32, #tpu.memory_space<hbm>>) dst(%arg9 : memref<128x64xf32, #tpu.memory_space<vmem>>)
    %dma_wait3A_191 = arith.constant 0 : i32
    %dma_wait3A_192 = arith.constant 1 : i32
    %dma_wait3A_193 = arith.constant 0 : i32
    %dma_wait3A_194 = tpu.memref_slice %arg6[%dma_wait3A_192, %dma_wait3A_193] : memref<2x128xi32, #tpu.memory_space<vmem>> -> memref<1x128xi32, #tpu.memory_space<vmem>>
    %dma_wait3A_195 = tpu.memref_squeeze %dma_wait3A_194 : memref<1x128xi32, #tpu.memory_space<vmem>> -> memref<128xi32, #tpu.memory_space<vmem>>
    %dma_wait3A_196 = arith.constant 0 : i32
    %dma_wait3A_197 = tpu.memref_slice %arg3[%dma_wait3A_191, %dma_wait3A_196] : memref<2x320000xi32, #tpu.memory_space<hbm>> -> memref<1x128xi32, #tpu.memory_space<hbm>>
    %dma_wait3A_198 = tpu.memref_squeeze %dma_wait3A_197 : memref<1x128xi32, #tpu.memory_space<hbm>> -> memref<128xi32, #tpu.memory_space<hbm>>
    %dma_wait3A_199 = arith.constant 0 : i32
    %dma_wait3A_200 = tpu.memref_slice %arg6[%dma_wait3A_192, %dma_wait3A_199] : memref<2x128xi32, #tpu.memory_space<vmem>> -> memref<1x128xi32, #tpu.memory_space<vmem>>
    %dma_wait3A_201 = tpu.memref_squeeze %dma_wait3A_200 : memref<1x128xi32, #tpu.memory_space<vmem>> -> memref<128xi32, #tpu.memory_space<vmem>>
    %dma_wait3A_202 = arith.constant 0 : i32
    %dma_wait3A_203 = tpu.memref_slice %arg3[%dma_wait3A_191, %dma_wait3A_202] : memref<2x320000xi32, #tpu.memory_space<hbm>> -> memref<1x128xi32, #tpu.memory_space<hbm>>
    %dma_wait3A_204 = tpu.memref_squeeze %dma_wait3A_203 : memref<1x128xi32, #tpu.memory_space<hbm>> -> memref<128xi32, #tpu.memory_space<hbm>>
    tpu.wait_dma2 semaphore(%arg17 : memref<!tpu.dma_semaphore, #tpu.memory_space<semaphore_mem>>) src(%dma_wait3A_204 : memref<128xi32, #tpu.memory_space<hbm>>) dst(%dma_wait3A_201 : memref<128xi32, #tpu.memory_space<vmem>>)
    %dma_start3A_205 = arith.constant 1 : i32
    %dma_start3A_206 = arith.constant 0 : i32
    %dma_start3A_207 = tpu.memref_slice %arg6[%dma_start3A_205, %dma_start3A_206] : memref<2x128xi32, #tpu.memory_space<vmem>> -> memref<1x128xi32, #tpu.memory_space<vmem>>
    %dma_start3A_208 = tpu.memref_squeeze %dma_start3A_207 : memref<1x128xi32, #tpu.memory_space<vmem>> -> memref<128xi32, #tpu.memory_space<vmem>>
    %dma_start3A_209 = arith.constant 0 : i32
    %dma_start3A_210 = arith.constant 0 : i32
    %dma_start3A_211 = tpu.memref_slice %arg11[%dma_start3A_209, %dma_start3A_210] : memref<10240x64xf32, #tpu.memory_space<vmem_shared>> -> memref<10240x64xf32, #tpu.memory_space<vmem_shared>>
    tpu.enqueue_indirect_dma source(%arg9 : memref<128x64xf32, #tpu.memory_space<vmem>>) target(%dma_start3A_211 : memref<10240x64xf32, #tpu.memory_space<vmem_shared>>) offsets(%dma_start3A_208 : memref<128xi32, #tpu.memory_space<vmem>>) semaphore(%arg18 : memref<!tpu.dma_semaphore, #tpu.memory_space<semaphore_mem>>) {add = true}
    %dma_wait3A_212 = arith.constant 1 : i32
    %dma_wait3A_213 = arith.constant 0 : i32
    %dma_wait3A_214 = tpu.memref_slice %arg6[%dma_wait3A_212, %dma_wait3A_213] : memref<2x128xi32, #tpu.memory_space<vmem>> -> memref<1x128xi32, #tpu.memory_space<vmem>>
    %dma_wait3A_215 = tpu.memref_squeeze %dma_wait3A_214 : memref<1x128xi32, #tpu.memory_space<vmem>> -> memref<128xi32, #tpu.memory_space<vmem>>
    %dma_wait3A_216 = arith.constant 0 : i32
    %dma_wait3A_217 = arith.constant 0 : i32
    %dma_wait3A_218 = tpu.memref_slice %arg11[%dma_wait3A_216, %dma_wait3A_217] : memref<10240x64xf32, #tpu.memory_space<vmem_shared>> -> memref<10240x64xf32, #tpu.memory_space<vmem_shared>>
    tpu.wait_indirect_dma semaphore(%arg18 : memref<!tpu.dma_semaphore, #tpu.memory_space<semaphore_mem>>) src(%arg9 : memref<128x64xf32, #tpu.memory_space<vmem>>) dst(%dma_wait3A_218 : memref<10240x64xf32, #tpu.memory_space<vmem_shared>>)
    %dma_wait3A_219 = arith.constant 0 : i32
    %dma_wait3A_220 = arith.constant 0 : i32
    %dma_wait3A_221 = arith.constant 0 : i32
    %dma_wait3A_222 = tpu.memref_slice %arg7[%dma_wait3A_220, %dma_wait3A_221] : memref<2x16xi32, #tpu.memory_space<vmem>> -> memref<1x16xi32, #tpu.memory_space<vmem>>
    %dma_wait3A_223 = tpu.memref_squeeze %dma_wait3A_222 : memref<1x16xi32, #tpu.memory_space<vmem>> -> memref<16xi32, #tpu.memory_space<vmem>>
    %dma_wait3A_224 = arith.constant 0 : i32
    %dma_wait3A_225 = tpu.memref_slice %arg3[%dma_wait3A_219, %dma_wait3A_224] : memref<2x320000xi32, #tpu.memory_space<hbm>> -> memref<1x16xi32, #tpu.memory_space<hbm>>
    %dma_wait3A_226 = tpu.memref_squeeze %dma_wait3A_225 : memref<1x16xi32, #tpu.memory_space<hbm>> -> memref<16xi32, #tpu.memory_space<hbm>>
    %dma_wait3A_227 = arith.constant 0 : i32
    %dma_wait3A_228 = tpu.memref_slice %arg7[%dma_wait3A_220, %dma_wait3A_227] : memref<2x16xi32, #tpu.memory_space<vmem>> -> memref<1x16xi32, #tpu.memory_space<vmem>>
    %dma_wait3A_229 = tpu.memref_squeeze %dma_wait3A_228 : memref<1x16xi32, #tpu.memory_space<vmem>> -> memref<16xi32, #tpu.memory_space<vmem>>
    %dma_wait3A_230 = arith.constant 0 : i32
    %dma_wait3A_231 = tpu.memref_slice %arg3[%dma_wait3A_219, %dma_wait3A_230] : memref<2x320000xi32, #tpu.memory_space<hbm>> -> memref<1x16xi32, #tpu.memory_space<hbm>>
    %dma_wait3A_232 = tpu.memref_squeeze %dma_wait3A_231 : memref<1x16xi32, #tpu.memory_space<hbm>> -> memref<16xi32, #tpu.memory_space<hbm>>
    tpu.wait_dma2 semaphore(%arg14 : memref<!tpu.dma_semaphore, #tpu.memory_space<semaphore_mem>>) src(%dma_wait3A_232 : memref<16xi32, #tpu.memory_space<hbm>>) dst(%dma_wait3A_229 : memref<16xi32, #tpu.memory_space<vmem>>)
    %run_scoped3A = arith.constant 0 : i32
    "tpu.region"() ({
      %run_scoped3A_249 = tpu.sem_alloc : memref<!tpu.dma_semaphore, #tpu.memory_space<semaphore_mem>>
      %dma_start3A_250 = arith.constant 0 : i32
      %dma_start3A_251 = tpu.memref_slice %arg7[%run_scoped3A, %dma_start3A_250] : memref<2x16xi32, #tpu.memory_space<vmem>> -> memref<1x16xi32, #tpu.memory_space<vmem>>
      %dma_start3A_252 = tpu.memref_squeeze %dma_start3A_251 : memref<1x16xi32, #tpu.memory_space<vmem>> -> memref<16xi32, #tpu.memory_space<vmem>>
      %dma_start3A_253 = arith.constant 0 : i32
      %dma_start3A_254 = arith.constant 0 : i32
      %dma_start3A_255 = tpu.memref_slice %arg2[%dma_start3A_253, %dma_start3A_254] : memref<10000x64xf32, #tpu.memory_space<hbm>> -> memref<10000x64xf32, #tpu.memory_space<hbm>>
      tpu.enqueue_indirect_dma source(%dma_start3A_255 : memref<10000x64xf32, #tpu.memory_space<hbm>>) target(%arg10 : memref<16x64xf32, #tpu.memory_space<vmem>>) offsets(%dma_start3A_252 : memref<16xi32, #tpu.memory_space<vmem>>) semaphore(%run_scoped3A_249 : memref<!tpu.dma_semaphore, #tpu.memory_space<semaphore_mem>>)
      %dma_wait3A_256 = arith.constant 0 : i32
      %dma_wait3A_257 = tpu.memref_slice %arg7[%run_scoped3A, %dma_wait3A_256] : memref<2x16xi32, #tpu.memory_space<vmem>> -> memref<1x16xi32, #tpu.memory_space<vmem>>
      %dma_wait3A_258 = tpu.memref_squeeze %dma_wait3A_257 : memref<1x16xi32, #tpu.memory_space<vmem>> -> memref<16xi32, #tpu.memory_space<vmem>>
      %dma_wait3A_259 = arith.constant 0 : i32
      %dma_wait3A_260 = arith.constant 0 : i32
      %dma_wait3A_261 = tpu.memref_slice %arg2[%dma_wait3A_259, %dma_wait3A_260] : memref<10000x64xf32, #tpu.memory_space<hbm>> -> memref<10000x64xf32, #tpu.memory_space<hbm>>
      tpu.wait_indirect_dma semaphore(%run_scoped3A_249 : memref<!tpu.dma_semaphore, #tpu.memory_space<semaphore_mem>>) src(%dma_wait3A_261 : memref<10000x64xf32, #tpu.memory_space<hbm>>) dst(%arg10 : memref<16x64xf32, #tpu.memory_space<vmem>>)
      tpu.yield
    }) : () -> ()
    %dma_wait3A_233 = arith.constant 0 : i32
    %dma_wait3A_234 = arith.constant 1 : i32
    %dma_wait3A_235 = arith.constant 0 : i32
    %dma_wait3A_236 = tpu.memref_slice %arg7[%dma_wait3A_234, %dma_wait3A_235] : memref<2x16xi32, #tpu.memory_space<vmem>> -> memref<1x16xi32, #tpu.memory_space<vmem>>
    %dma_wait3A_237 = tpu.memref_squeeze %dma_wait3A_236 : memref<1x16xi32, #tpu.memory_space<vmem>> -> memref<16xi32, #tpu.memory_space<vmem>>
    %dma_wait3A_238 = arith.constant 0 : i32
    %dma_wait3A_239 = tpu.memref_slice %arg3[%dma_wait3A_233, %dma_wait3A_238] : memref<2x320000xi32, #tpu.memory_space<hbm>> -> memref<1x16xi32, #tpu.memory_space<hbm>>
    %dma_wait3A_240 = tpu.memref_squeeze %dma_wait3A_239 : memref<1x16xi32, #tpu.memory_space<hbm>> -> memref<16xi32, #tpu.memory_space<hbm>>
    %dma_wait3A_241 = arith.constant 0 : i32
    %dma_wait3A_242 = tpu.memref_slice %arg7[%dma_wait3A_234, %dma_wait3A_241] : memref<2x16xi32, #tpu.memory_space<vmem>> -> memref<1x16xi32, #tpu.memory_space<vmem>>
    %dma_wait3A_243 = tpu.memref_squeeze %dma_wait3A_242 : memref<1x16xi32, #tpu.memory_space<vmem>> -> memref<16xi32, #tpu.memory_space<vmem>>
    %dma_wait3A_244 = arith.constant 0 : i32
    %dma_wait3A_245 = tpu.memref_slice %arg3[%dma_wait3A_233, %dma_wait3A_244] : memref<2x320000xi32, #tpu.memory_space<hbm>> -> memref<1x16xi32, #tpu.memory_space<hbm>>
    %dma_wait3A_246 = tpu.memref_squeeze %dma_wait3A_245 : memref<1x16xi32, #tpu.memory_space<hbm>> -> memref<16xi32, #tpu.memory_space<hbm>>
    tpu.wait_dma2 semaphore(%arg16 : memref<!tpu.dma_semaphore, #tpu.memory_space<semaphore_mem>>) src(%dma_wait3A_246 : memref<16xi32, #tpu.memory_space<hbm>>) dst(%dma_wait3A_243 : memref<16xi32, #tpu.memory_space<vmem>>)
    %run_scoped3A_247 = arith.constant 1 : i32
    "tpu.region"() ({
      %run_scoped3A_249 = tpu.sem_alloc : memref<!tpu.dma_semaphore, #tpu.memory_space<semaphore_mem>>
      %dma_start3A_250 = arith.constant 0 : i32
      %dma_start3A_251 = tpu.memref_slice %arg7[%run_scoped3A_247, %dma_start3A_250] : memref<2x16xi32, #tpu.memory_space<vmem>> -> memref<1x16xi32, #tpu.memory_space<vmem>>
      %dma_start3A_252 = tpu.memref_squeeze %dma_start3A_251 : memref<1x16xi32, #tpu.memory_space<vmem>> -> memref<16xi32, #tpu.memory_space<vmem>>
      %dma_start3A_253 = arith.constant 0 : i32
      %dma_start3A_254 = arith.constant 0 : i32
      %dma_start3A_255 = tpu.memref_slice %arg11[%dma_start3A_253, %dma_start3A_254] : memref<10240x64xf32, #tpu.memory_space<vmem_shared>> -> memref<10240x64xf32, #tpu.memory_space<vmem_shared>>
      tpu.enqueue_indirect_dma source(%arg10 : memref<16x64xf32, #tpu.memory_space<vmem>>) target(%dma_start3A_255 : memref<10240x64xf32, #tpu.memory_space<vmem_shared>>) offsets(%dma_start3A_252 : memref<16xi32, #tpu.memory_space<vmem>>) semaphore(%run_scoped3A_249 : memref<!tpu.dma_semaphore, #tpu.memory_space<semaphore_mem>>) {add = true}
      %dma_wait3A_256 = arith.constant 0 : i32
      %dma_wait3A_257 = tpu.memref_slice %arg7[%run_scoped3A_247, %dma_wait3A_256] : memref<2x16xi32, #tpu.memory_space<vmem>> -> memref<1x16xi32, #tpu.memory_space<vmem>>
      %dma_wait3A_258 = tpu.memref_squeeze %dma_wait3A_257 : memref<1x16xi32, #tpu.memory_space<vmem>> -> memref<16xi32, #tpu.memory_space<vmem>>
      %dma_wait3A_259 = arith.constant 0 : i32
      %dma_wait3A_260 = arith.constant 0 : i32
      %dma_wait3A_261 = tpu.memref_slice %arg11[%dma_wait3A_259, %dma_wait3A_260] : memref<10240x64xf32, #tpu.memory_space<vmem_shared>> -> memref<10240x64xf32, #tpu.memory_space<vmem_shared>>
      tpu.wait_indirect_dma semaphore(%run_scoped3A_249 : memref<!tpu.dma_semaphore, #tpu.memory_space<semaphore_mem>>) src(%arg10 : memref<16x64xf32, #tpu.memory_space<vmem>>) dst(%dma_wait3A_261 : memref<10240x64xf32, #tpu.memory_space<vmem_shared>>)
      tpu.yield
    }) : () -> ()
    %barrier3A_248 = arith.constant 0 : index
    tpu.barrier barrier_id(%barrier3A_248)
    "tpu.region"() ({
      %run_scoped3A_249 = tpu.sem_alloc : memref<!tpu.dma_semaphore, #tpu.memory_space<semaphore_mem>>
      %dma_start3A_250 = arith.constant 0 : i32
      %dma_start3A_251 = tpu.memref_slice %arg4[%arg0, %mul3A_4, %dma_start3A_250] : memref<2x10240x64xf32, #tpu.memory_space<hbm>> -> memref<1x640x64xf32, #tpu.memory_space<hbm>>
      %dma_start3A_252 = tpu.memref_squeeze %dma_start3A_251 : memref<1x640x64xf32, #tpu.memory_space<hbm>> -> memref<640x64xf32, #tpu.memory_space<hbm>>
      %dma_start3A_253 = arith.constant 0 : i32
      %dma_start3A_254 = tpu.memref_slice %arg11[%mul3A_4, %dma_start3A_253] : memref<10240x64xf32, #tpu.memory_space<vmem_shared>> -> memref<640x64xf32, #tpu.memory_space<vmem_shared>>
      tpu.enqueue_dma source(%dma_start3A_254 : memref<640x64xf32, #tpu.memory_space<vmem_shared>>) target(%dma_start3A_252 : memref<640x64xf32, #tpu.memory_space<hbm>>) target_semaphore(%run_scoped3A_249 : memref<!tpu.dma_semaphore, #tpu.memory_space<semaphore_mem>>)
      %dma_wait3A_255 = arith.constant 0 : i32
      %dma_wait3A_256 = tpu.memref_slice %arg4[%arg0, %mul3A_4, %dma_wait3A_255] : memref<2x10240x64xf32, #tpu.memory_space<hbm>> -> memref<1x640x64xf32, #tpu.memory_space<hbm>>
      %dma_wait3A_257 = tpu.memref_squeeze %dma_wait3A_256 : memref<1x640x64xf32, #tpu.memory_space<hbm>> -> memref<640x64xf32, #tpu.memory_space<hbm>>
      %dma_wait3A_258 = arith.constant 0 : i32
      %dma_wait3A_259 = tpu.memref_slice %arg11[%mul3A_4, %dma_wait3A_258] : memref<10240x64xf32, #tpu.memory_space<vmem_shared>> -> memref<640x64xf32, #tpu.memory_space<vmem_shared>>
      tpu.wait_dma2 semaphore(%run_scoped3A_249 : memref<!tpu.dma_semaphore, #tpu.memory_space<semaphore_mem>>) src(%dma_wait3A_259 : memref<640x64xf32, #tpu.memory_space<vmem_shared>>) dst(%dma_wait3A_257 : memref<640x64xf32, #tpu.memory_space<hbm>>)
      tpu.yield
    }) : () -> ()
    return
  }
}

module attributes {stable_mosaic.version = 14 : i64} {
  func.func @body(%arg0: i32, %arg1: memref<1000x128xf32, #tpu.memory_space<vmem>>, %arg2: memref<128x128xf32, #tpu.memory_space<vmem>>, %arg3: memref<128x128xf32, #tpu.memory_space<vmem>>, %arg4: memref<1x128xf32, #tpu.memory_space<vmem>>, %arg5: memref<1000x128xf32, #tpu.memory_space<vmem>>, %arg6: memref<1000x128xf32, #tpu.memory_space<vmem>>) attributes {dimension_semantics = [#tpu.dimension_semantics<arbitrary>], iteration_bounds = array<i64: 10>, scalar_prefetch = 0 : i64, scratch_operands = 0 : i64, tpu.core_type = #tpu.core_type<tc>, window_params = [{transform_indices = @transform_0, window_bounds = array<i64: 1000, 128>}, {pipeline_mode = #tpu.pipeline_mode<synchronous>, transform_indices = @transform_1, window_bounds = array<i64: 128, 128>}, {pipeline_mode = #tpu.pipeline_mode<synchronous>, transform_indices = @transform_2, window_bounds = array<i64: 128, 128>}, {pipeline_mode = #tpu.pipeline_mode<synchronous>, transform_indices = @transform_3, window_bounds = array<i64: 1, 128>}, {transform_indices = @transform_4, window_bounds = array<i64: 1000, 128>}, {transform_indices = @transform_5, window_bounds = array<i64: 1000, 128>}]} {
    %get3A = arith.constant 0 : index
    %get3A_0 = arith.constant 0 : index
    %get3A_1 = vector.load %arg1[%get3A, %get3A_0] : memref<1000x128xf32, #tpu.memory_space<vmem>>, vector<1000x128xf32>
    %get3A_2 = arith.constant 0 : index
    %get3A_3 = arith.constant 0 : index
    %get3A_4 = vector.load %arg2[%get3A_2, %get3A_3] : memref<128x128xf32, #tpu.memory_space<vmem>>, vector<128x128xf32>
    %dot_general3A = arith.constant dense<0.000000e+00> : vector<1000x128xf32>
    %dot_general3A_5 = tpu.matmul %get3A_1, %get3A_4, %dot_general3A {dimension_numbers = #tpu.dot_dimension_numbers<[1], [0], [0], [1], [0, 0, 1, 1], [], []>, transpose_lhs_hint = false} : vector<1000x128xf32>, vector<128x128xf32>, vector<1000x128xf32> -> vector<1000x128xf32>
    %swap3A = arith.constant 0 : index
    %swap3A_6 = arith.constant 0 : index
    %swap3A_7 = vector.load %arg5[%swap3A, %swap3A_6] : memref<1000x128xf32, #tpu.memory_space<vmem>>, vector<1000x128xf32>
    tpu.vector_store %arg5[%swap3A, %swap3A_6], %dot_general3A_5 {strides = array<i32>} : memref<1000x128xf32, #tpu.memory_space<vmem>>, vector<1000x128xf32>,
    %get3A_8 = arith.constant 0 : index
    %get3A_9 = arith.constant 0 : index
    %get3A_10 = vector.load %arg3[%get3A_8, %get3A_9] : memref<128x128xf32, #tpu.memory_space<vmem>>, vector<128x128xf32>
    %dot_general3A_11 = arith.constant dense<0.000000e+00> : vector<1000x128xf32>
    %dot_general3A_12 = tpu.matmul %get3A_1, %get3A_10, %dot_general3A_11 {dimension_numbers = #tpu.dot_dimension_numbers<[1], [0], [0], [1], [0, 0, 1, 1], [], []>, transpose_lhs_hint = false} : vector<1000x128xf32>, vector<128x128xf32>, vector<1000x128xf32> -> vector<1000x128xf32>
    %get3A_13 = arith.constant 0 : index
    %get3A_14 = arith.constant 0 : index
    %get3A_15 = vector.load %arg4[%get3A_13, %get3A_14] : memref<1x128xf32, #tpu.memory_space<vmem>>, vector<1x128xf32>
    %add3A = vector.broadcast %get3A_15 : vector<1x128xf32> to vector<1000x128xf32>
    %add3A_16 = arith.addf %dot_general3A_12, %add3A : vector<1000x128xf32>
    %swap3A_17 = arith.constant 0 : index
    %swap3A_18 = arith.constant 0 : index
    %swap3A_19 = vector.load %arg6[%swap3A_17, %swap3A_18] : memref<1000x128xf32, #tpu.memory_space<vmem>>, vector<1000x128xf32>
    tpu.vector_store %arg6[%swap3A_17, %swap3A_18], %add3A_16 {strides = array<i32>} : memref<1000x128xf32, #tpu.memory_space<vmem>>, vector<1000x128xf32>,
    return
  }
  func.func @transform_0(%arg0: i32) -> (i32, i32) {
    %c0_i32 = arith.constant 0 : i32
    %c0_i32_0 = arith.constant 0 : i32
    return %arg0, %c0_i32 : i32, i32
  }
  func.func @transform_1(%arg0: i32) -> (i32, i32) {
    %c0_i32 = arith.constant 0 : i32
    %c0_i32_0 = arith.constant 0 : i32
    %c0_i32_1 = arith.constant 0 : i32
    return %c0_i32, %c0_i32_0 : i32, i32
  }
  func.func @transform_2(%arg0: i32) -> (i32, i32) {
    %c0_i32 = arith.constant 0 : i32
    %c0_i32_0 = arith.constant 0 : i32
    %c0_i32_1 = arith.constant 0 : i32
    return %c0_i32, %c0_i32_0 : i32, i32
  }
  func.func @transform_3(%arg0: i32) -> (i32, i32) {
    %c0_i32 = arith.constant 0 : i32
    %c0_i32_0 = arith.constant 0 : i32
    %c0_i32_1 = arith.constant 0 : i32
    return %c0_i32, %c0_i32_0 : i32, i32
  }
  func.func @transform_4(%arg0: i32) -> (i32, i32) {
    %c0_i32 = arith.constant 0 : i32
    %c0_i32_0 = arith.constant 0 : i32
    return %arg0, %c0_i32 : i32, i32
  }
  func.func @transform_5(%arg0: i32) -> (i32, i32) {
    %c0_i32 = arith.constant 0 : i32
    %c0_i32_0 = arith.constant 0 : i32
    return %arg0, %c0_i32 : i32, i32
  }
}

module attributes {stable_mosaic.version = 14 : i64} {
  func.func @body(%arg0: i32, %arg1: memref<1000x128xf32, #tpu.memory_space<vmem>>, %arg2: memref<1000x128xf32, #tpu.memory_space<vmem>>, %arg3: memref<1000x16xf32, #tpu.memory_space<vmem>>, %arg4: memref<1000x16xf32, #tpu.memory_space<vmem>>, %arg5: memref<1000x128xf32, #tpu.memory_space<vmem>>, %arg6: memref<128x64xf32, #tpu.memory_space<vmem>>, %arg7: memref<128x64xf32, #tpu.memory_space<vmem>>, %arg8: memref<1x64xf32, #tpu.memory_space<vmem>>, %arg9: memref<1000x64xf32, #tpu.memory_space<vmem>>, %arg10: memref<1000x64xf32, #tpu.memory_space<vmem>>, %arg11: memref<1000x16xf32, #tpu.memory_space<vmem>>) attributes {dimension_semantics = [#tpu.dimension_semantics<arbitrary>], iteration_bounds = array<i64: 10>, scalar_prefetch = 0 : i64, scratch_operands = 0 : i64, tpu.core_type = #tpu.core_type<tc>, window_params = [{transform_indices = @transform_0, window_bounds = array<i64: 1000, 128>}, {transform_indices = @transform_1, window_bounds = array<i64: 1000, 128>}, {transform_indices = @transform_2, window_bounds = array<i64: 1000, 16>}, {transform_indices = @transform_3, window_bounds = array<i64: 1000, 16>}, {transform_indices = @transform_4, window_bounds = array<i64: 1000, 128>}, {pipeline_mode = #tpu.pipeline_mode<synchronous>, transform_indices = @transform_5, window_bounds = array<i64: 128, 64>}, {pipeline_mode = #tpu.pipeline_mode<synchronous>, transform_indices = @transform_6, window_bounds = array<i64: 128, 64>}, {pipeline_mode = #tpu.pipeline_mode<synchronous>, transform_indices = @transform_7, window_bounds = array<i64: 1, 64>}, {transform_indices = @transform_8, window_bounds = array<i64: 1000, 64>}, {transform_indices = @transform_9, window_bounds = array<i64: 1000, 64>}, {transform_indices = @transform_10, window_bounds = array<i64: 1000, 16>}]} {
    %get3A = arith.constant 0 : index
    %get3A_0 = arith.constant 0 : index
    %get3A_1 = vector.load %arg1[%get3A, %get3A_0] : memref<1000x128xf32, #tpu.memory_space<vmem>>, vector<1000x128xf32>
    %get3A_2 = arith.constant 0 : index
    %get3A_3 = arith.constant 0 : index
    %get3A_4 = vector.load %arg2[%get3A_2, %get3A_3] : memref<1000x128xf32, #tpu.memory_space<vmem>>, vector<1000x128xf32>
    %add3A = arith.addf %get3A_1, %get3A_4 : vector<1000x128xf32>
    %get3A_5 = arith.constant 0 : index
    %get3A_6 = arith.constant 0 : index
    %get3A_7 = vector.load %arg3[%get3A_5, %get3A_6] : memref<1000x16xf32, #tpu.memory_space<vmem>>, vector<1000x16xf32>
    %get3A_8 = arith.constant 0 : index
    %get3A_9 = arith.constant 0 : index
    %get3A_10 = vector.load %arg4[%get3A_8, %get3A_9] : memref<1000x16xf32, #tpu.memory_space<vmem>>, vector<1000x16xf32>
    %add3A_11 = arith.addf %get3A_7, %get3A_10 : vector<1000x16xf32>
    %slice3A = vector.extract_strided_slice %add3A_11 {offsets = [0, 0], sizes = [1000, 1], strides = [1, 1]} : vector<1000x16xf32> to vector<1000x1xf32>
    %max3A = arith.constant 1.000000e+00 : f32
    %max3A_12 = vector.broadcast %max3A : f32 to vector<1000x1xf32>
    %max3A_13 = arith.maximumf %slice3A, %max3A_12 : vector<1000x1xf32>
    %div3A = arith.constant 1.000000e+00 : f32
    %div3A_14 = vector.broadcast %div3A : f32 to vector<1000x1xf32>
    %div3A_15 = arith.divf %div3A_14, %max3A_13 : vector<1000x1xf32>
    %get3A_16 = arith.constant 0 : index
    %get3A_17 = arith.constant 0 : index
    %get3A_18 = vector.load %arg5[%get3A_16, %get3A_17] : memref<1000x128xf32, #tpu.memory_space<vmem>>, vector<1000x128xf32>
    %mul3A = vector.broadcast %div3A_15 : vector<1000x1xf32> to vector<1000x128xf32>
    %mul3A_19 = arith.mulf %add3A, %mul3A : vector<1000x128xf32>
    %add3A_20 = arith.addf %get3A_18, %mul3A_19 : vector<1000x128xf32>
    %max3A_21 = arith.constant 0.000000e+00 : f32
    %max3A_22 = vector.broadcast %max3A_21 : f32 to vector<1000x128xf32>
    %max3A_23 = arith.maximumf %add3A_20, %max3A_22 : vector<1000x128xf32>
    %get3A_24 = arith.constant 0 : index
    %get3A_25 = arith.constant 0 : index
    %get3A_26 = vector.load %arg6[%get3A_24, %get3A_25] : memref<128x64xf32, #tpu.memory_space<vmem>>, vector<128x64xf32>
    %dot_general3A = arith.constant dense<0.000000e+00> : vector<1000x64xf32>
    %dot_general3A_27 = tpu.matmul %max3A_23, %get3A_26, %dot_general3A {dimension_numbers = #tpu.dot_dimension_numbers<[1], [0], [0], [1], [0, 0, 1, 1], [], []>, transpose_lhs_hint = false} : vector<1000x128xf32>, vector<128x64xf32>, vector<1000x64xf32> -> vector<1000x64xf32>
    %swap3A = arith.constant 0 : index
    %swap3A_28 = arith.constant 0 : index
    %swap3A_29 = vector.load %arg9[%swap3A, %swap3A_28] : memref<1000x64xf32, #tpu.memory_space<vmem>>, vector<1000x64xf32>
    tpu.vector_store %arg9[%swap3A, %swap3A_28], %dot_general3A_27 {strides = array<i32>} : memref<1000x64xf32, #tpu.memory_space<vmem>>, vector<1000x64xf32>,
    %get3A_30 = arith.constant 0 : index
    %get3A_31 = arith.constant 0 : index
    %get3A_32 = vector.load %arg7[%get3A_30, %get3A_31] : memref<128x64xf32, #tpu.memory_space<vmem>>, vector<128x64xf32>
    %dot_general3A_33 = arith.constant dense<0.000000e+00> : vector<1000x64xf32>
    %dot_general3A_34 = tpu.matmul %max3A_23, %get3A_32, %dot_general3A_33 {dimension_numbers = #tpu.dot_dimension_numbers<[1], [0], [0], [1], [0, 0, 1, 1], [], []>, transpose_lhs_hint = false} : vector<1000x128xf32>, vector<128x64xf32>, vector<1000x64xf32> -> vector<1000x64xf32>
    %get3A_35 = arith.constant 0 : index
    %get3A_36 = arith.constant 0 : index
    %get3A_37 = vector.load %arg8[%get3A_35, %get3A_36] : memref<1x64xf32, #tpu.memory_space<vmem>>, vector<1x64xf32>
    %add3A_38 = vector.broadcast %get3A_37 : vector<1x64xf32> to vector<1000x64xf32>
    %add3A_39 = arith.addf %dot_general3A_34, %add3A_38 : vector<1000x64xf32>
    %swap3A_40 = arith.constant 0 : index
    %swap3A_41 = arith.constant 0 : index
    %swap3A_42 = vector.load %arg10[%swap3A_40, %swap3A_41] : memref<1000x64xf32, #tpu.memory_space<vmem>>, vector<1000x64xf32>
    tpu.vector_store %arg10[%swap3A_40, %swap3A_41], %add3A_39 {strides = array<i32>} : memref<1000x64xf32, #tpu.memory_space<vmem>>, vector<1000x64xf32>,
    %broadcast_in_dim3A = vector.shape_cast %div3A_15 : vector<1000x1xf32> to vector<1000x1xf32>
    %broadcast_in_dim3A_43 = vector.broadcast %broadcast_in_dim3A : vector<1000x1xf32> to vector<1000x16xf32>
    %swap3A_44 = arith.constant 0 : index
    %swap3A_45 = arith.constant 0 : index
    %swap3A_46 = vector.load %arg11[%swap3A_44, %swap3A_45] : memref<1000x16xf32, #tpu.memory_space<vmem>>, vector<1000x16xf32>
    tpu.vector_store %arg11[%swap3A_44, %swap3A_45], %broadcast_in_dim3A_43 {strides = array<i32>} : memref<1000x16xf32, #tpu.memory_space<vmem>>, vector<1000x16xf32>,
    return
  }
  func.func @transform_0(%arg0: i32) -> (i32, i32) {
    %c0_i32 = arith.constant 0 : i32
    %c0_i32_0 = arith.constant 0 : i32
    return %arg0, %c0_i32 : i32, i32
  }
  func.func @transform_1(%arg0: i32) -> (i32, i32) {
    %c0_i32 = arith.constant 0 : i32
    %c0_i32_0 = arith.constant 0 : i32
    return %arg0, %c0_i32 : i32, i32
  }
  func.func @transform_2(%arg0: i32) -> (i32, i32) {
    %c0_i32 = arith.constant 0 : i32
    %c0_i32_0 = arith.constant 0 : i32
    return %arg0, %c0_i32 : i32, i32
  }
  func.func @transform_3(%arg0: i32) -> (i32, i32) {
    %c0_i32 = arith.constant 0 : i32
    %c0_i32_0 = arith.constant 0 : i32
    return %arg0, %c0_i32 : i32, i32
  }
  func.func @transform_4(%arg0: i32) -> (i32, i32) {
    %c0_i32 = arith.constant 0 : i32
    %c0_i32_0 = arith.constant 0 : i32
    return %arg0, %c0_i32 : i32, i32
  }
  func.func @transform_5(%arg0: i32) -> (i32, i32) {
    %c0_i32 = arith.constant 0 : i32
    %c0_i32_0 = arith.constant 0 : i32
    %c0_i32_1 = arith.constant 0 : i32
    return %c0_i32, %c0_i32_0 : i32, i32
  }
  func.func @transform_6(%arg0: i32) -> (i32, i32) {
    %c0_i32 = arith.constant 0 : i32
    %c0_i32_0 = arith.constant 0 : i32
    %c0_i32_1 = arith.constant 0 : i32
    return %c0_i32, %c0_i32_0 : i32, i32
  }
  func.func @transform_7(%arg0: i32) -> (i32, i32) {
    %c0_i32 = arith.constant 0 : i32
    %c0_i32_0 = arith.constant 0 : i32
    %c0_i32_1 = arith.constant 0 : i32
    return %c0_i32, %c0_i32_0 : i32, i32
  }
  func.func @transform_8(%arg0: i32) -> (i32, i32) {
    %c0_i32 = arith.constant 0 : i32
    %c0_i32_0 = arith.constant 0 : i32
    return %arg0, %c0_i32 : i32, i32
  }
  func.func @transform_9(%arg0: i32) -> (i32, i32) {
    %c0_i32 = arith.constant 0 : i32
    %c0_i32_0 = arith.constant 0 : i32
    return %arg0, %c0_i32 : i32, i32
  }
  func.func @transform_10(%arg0: i32) -> (i32, i32) {
    %c0_i32 = arith.constant 0 : i32
    %c0_i32_0 = arith.constant 0 : i32
    return %arg0, %c0_i32 : i32, i32
  }
}

module attributes {stable_mosaic.version = 14 : i64} {
  func.func @body(%arg0: i32, %arg1: memref<1000x64xf32, #tpu.memory_space<vmem>>, %arg2: memref<1000x64xf32, #tpu.memory_space<vmem>>, %arg3: memref<1000x64xf32, #tpu.memory_space<vmem>>, %arg4: memref<1000x16xf32, #tpu.memory_space<vmem>>, %arg5: memref<1000x64xf32, #tpu.memory_space<vmem>>) attributes {dimension_semantics = [#tpu.dimension_semantics<arbitrary>], iteration_bounds = array<i64: 10>, scalar_prefetch = 0 : i64, scratch_operands = 0 : i64, tpu.core_type = #tpu.core_type<tc>, window_params = [{transform_indices = @transform_0, window_bounds = array<i64: 1000, 64>}, {transform_indices = @transform_1, window_bounds = array<i64: 1000, 64>}, {transform_indices = @transform_2, window_bounds = array<i64: 1000, 64>}, {transform_indices = @transform_3, window_bounds = array<i64: 1000, 16>}, {transform_indices = @transform_4, window_bounds = array<i64: 1000, 64>}]} {
    %get3A = arith.constant 0 : index
    %get3A_0 = arith.constant 0 : index
    %get3A_1 = vector.load %arg4[%get3A, %get3A_0] : memref<1000x16xf32, #tpu.memory_space<vmem>>, vector<1000x16xf32>
    %slice3A = vector.extract_strided_slice %get3A_1 {offsets = [0, 0], sizes = [1000, 1], strides = [1, 1]} : vector<1000x16xf32> to vector<1000x1xf32>
    %broadcast_in_dim3A = vector.shape_cast %slice3A : vector<1000x1xf32> to vector<1000x1xf32>
    %broadcast_in_dim3A_2 = vector.broadcast %broadcast_in_dim3A : vector<1000x1xf32> to vector<1000x64xf32>
    %get3A_3 = arith.constant 0 : index
    %get3A_4 = arith.constant 0 : index
    %get3A_5 = vector.load %arg3[%get3A_3, %get3A_4] : memref<1000x64xf32, #tpu.memory_space<vmem>>, vector<1000x64xf32>
    %get3A_6 = arith.constant 0 : index
    %get3A_7 = arith.constant 0 : index
    %get3A_8 = vector.load %arg1[%get3A_6, %get3A_7] : memref<1000x64xf32, #tpu.memory_space<vmem>>, vector<1000x64xf32>
    %get3A_9 = arith.constant 0 : index
    %get3A_10 = arith.constant 0 : index
    %get3A_11 = vector.load %arg2[%get3A_9, %get3A_10] : memref<1000x64xf32, #tpu.memory_space<vmem>>, vector<1000x64xf32>
    %add3A = arith.addf %get3A_8, %get3A_11 : vector<1000x64xf32>
    %mul3A = arith.mulf %add3A, %broadcast_in_dim3A_2 : vector<1000x64xf32>
    %add3A_12 = arith.addf %get3A_5, %mul3A : vector<1000x64xf32>
    %swap3A = arith.constant 0 : index
    %swap3A_13 = arith.constant 0 : index
    %swap3A_14 = vector.load %arg5[%swap3A, %swap3A_13] : memref<1000x64xf32, #tpu.memory_space<vmem>>, vector<1000x64xf32>
    tpu.vector_store %arg5[%swap3A, %swap3A_13], %add3A_12 {strides = array<i32>} : memref<1000x64xf32, #tpu.memory_space<vmem>>, vector<1000x64xf32>,
    return
  }
  func.func @transform_0(%arg0: i32) -> (i32, i32) {
    %c0_i32 = arith.constant 0 : i32
    %c0_i32_0 = arith.constant 0 : i32
    return %arg0, %c0_i32 : i32, i32
  }
  func.func @transform_1(%arg0: i32) -> (i32, i32) {
    %c0_i32 = arith.constant 0 : i32
    %c0_i32_0 = arith.constant 0 : i32
    return %arg0, %c0_i32 : i32, i32
  }
  func.func @transform_2(%arg0: i32) -> (i32, i32) {
    %c0_i32 = arith.constant 0 : i32
    %c0_i32_0 = arith.constant 0 : i32
    return %arg0, %c0_i32 : i32, i32
  }
  func.func @transform_3(%arg0: i32) -> (i32, i32) {
    %c0_i32 = arith.constant 0 : i32
    %c0_i32_0 = arith.constant 0 : i32
    return %arg0, %c0_i32 : i32, i32
  }
  func.func @transform_4(%arg0: i32) -> (i32, i32) {
    %c0_i32 = arith.constant 0 : i32
    %c0_i32_0 = arith.constant 0 : i32
    return %arg0, %c0_i32 : i32, i32
  }
}

</mosaic_0001>

<sc_bundles>
// kernel: kernel.10.cloned.1.call-start
scs
__scs_entry_jumppad:
0x0: {  	(pc) =	sbr.rel $0x88, $3  }
0x1: {  	(tag) =	ssettag $0x0;
	lr =	simm.s32 $0x1  }
0x2: {  	[smem:$0x3F99] =	sst lr;
	_ =	strace $0xD0000000  }
0x3: {  	_ = 	snop  }
0x4: {  	_ = 	snop  }
0x5: {  	_ = 	snop  }
0x6: {  	_ = 	snop  }
0x7: {  	_ = 	snop  }
__scs_overlays_trampoline_lowered:
0x8: {  	[smem:$0x3FA8] =	sst s0  }
0x9: {  	[smem:$0x3FA9] =	sst s1  }
0xa: {  	[smem:$0x3FAA] =	sst s2  }
0xb: {  	[smem:$0x3FAB] =	sst s3  }
0xc: {  	[smem:$0x3FAC] =	sst s4  }
0xd: {  	[smem:$0x3FAD] =	sst s5  }
0xe: {  	[smem:$0x3FAE] =	sst s6  }
0xf: {  	[smem:$0x3FAF] =	sst s7  }
0x10: {  	[smem:$0x3FB0] =	sst s8  }
0x11: {  	[smem:$0x3FB1] =	sst s9;
	s0 =	simm.s32 @!p0 $0x0  }
0x12: {  	s1 =	sld [smem:$0x3F97];
	s0 =	simm.s32 @p0 $0x1  }
0x13: {  	[smem:$0x3FB2] =	sst s0;
	s0 =	simm.s32 @!p1 $0x0  }
0x14: {  	s2 =	sld [smem:$0x3F96];
	s0 =	simm.s32 @p1 $0x1  }
0x15: {  	[smem:$0x3FB3] =	sst s0;
	s0 =	simm.s32 @!p2 $0x0  }
0x16: {  	s3 =	sld [smem:$0x3FDB];
	s0 =	simm.s32 @p2 $0x1  }
0x17: {  	s4 =	simm.s32 $0x1BF5;
	[smem:$0x3FB5] =	sst s0  }
0x18: {  	s0 =	sld [smem:$0x3F98];
	_ =	swait.ge [sflag:s4], $0x0  }
0x19: {  	s7 =	sld [smem:$0x3F99]  }
0x1a: {  	s8 =	sadd.s32 $0xFFFFE003, lr  }
0x1b: {  	s9 =	sadd.s32 $0xFFFFFEF7, lr;
	s5 =	simm.s32 $0xFFFFFFFF;
	p2 =	slt.u32 s8, $0xFFFFF086  }
0x1c: {  	p1 =	slt.u32 s9, $0xF7A;
	s5 =	simm.s32 @!p2 $0x0  }
0x1d: {  	s5 =	simm.s32 @p1 $0x1;
	p0 =	seq.s32 s7, s2  }
0x1e: {  	s7 =	smul.u32 @!p0 $0xF7A, s2;
	p2 =	seq.s32 @!p0 s5, $0x0  }
0x1f: {  	s9 =	smul.u32 $0xF7A, s1;
	s8 =	simm.s32 @!p0 $0x1BF5;
	p2 =	por !p2, p0  }
0x20: {  	[sflag:s8] =	ssyncset.s32 @!p0 $0xFFFFF086;
	s6 =	sadd.s32 @!p0 s3, s7;
	s7 =	simm.s32 @!p0 $0x108  }
0x21: {  	s3 =	sadd.s32 s3, s9;
	s6 =	sadd.s32 @!p0 $0x88, s6;
	s7 =	simm.s32 @p2 $0x1082  }
0x22: {  	[simem:s7], [sflag:s8] =	dma.local @!p0 [hbm:s6], $0xF7A  }
0x23: {  	s9 =	sor.u32 $0xD0000000, s2;
	s6 =	simm.s32 $0x108;
	_ =	swait.ge @!p0 [sflag:s8], $0x0  }
0x24: {  	s3 =	sadd.s32 $0x88, s3;
	s6 =	simm.s32 @!p1 $0x1082;
	[sflag:s4] =	ssyncset.s32 $0xFFFFF086  }
0x25: {  	[simem:s6], [sflag:s4] =	dma.local [hbm:s3], $0xF7A  }
0x26: {  	[smem:$0x3F99] =	sst s1;
	(tag) =	ssettag s2;
	_ =	strace s9  }
0x27: {  	s1 =	sld [smem:$0x3FA9]  }
0x28: {  	s2 =	sld [smem:$0x3FAA]  }
0x29: {  	s4 =	sld [smem:$0x3FAC]  }
0x2a: {  	p0 =	seq.s32 s5, $0x0;
	s5 =	sld [smem:$0x3FAD]  }
0x2b: {  	s6 =	sld [smem:$0x3FAE]  }
0x2c: {  	s7 =	sld [smem:$0x3FAF]  }
0x2d: {  	s3 =	simm.s32 $0x108;
	s8 =	sld [smem:$0x3FB0]  }
0x2e: {  	s3 =	simm.s32 @!p0 $0x1082;
	s9 =	sld [smem:$0x3FB1]  }
0x2f: {  	lr =	sadd.s32 s0, s3;
	s0 =	sld [smem:$0x3FA8]  }
0x30: {  	s3 =	sld [smem:$0x3FAB]  }
0x31: {  	[smem:$0x3FB4] =	sst s10  }
0x32: {  	s10 =	sld [smem:$0x3FB2];
	_ =	sdelay $0x3  }
0x33: {  	p0 =	seq.s32 s10, $0x1;
	s10 =	sld [smem:$0x3FB4];
	_ =	sdelay $0x3  }
0x34: {  	[smem:$0x3FB4] =	sst s10  }
0x35: {  	s10 =	sld [smem:$0x3FB3];
	_ =	sdelay $0x3  }
0x36: {  	p1 =	seq.s32 s10, $0x1;
	s10 =	sld [smem:$0x3FB4];
	_ =	sdelay $0x3  }
0x37: {  	[smem:$0x3FB4] =	sst s10  }
0x38: {  	s10 =	sld [smem:$0x3FB5]  }
0x39: {  	_ = 	snop;
	(pc) =	sbr.ind lr, $3  }
0x3a: {  	_ = 	snop  }
0x3b: {  	_ = 	snop  }
0x3c: {  	p2 =	seq.s32 s10, $0x1;
	s10 =	sld [smem:$0x3FB4]  }
0x3d: {  	_ =	shalt  }
0x3e: {  	_ =	shalt  }
0x3f: {  	_ =	shalt  }
0x40: {  	_ =	shalt  }
0x41: {  	_ =	shalt  }
0x42: {  	_ =	shalt  }
0x43: {  	_ =	shalt  }
0x44: {  	_ =	shalt  }
0x45: {  	_ =	shalt  }
0x46: {  	_ =	shalt  }
0x47: {  	_ =	shalt  }
0x48: {  	_ =	shalt  }
0x49: {  	_ =	shalt  }
0x4a: {  	_ =	shalt  }
0x4b: {  	_ =	shalt  }
0x4c: {  	_ =	shalt  }
0x4d: {  	_ =	shalt  }
0x4e: {  	_ =	shalt  }
0x4f: {  	_ =	shalt  }
0x50: {  	_ =	shalt  }
0x51: {  	_ =	shalt  }
0x52: {  	_ =	shalt  }
0x53: {  	_ =	shalt  }
0x54: {  	_ =	shalt  }
0x55: {  	_ =	shalt  }
0x56: {  	_ =	shalt  }
0x57: {  	_ =	shalt  }
0x58: {  	_ =	shalt  }
0x59: {  	_ =	shalt  }
0x5a: {  	_ =	shalt  }
0x5b: {  	_ =	shalt  }
0x5c: {  	_ =	shalt  }
0x5d: {  	_ =	shalt  }
0x5e: {  	_ =	shalt  }
0x5f: {  	_ =	shalt  }
0x60: {  	_ =	shalt  }
0x61: {  	_ =	shalt  }
0x62: {  	_ =	shalt  }
0x63: {  	_ =	shalt  }
0x64: {  	_ =	shalt  }
0x65: {  	_ =	shalt  }
0x66: {  	_ =	shalt  }
0x67: {  	_ =	shalt  }
0x68: {  	_ =	shalt  }
0x69: {  	_ =	shalt  }
0x6a: {  	_ =	shalt  }
0x6b: {  	_ =	shalt  }
0x6c: {  	_ =	shalt  }
0x6d: {  	_ =	shalt  }
0x6e: {  	_ =	shalt  }
0x6f: {  	_ =	shalt  }
0x70: {  	_ =	shalt  }
0x71: {  	_ =	shalt  }
0x72: {  	_ =	shalt  }
0x73: {  	_ =	shalt  }
0x74: {  	_ =	shalt  }
0x75: {  	_ =	shalt  }
0x76: {  	_ =	shalt  }
0x77: {  	_ =	shalt  }
0x78: {  	_ =	shalt  }
0x79: {  	_ =	shalt  }
0x7a: {  	_ =	shalt  }
0x7b: {  	_ =	shalt  }
0x7c: {  	_ =	shalt  }
0x7d: {  	_ =	shalt  }
0x7e: {  	_ =	shalt  }
0x7f: {  	_ =	shalt  }
0x80: {  	_ =	shalt  }
0x81: {  	_ =	shalt  }
0x82: {  	_ =	shalt  }
0x83: {  	_ =	shalt  }
0x84: {  	_ =	shalt  }
0x85: {  	_ =	shalt  }
0x86: {  	_ =	shalt  }
0x87: {  	_ =	shalt  }
.Lfunc_end0:
.L_simem_size_0:
called_computation.1_lowered:
.L_overlay_start_0:
0x88: {  	s2 =	sld [smem:$0x3FD9]  }
0x89: {  	s3 =	sld [smem:$0x3FFE];
	_ =	sdelay $0x1  }
0x8a: {  	s1 =	srdreg.scid  }
0x8b: {  	s0 =	sand.u32 $0x1, s1  }
0x8c: {  	s17 =	sshll.u32 s0, $0xA;
	s2 =	sadd.s32 s3, s2  }
0x8d: {  	s2 =	sadd.s32 s2, s17  }
0x8e: {  	[smem:$0x3FC0] =	sst s2  }
0x8f: {  	_ = 	snop  }
0x90: {  	s2 =	sld [smem:$0x3FD0];
	(tm) =	ssettm $0x1  }
0x91: {  	s18 =	sld [smem:$0x3FFB];
	_ =	sdelay $0x3  }
0x92: {  	_ =	strace s18  }
0x93: {  	s3 =	sld [smem:$0x3FFC];
	_ =	sdelay $0x3  }
0x94: {  	_ =	strace s3  }
0x95: {  	s3 =	sld [smem:$0x3FFD];
	_ =	sdelay $0x3  }
0x96: {  	_ =	strace s3  }
0x97: {  	_ =	strace $0x8FFFFFFF  }
0x98: {  	s19 =	sld [smem:$0x3FDB];
	_ =	sdelay $0x1  }
0x99: {  	s4 =	simm.s32 $_scs_section_size  }
0x9a: {  	s5 =	simm.s32 $_size__tile_overlayer_lowered;
	s6 =	simm.s32 $_tile_overlayer_lowered  }
0x9b: {  	s22 =	simm.s32 $0x1BFF;
	s21 =	sshll.u32 s6, $0x1;
	s3 =	sadd.s32 s4, s19  }
0x9c: {  	s7 =	simm.s32 $0x0;
	s20 =	sshll.u32 s5, $0x1;
	s5 =	sadd.s32 s21, s3  }
0x9d: {  	[timem:s7], [sflag:s22] =	dma.local [hbm:s5], s20  }
0x9e: {  	_ =	swait.ge [sflag:s22], s20  }
0x9f: {  	s4 =	ssub.s32 $0x0, s20;
	[sflag:s22] =	ssyncset.done $0x0  }
0xa0: {  	[sflag:s22] =	ssyncadd.s32 s4;
	_ =	sdelay $0x1  }
0xa1: {  	s23 =	simm.s32 $0x1B8B  }
0xa2: {  	_ =	swait.ge [sflag:s23], $0x1  }
0xa3: {  	[sflag:s23] =	ssyncset.done $0x0  }
0xa4: {  	s25 =	simm.s32 $0x1B8E;
	s24 =	sld [smem:$0x3FFE];
	[sflag:s23] =	ssyncadd.s32 $0xFFFFFFFF  }
0xa5: {  	s26 =	simm.s32 $execute0_lowered;
	[smem:$0x3FD2] =	sst s25  }
0xa6: {  	s5 =	sshll.u32 s26, $0x1;
	_ =	strace $0x80000049;
	[dreg:$0x1] =	wrdreg $0xFFFFFFFF  }
0xa7: {  	s28 =	simm.s32 $_size_execute0_lowered;
	s3 =	sadd.s32 s3, s5;
	[dreg:$0x0] =	wrdreg $0x0  }
0xa8: {  	s5 =	sshll.u32 s28, $0x1;
	[dreg:$0x2] =	wrdreg s3  }
0xa9: {  	[dreg:$0x3] =	wrdreg s5  }
0xaa: {  	[dreg:$0x4] =	wrdreg $0xC0  }
0xab: {  	_ =	task [dreg:s7], $0x5FFFF  }
0xac: {  	[dreg:$0x1] =	wrdreg $0xFFFFFFFF  }
0xad: {  	[dreg:$0x0] =	wrdreg $0x60  }
0xae: {  	[dreg:$0x2] =	wrdreg s24  }
0xaf: {  	[dreg:$0x3] =	wrdreg s2  }
0xb0: {  	[dreg:$0x4] =	wrdreg $0x46200  }
0xb1: {  	[dreg:$0x5] =	wrdreg $0x9  }
0xb2: {  	_ =	task.clear_ibuf [dreg:s7], $0x6FFFF;
	_ =	strace $0x90000049  }
0xb3: {  	s29 =	simm.s32 $0x9;
	_ =	strace $0x8000004B  }
0xb4: {  	_ =	swait.ge [sflag:s29], $0x1  }
0xb5: {  	[sflag:s29] =	ssyncadd.s32 $0xFFFFFFFF  }
0xb6: {  	_ =	strace $0x9000004B  }
0xb7: {  	_ =	sfence  }
0xb8: {  	s30 =	sld [smem:$0x0];
	_ =	sdelay $0x2  }
0xb9: {  	s31 =	sshll.u32 s1, $0xD;
	s1 =	sshrl.u32 s1, $0x2  }
0xba: {  	s3 =	sand.u32 $0x4000, s31;
	s1 =	sadd.s32 s1, s30  }
0xbb: {  	s0 =	sor.u32 s3, s0;
	s1 =	sshll.u32 s1, $0x11  }
0xbc: {  	s0 =	sor.u32 s1, s0  }
0xbd: {  	s0 =	sadd.s32 $0x8F2B, s0  }
0xbe: {  	[sflag:s0] =	ssyncadd.remote.s32 $0x1  }
0xbf: {  	_ =	sfence.sel $0xFFFF  }
0xc0: {  	[dreg:$0x0] =	wrdreg $0xFFFFFFFF;
	(pc) =	sbr.abs _section_cstart, $3  }
0xc1: {  	[dreg:$0x1] =	wrdreg $0xFFFFFFFF  }
0xc2: {  	_ =	task.clear_ibuf [dreg:s7], $0x2FFFF;
	_ =	strace $0x9FFFFFFF  }
0xc3: {  	(tm) =	ssettm $0x7FFFFFFF  }
tec
execute0_lowered:
.L_overlay_start_1:
0x0: {  	(tag) =	ssettag $0x1  }
0x1: {  	s0 =	rddreg [dreg:$0x0]  }
0x2: {  	s2 =	rddreg [dreg:$0x1]  }
0x3: {  	s1 =	srdreg.scid;
	s12 =	stileid.u32  }
0x4: {  	s3 =	rddreg [dreg:$0x2];
	s4 =	simm.s32 $0x0;
	s6 =	smul.u32 $0xA000, s12  }
0x5: {  	s28 =	simm.s32 $0x180;
	s29 =	simm.s32 $0x3;
	s8 =	smul.u32 $0x28000, s12  }
0x6: {  	s30 =	simm.s32 $0x4;
	s1 =	sand.u32 $0x1, s1;
	s17 =	smul.u32 $0x2710, s12  }
0x7: {  	s31 =	simm.s32 $0x2220;
	[smem:$0x7FF] =	sst s4;
	s5 =	smul.u32 $0xA0000, s1  }
0x8: {  	_ =	strace $0x8000004A;
	s13 =	ssub.s32 $0x2, s1;
	s9 =	sshll.u32 s1, $0x4  }
0x9: {  	s1 =	smul.u32 $0x27100, s1;
	s10 =	sshrl.u32 s13, $0x1;
	s9 =	sor.u32 s12, s9  }
0xa: {  	s8 =	sshrl.u32 s8, $0x2;
	s12 =	simm.s32 $0x210;
	s7 =	sadd.s32 s6, s5  }
0xb: {  	s5 =	sadd.s32 $0x2800, s0;
	s9 =	smul.u32 $0x2710, s9;
	s8 =	sadd.s32 s8, s3  }
0xc: {  	s6 =	sadd.s32 s6, s3;
	s1 =	sadd.s32 s17, s1;
	s7 =	sshrl.u32 s7, $0x3  }
0xd: {  	s14 =	sadd.s32 $0x2000, s8;
	s15 =	sadd.s32 $0x4000, s8;
	s16 =	sadd.s32 $0x6000, s8  }
0xe: {  	s8 =	sadd.s32 $0x8000, s8;
	s23 =	sadd.s32 $0x180, s1;
	[dreg:$0x4] =	wrdreg s14  }
0xf: {  	s24 =	sadd.s32 $0x4E380, s1;
	s0 =	sadd.s32 s7, s0;
	[dreg:$0x5] =	wrdreg s15  }
0x10: {  	s7 =	ssub.s32 s13, s10;
	[dreg:$0x6] =	wrdreg s16;
	s9 =	sshrl.u32 s9, $0x3  }
0x11: {  	[dreg:$0x7] =	wrdreg s8;
	s8 =	sadd.s32 $0x4E300, s1;
	s25 =	sshrl.u32 s24, $0x3  }
0x12: {  	s24 =	simm.s32 $0x8;
	s13 =	simm.s32 $0x10;
	s14 =	simm.s32 $0x4220  }
0x13: {  	s15 =	simm.s32 $0x0;
	s11 =	sadd.s32 s2, s9;
	s0 =	sadd.s32 $0x16200, s0  }
0x14: {  	s22 =	smax.u32 s7, $0x1;
	s26 =	sshrl.u32 s8, $0x3;
	[dreg:$0xd] =	wrdreg s0  }
0x15: {  	s7 =	simm.s32 $0x7;
	s9 =	sadd.s32 $0x10, s11;
	[dreg:$0xe] =	wrdreg s22  }
0x16: {  	s8 =	simm.s32 $0x2;
	s18 =	sadd.s32 $0x9C40, s11;
	[dreg:$0x8] =	wrdreg s9  }
0x17: {  	s19 =	sadd.s32 $0x9C50, s11;
	s20 =	sadd.s32 $0x4E0, s11;
	[dreg:$0x9] =	wrdreg s18  }
0x18: {  	s21 =	sadd.s32 $0xA120, s11;
	s0 =	sshrl.u32 s23, $0x3;
	[dreg:$0xa] =	wrdreg s19  }
0x19: {  	s22 =	sadd.s32 s26, s2;
	s23 =	simm.s32 $0x220;
	[dreg:$0xb] =	wrdreg s20  }
0x1a: {  	s26 =	simm.s32 $0x100;
	[dreg:$0xc] =	wrdreg s21;
	s19 =	sadd.s32 s0, s2  }
0x1b: {  	s20 =	sadd.s32 s25, s2;
	s21 =	sadd.s32 $0x100, s1;
	s25 =	simm.s32 $0x80  }
0x1c: {  	v0 =	vimm.f32 $0.0e+00;
	s1 =	simm.s32 $0x1;
	s0 =	simm.s32 $0x5;
	s9 =	simm.s32 $0x6  }
.LBB2_1:
0x1d: {  	s17 =	simm.s32 $0x100;
	s16 =	simm.s32 $0x0  }
.LBB2_2:
0x1e: {  	p0 =	sne.s32 s17, $0x7F00;
	[tilespmem:s16+$0x250] =	vst v0;
	s18 =	smov.u32 s17;
	s17 =	sadd.s32 $0x100, s17  }
.Ltmp0:
0x1f: {  	[tilespmem:s16+$0x240] =	vst v0;
	(pc) =	sbr.rel @p0 .LBB2_2-.Ltmp0, $3  }
0x20: {  	[tilespmem:s16+$0x220] =	vst v0  }
0x21: {  	[tilespmem:s16+$0x230] =	vst v0;
	_ =	sdelay $0x1  }
0x22: {  	s16 =	sshra.s32 s18, $0x2  }
0x23: {  	[tilespmem:s16+$0x250] =	vst v0  }
0x24: {  	[tilespmem:s16+$0x240] =	vst v0  }
0x25: {  	[tilespmem:s16+$0x220] =	vst v0  }
0x26: {  	[tilespmem:s16+$0x230] =	vst v0  }
0x27: {  	[spmem:s6] =	stream.linear.scatter [tilespmem:s23], [sflag:$0x8], $0x2000, $0x38;
	[tilespmem:$0xE620] =	vst v63  }
0x28: {  	_ =	swait.ge [sflag:s24], $0x2000  }
0x29: {  	[sflag:s24] =	ssyncset.done $0x0  }
0x2a: {  	s10 =	rddreg [dreg:$0x4];
	[sflag:s24] =	ssyncadd.s32 $0xFFFFE000  }
0x2b: {  	[spmem:s10] =	stream.linear.scatter [tilespmem:s23], [sflag:$0x8], $0x2000, $0x38;
	[tilespmem:$0xE620] =	vst v63  }
0x2c: {  	_ =	swait.ge [sflag:s24], $0x2000  }
0x2d: {  	[sflag:s24] =	ssyncset.done $0x0  }
0x2e: {  	s17 =	rddreg [dreg:$0x5];
	[sflag:s24] =	ssyncadd.s32 $0xFFFFE000  }
0x2f: {  	[spmem:s17] =	stream.linear.scatter [tilespmem:s23], [sflag:$0x8], $0x2000, $0x38;
	[tilespmem:$0xE620] =	vst v63  }
0x30: {  	_ =	swait.ge [sflag:s24], $0x2000  }
0x31: {  	[sflag:s24] =	ssyncset.done $0x0  }
0x32: {  	s18 =	rddreg [dreg:$0x6];
	[sflag:s24] =	ssyncadd.s32 $0xFFFFE000  }
0x33: {  	[spmem:s18] =	stream.linear.scatter [tilespmem:s23], [sflag:$0x8], $0x2000, $0x38;
	[tilespmem:$0xE620] =	vst v63  }
0x34: {  	_ =	swait.ge [sflag:s24], $0x2000  }
0x35: {  	[sflag:s24] =	ssyncset.done $0x0  }
0x36: {  	s16 =	rddreg [dreg:$0x7];
	[sflag:s24] =	ssyncadd.s32 $0xFFFFE000  }
0x37: {  	[spmem:s16] =	stream.linear.scatter [tilespmem:s23], [sflag:$0x8], $0x2000, $0x38;
	[tilespmem:$0xE620] =	vst v63  }
0x38: {  	_ =	swait.ge [sflag:s24], $0x2000  }
0x39: {  	[sflag:s24] =	ssyncset.done $0x0  }
0x3a: {  	[sflag:s24] =	ssyncadd.s32 $0xFFFFE000  }
0x3b: {  	s16 =	simm.s32 $0x0;
	[bflag:$0x0] =	sbarrier.arrive $0xFFFF  }
0x3c: {  	[tilespmem:s16], [sflag:$0x3] =	stream.linear.gather [hbm4b:s11+s16], $0x80, $0x38;
	[tilespmem:$0xE620] =	vst v63  }
0x3d: {  	s17 =	rddreg [dreg:$0x8]  }
0x3e: {  	[tilespmem:s25], [sflag:$0x4] =	stream.linear.gather [hbm4b:s17+s16], $0x80, $0x38;
	[tilespmem:$0xE620] =	vst v63  }
0x3f: {  	s18 =	rddreg [dreg:$0x9]  }
0x40: {  	[tilespmem:s26], [sflag:$0x5] =	stream.linear.gather [hbm4b:s18+s16], $0x80, $0x38;
	[tilespmem:$0xE620] =	vst v63  }
0x41: {  	s17 =	rddreg [dreg:$0xa]  }
0x42: {  	[tilespmem:s28], [sflag:$0x6] =	stream.linear.gather [hbm4b:s17+s16], $0x80, $0x38;
	[tilespmem:$0xE620] =	vst v63  }
0x43: {  	_ =	swait.ge [sflag:s29], $0x80  }
0x44: {  	[sflag:s29] =	ssyncset.done $0x0  }
0x45: {  	[sflag:s29] =	ssyncadd.s32 $0xFFFFFF80  }
0x46: {  	[tilespmem:s23], [sflag:$0x1] =	stream.indirect.gather [hbm4b:s5+s25], $0x40, s16, s25, $0xb8;
	[tilespmem:$0xE620] =	vst v63  }
0x47: {  	_ =	swait.ge [sflag:s30], $0x80  }
0x48: {  	[sflag:s30] =	ssyncset.done $0x0  }
0x49: {  	[sflag:s30] =	ssyncadd.s32 $0xFFFFFF80  }
0x4a: {  	[tilespmem:s31], [sflag:$0x2] =	stream.indirect.gather [hbm4b:s5+s25], $0x40, s25, s25, $0xb8;
	[tilespmem:$0xE620] =	vst v63  }
0x4b: {  	_ =	swait.ge [sflag:s1], $0x2000  }
0x4c: {  	s18 =	sshrl.u32 s21, $0x3;
	[sflag:s1] =	ssyncset.done $0x0  }
0x4d: {  	s16 =	sadd.s32 s2, s18;
	[sflag:s1] =	ssyncadd.s32 $0xFFFFE000  }
0x4e: {  	[tilespmem:s4], [sflag:$0x3] =	stream.linear.gather [hbm4b:s16+s4], $0x80, $0x38;
	[tilespmem:$0xE620] =	vst v63  }
0x4f: {  	_ =	swait.ge [sflag:s0], $0x80  }
0x50: {  	[sflag:s0] =	ssyncset.done $0x0  }
0x51: {  	[sflag:s0] =	ssyncadd.s32 $0xFFFFFF80  }
0x52: {  	[spmem:s3] =	stream.indirect.scatter.add.f32 [tilespmem:s23], [sflag:$0x7], $0x40, s26, s25, $0xb8;
	[tilespmem:$0xE620] =	vst v63  }
0x53: {  	_ =	swait.ge [sflag:s7], $0x2000  }
0x54: {  	[sflag:s7] =	ssyncset.done $0x0  }
0x55: {  	s10 =	sadd.s32 $0x0, s22;
	[sflag:s7] =	ssyncadd.s32 $0xFFFFE000  }
0x56: {  	[tilespmem:s26], [sflag:$0x5] =	stream.linear.gather [hbm4b:s10+s4], $0x80, $0x38;
	[tilespmem:$0xE620] =	vst v63  }
0x57: {  	_ =	swait.ge [sflag:s29], $0x80  }
0x58: {  	[sflag:s29] =	ssyncset.done $0x0  }
0x59: {  	[sflag:s29] =	ssyncadd.s32 $0xFFFFFF80  }
0x5a: {  	[tilespmem:s23], [sflag:$0x1] =	stream.indirect.gather [hbm4b:s5+s25], $0x40, s4, s25, $0xb8;
	[tilespmem:$0xE620] =	vst v63  }
0x5b: {  	_ =	swait.ge [sflag:s8], $0x2000  }
0x5c: {  	[sflag:s8] =	ssyncset.done $0x0  }
0x5d: {  	s17 =	sadd.s32 $0x0, s19;
	[sflag:s8] =	ssyncadd.s32 $0xFFFFE000  }
0x5e: {  	[tilespmem:s25], [sflag:$0x4] =	stream.linear.gather [hbm4b:s17+s4], $0x80, $0x38;
	[tilespmem:$0xE620] =	vst v63  }
0x5f: {  	_ =	swait.ge [sflag:s9], $0x80  }
0x60: {  	[sflag:s9] =	ssyncset.done $0x0  }
0x61: {  	[sflag:s9] =	ssyncadd.s32 $0xFFFFFF80  }
0x62: {  	[spmem:s3] =	stream.indirect.scatter.add.f32 [tilespmem:s31], [sflag:$0x7], $0x40, s28, s25, $0xb8;
	[tilespmem:$0xE620] =	vst v63  }
0x63: {  	_ =	swait.ge [sflag:s7], $0x2000  }
0x64: {  	[sflag:s7] =	ssyncset.done $0x0  }
0x65: {  	s18 =	sadd.s32 $0x0, s20;
	[sflag:s7] =	ssyncadd.s32 $0xFFFFE000  }
0x66: {  	[tilespmem:s28], [sflag:$0x6] =	stream.linear.gather [hbm4b:s18+s4], $0x80, $0x38;
	[tilespmem:$0xE620] =	vst v63  }
0x67: {  	_ =	swait.ge [sflag:s30], $0x80  }
0x68: {  	[sflag:s30] =	ssyncset.done $0x0  }
0x69: {  	s16 =	simm.s32 $0x20;
	s17 =	sadd.s32 $0x100, s21;
	[sflag:s30] =	ssyncadd.s32 $0xFFFFFF80  }
.LBB2_4:
0x6a: {  	[tilespmem:s31], [sflag:$0x2] =	stream.indirect.gather [hbm4b:s5+s25], $0x40, s25, s25, $0xb8;
	[tilespmem:$0xE620] =	vst v63  }
0x6b: {  	s18 =	smov.u32 s16  }
0x6c: {  	p0 =	sne.s32 s16, $0x4A0;
	s16 =	sadd.s32 $0x20, s16;
	_ =	swait.ge [sflag:s1], $0x2000  }
0x6d: {  	s10 =	sshrl.u32 s17, $0x3;
	[sflag:s1] =	ssyncset.done $0x0  }
0x6e: {  	s10 =	sadd.s32 s2, s10;
	[sflag:s1] =	ssyncadd.s32 $0xFFFFE000  }
0x6f: {  	[tilespmem:s4], [sflag:$0x3] =	stream.linear.gather [hbm4b:s10+s4], $0x80, $0x38;
	[tilespmem:$0xE620] =	vst v63  }
0x70: {  	_ =	swait.ge [sflag:s0], $0x80  }
0x71: {  	[sflag:s0] =	ssyncset.done $0x0  }
0x72: {  	[sflag:s0] =	ssyncadd.s32 $0xFFFFFF80  }
0x73: {  	[spmem:s3] =	stream.indirect.scatter.add.f32 [tilespmem:s23], [sflag:$0x7], $0x40, s26, s25, $0xb8;
	[tilespmem:$0xE620] =	vst v63  }
0x74: {  	_ =	swait.ge [sflag:s7], $0x2000  }
0x75: {  	[sflag:s7] =	ssyncset.done $0x0  }
0x76: {  	s10 =	sadd.s32 s18, s22;
	[sflag:s7] =	ssyncadd.s32 $0xFFFFE000  }
0x77: {  	[tilespmem:s26], [sflag:$0x5] =	stream.linear.gather [hbm4b:s10+s4], $0x80, $0x38;
	[tilespmem:$0xE620] =	vst v63  }
0x78: {  	_ =	swait.ge [sflag:s29], $0x80  }
0x79: {  	[sflag:s29] =	ssyncset.done $0x0  }
0x7a: {  	[sflag:s29] =	ssyncadd.s32 $0xFFFFFF80  }
0x7b: {  	[tilespmem:s23], [sflag:$0x1] =	stream.indirect.gather [hbm4b:s5+s25], $0x40, s4, s25, $0xb8;
	[tilespmem:$0xE620] =	vst v63  }
0x7c: {  	_ =	swait.ge [sflag:s8], $0x2000  }
0x7d: {  	[sflag:s8] =	ssyncset.done $0x0  }
0x7e: {  	s10 =	sadd.s32 s18, s19;
	[sflag:s8] =	ssyncadd.s32 $0xFFFFE000  }
0x7f: {  	[tilespmem:s25], [sflag:$0x4] =	stream.linear.gather [hbm4b:s10+s4], $0x80, $0x38;
	[tilespmem:$0xE620] =	vst v63  }
0x80: {  	_ =	swait.ge [sflag:s9], $0x80  }
0x81: {  	[sflag:s9] =	ssyncset.done $0x0  }
0x82: {  	[sflag:s9] =	ssyncadd.s32 $0xFFFFFF80  }
0x83: {  	[spmem:s3] =	stream.indirect.scatter.add.f32 [tilespmem:s31], [sflag:$0x7], $0x40, s28, s25, $0xb8;
	[tilespmem:$0xE620] =	vst v63  }
0x84: {  	_ =	swait.ge [sflag:s7], $0x2000  }
0x85: {  	[sflag:s7] =	ssyncset.done $0x0  }
.Ltmp1:
0x86: {  	s10 =	sadd.s32 s18, s20;
	[sflag:s7] =	ssyncadd.s32 $0xFFFFE000;
	(pc) =	sbr.rel @p0 .LBB2_4-.Ltmp1, $4  }
0x87: {  	[tilespmem:s28], [sflag:$0x6] =	stream.linear.gather [hbm4b:s10+s4], $0x80, $0x38;
	[tilespmem:$0xE620] =	vst v63  }
0x88: {  	_ =	swait.ge [sflag:s30], $0x80  }
0x89: {  	[sflag:s30] =	ssyncset.done $0x0  }
0x8a: {  	s17 =	sadd.s32 $0x100, s17;
	[sflag:s30] =	ssyncadd.s32 $0xFFFFFF80  }
0x8b: {  	[tilespmem:s31], [sflag:$0x2] =	stream.indirect.gather [hbm4b:s5+s25], $0x40, s25, s25, $0xb8;
	[tilespmem:$0xE620] =	vst v63  }
0x8c: {  	_ =	swait.ge [sflag:s1], $0x2000  }
0x8d: {  	[sflag:s1] =	ssyncset.done $0x0  }
0x8e: {  	[sflag:s1] =	ssyncadd.s32 $0xFFFFE000  }
0x8f: {  	_ =	swait.ge [sflag:s0], $0x80  }
0x90: {  	[sflag:s0] =	ssyncset.done $0x0  }
0x91: {  	[sflag:s0] =	ssyncadd.s32 $0xFFFFFF80  }
0x92: {  	[spmem:s3] =	stream.indirect.scatter.add.f32 [tilespmem:s23], [sflag:$0x7], $0x40, s26, s25, $0xb8;
	[tilespmem:$0xE620] =	vst v63  }
0x93: {  	_ =	swait.ge [sflag:s7], $0x2000  }
0x94: {  	[sflag:s7] =	ssyncset.done $0x0  }
0x95: {  	s16 =	simm.s32 $0x200;
	s10 =	rddreg [dreg:$0xb];
	[sflag:s7] =	ssyncadd.s32 $0xFFFFE000  }
0x96: {  	[tilespmem:s16], [sflag:$0x3] =	stream.linear.gather [hbm4b:s10+s4], $0x10, $0x38;
	[tilespmem:$0xE620] =	vst v63  }
0x97: {  	s18 =	rddreg [dreg:$0xc]  }
0x98: {  	[tilespmem:s12], [sflag:$0x5] =	stream.linear.gather [hbm4b:s18+s4], $0x10, $0x38;
	[tilespmem:$0xE620] =	vst v63  }
0x99: {  	_ =	swait.ge [sflag:s8], $0x2000  }
0x9a: {  	[sflag:s8] =	ssyncset.done $0x0  }
0x9b: {  	[sflag:s8] =	ssyncadd.s32 $0xFFFFE000  }
0x9c: {  	_ =	swait.ge [sflag:s9], $0x80  }
0x9d: {  	[sflag:s9] =	ssyncset.done $0x0  }
0x9e: {  	[sflag:s9] =	ssyncadd.s32 $0xFFFFFF80  }
0x9f: {  	[spmem:s3] =	stream.indirect.scatter.add.f32 [tilespmem:s31], [sflag:$0x7], $0x40, s28, s25, $0xb8;
	[tilespmem:$0xE620] =	vst v63  }
0xa0: {  	_ =	swait.ge [sflag:s7], $0x2000  }
0xa1: {  	[sflag:s7] =	ssyncset.done $0x0  }
0xa2: {  	[sflag:s7] =	ssyncadd.s32 $0xFFFFE000  }
0xa3: {  	_ =	swait.ge [sflag:s29], $0x10  }
0xa4: {  	[sflag:s29] =	ssyncset.done $0x0  }
0xa5: {  	[sflag:s29] =	ssyncadd.s32 $0xFFFFFFF0  }
0xa6: {  	[tilespmem:s14], [sflag:$0x8] =	stream.indirect.gather [hbm4b:s5+s13], $0x40, s16, s13, $0xb8;
	[tilespmem:$0xE620] =	vst v63  }
0xa7: {  	_ =	swait.ge [sflag:s24], $0x400  }
0xa8: {  	[sflag:s24] =	ssyncset.done $0x0  }
0xa9: {  	[sflag:s24] =	ssyncadd.s32 $0xFFFFFC00  }
0xaa: {  	_ =	swait.ge [sflag:s0], $0x10  }
0xab: {  	[sflag:s0] =	ssyncset.done $0x0  }
0xac: {  	[sflag:s0] =	ssyncadd.s32 $0xFFFFFFF0  }
0xad: {  	[spmem:s3] =	stream.indirect.scatter.add.f32 [tilespmem:s14], [sflag:$0x8], $0x40, s12, s13, $0xb8;
	[tilespmem:$0xE620] =	vst v63  }
0xae: {  	_ =	swait.ge [sflag:s24], $0x400  }
0xaf: {  	[sflag:s24] =	ssyncset.done $0x0  }
0xb0: {  	s17 =	stileid.u32;
	[sflag:s24] =	ssyncadd.s32 $0xFFFFFC00  }
0xb1: {  	s10 =	sshll.u32 s17, $0x6;
	[bflag:$0x0] =	sbarrier.arrive $0xFFFF  }
0xb2: {  	s10 =	sor.u32 $0x1C08, s10;
	s18 =	sshrl.u32 s6, $0x3;
	s17 =	rddreg [dreg:$0xd]  }
0xb3: {  	[hbm:s17], [sflag:s10] =	dma.local [spmem:s18], $0x1400  }
0xb4: {  	_ =	swait.ge [sflag:s24], $0x1400  }
0xb5: {  	s15 =	sadd.s32 $0x1, s15;
	s18 =	rddreg [dreg:$0xe]  }
0xb6: {  	p0 =	sne.s32 s15, s18  }
.Ltmp2:
0xb7: {  	_ = 	snop;
	(pc) =	sbr.rel @p0 .LBB2_1-.Ltmp2, $3  }
0xb8: {  	_ =	sdelay $0x1  }
0xb9: {  	[sflag:s24] =	ssyncset.done $0x0  }
0xba: {  	[sflag:s24] =	ssyncadd.s32 $0xFFFFEC00  }
0xbb: {  	_ =	sfence.sel $0x180000  }
0xbc: {  	[bflag:$0x0] =	sbarrier.arrive $0xFFFF  }
0xbd: {  	_ =	strace $0x9000004A  }
0xbe: {  	s0 =	stileid.u32;
	[bflag:$0x2] =	sbarrier.arrive $0xFFFF  }
0xbf: {  	p0 =	sne.s32 s0, $0x0;
	s0 =	rddreg [dreg:$0x3]  }
0xc0: {  	s0 =	sadd.s32 @!p0 $0x100000, s0  }
0xc1: {  	[sflag:s0] =	ssyncadd.tile.s32 @!p0 $0x1;
	_ =	shalt  }
.Lfunc_end2:
_tile_overlayer_lowered:
.L_overlay_start_2:
0xc2: {  	(tag) =	ssettag $0x2  }
0xc3: {  	s0 =	rddreg [dreg:$0x0];
	s2 =	stileid.u32  }
0xc4: {  	s1 =	rddreg [dreg:$0x1];
	p0 =	sne.s32 s2, $0x0  }
0xc5: {  	s3 =	rddreg [dreg:$0x2];
	[bflag:$0x3] =	sbarrier.arrive $0xFFFF;
	s2 =	simm.s32 @!p0 $0x1C08  }
0xc6: {  	[timem:s3], [sflag:s2] =	dma.local @!p0 [hbm:s0], s1  }
0xc7: {  	s0 =	simm.s32 @!p0 $0x8  }
0xc8: {  	_ =	swait.ge @!p0 [sflag:s0], s1  }
0xc9: {  	s1 =	ssub.s32 @!p0 $0x0, s1;
	[sflag:s0] =	ssyncset.done @!p0 $0x0  }
0xca: {  	[sflag:s0] =	ssyncadd.s32 @!p0 s1  }
0xcb: {  	[bflag:$0x3] =	sbarrier.arrive $0xFFFF  }
0xcc: {  	_ =	shalt  }

// kernel: kernel.7.cloned.1.call-start
scs
__scs_entry_jumppad:
0x0: {  	(pc) =	sbr.rel $0x88, $3  }
0x1: {  	(tag) =	ssettag $0x0;
	lr =	simm.s32 $0x1  }
0x2: {  	[smem:$0x3F99] =	sst lr;
	_ =	strace $0xD0000000  }
0x3: {  	_ = 	snop  }
0x4: {  	_ = 	snop  }
0x5: {  	_ = 	snop  }
0x6: {  	_ = 	snop  }
0x7: {  	_ = 	snop  }
__scs_overlays_trampoline_lowered:
0x8: {  	[smem:$0x3FA8] =	sst s0  }
0x9: {  	[smem:$0x3FA9] =	sst s1  }
0xa: {  	[smem:$0x3FAA] =	sst s2  }
0xb: {  	[smem:$0x3FAB] =	sst s3  }
0xc: {  	[smem:$0x3FAC] =	sst s4  }
0xd: {  	[smem:$0x3FAD] =	sst s5  }
0xe: {  	[smem:$0x3FAE] =	sst s6  }
0xf: {  	[smem:$0x3FAF] =	sst s7  }
0x10: {  	[smem:$0x3FB0] =	sst s8  }
0x11: {  	[smem:$0x3FB1] =	sst s9;
	s0 =	simm.s32 @!p0 $0x0  }
0x12: {  	s1 =	sld [smem:$0x3F97];
	s0 =	simm.s32 @p0 $0x1  }
0x13: {  	[smem:$0x3FB2] =	sst s0;
	s0 =	simm.s32 @!p1 $0x0  }
0x14: {  	s2 =	sld [smem:$0x3F96];
	s0 =	simm.s32 @p1 $0x1  }
0x15: {  	[smem:$0x3FB3] =	sst s0;
	s0 =	simm.s32 @!p2 $0x0  }
0x16: {  	s3 =	sld [smem:$0x3FDB];
	s0 =	simm.s32 @p2 $0x1  }
0x17: {  	s4 =	simm.s32 $0x1BF5;
	[smem:$0x3FB5] =	sst s0  }
0x18: {  	s0 =	sld [smem:$0x3F98];
	_ =	swait.ge [sflag:s4], $0x0  }
0x19: {  	s7 =	sld [smem:$0x3F99]  }
0x1a: {  	s8 =	sadd.s32 $0xFFFFE003, lr  }
0x1b: {  	s9 =	sadd.s32 $0xFFFFFEF7, lr;
	s5 =	simm.s32 $0xFFFFFFFF;
	p2 =	slt.u32 s8, $0xFFFFF086  }
0x1c: {  	p1 =	slt.u32 s9, $0xF7A;
	s5 =	simm.s32 @!p2 $0x0  }
0x1d: {  	s5 =	simm.s32 @p1 $0x1;
	p0 =	seq.s32 s7, s2  }
0x1e: {  	s7 =	smul.u32 @!p0 $0xF7A, s2;
	p2 =	seq.s32 @!p0 s5, $0x0  }
0x1f: {  	s9 =	smul.u32 $0xF7A, s1;
	s8 =	simm.s32 @!p0 $0x1BF5;
	p2 =	por !p2, p0  }
0x20: {  	[sflag:s8] =	ssyncset.s32 @!p0 $0xFFFFF086;
	s6 =	sadd.s32 @!p0 s3, s7;
	s7 =	simm.s32 @!p0 $0x108  }
0x21: {  	s3 =	sadd.s32 s3, s9;
	s6 =	sadd.s32 @!p0 $0x88, s6;
	s7 =	simm.s32 @p2 $0x1082  }
0x22: {  	[simem:s7], [sflag:s8] =	dma.local @!p0 [hbm:s6], $0xF7A  }
0x23: {  	s9 =	sor.u32 $0xD0000000, s2;
	s6 =	simm.s32 $0x108;
	_ =	swait.ge @!p0 [sflag:s8], $0x0  }
0x24: {  	s3 =	sadd.s32 $0x88, s3;
	s6 =	simm.s32 @!p1 $0x1082;
	[sflag:s4] =	ssyncset.s32 $0xFFFFF086  }
0x25: {  	[simem:s6], [sflag:s4] =	dma.local [hbm:s3], $0xF7A  }
0x26: {  	[smem:$0x3F99] =	sst s1;
	(tag) =	ssettag s2;
	_ =	strace s9  }
0x27: {  	s1 =	sld [smem:$0x3FA9]  }
0x28: {  	s2 =	sld [smem:$0x3FAA]  }
0x29: {  	s4 =	sld [smem:$0x3FAC]  }
0x2a: {  	p0 =	seq.s32 s5, $0x0;
	s5 =	sld [smem:$0x3FAD]  }
0x2b: {  	s6 =	sld [smem:$0x3FAE]  }
0x2c: {  	s7 =	sld [smem:$0x3FAF]  }
0x2d: {  	s3 =	simm.s32 $0x108;
	s8 =	sld [smem:$0x3FB0]  }
0x2e: {  	s3 =	simm.s32 @!p0 $0x1082;
	s9 =	sld [smem:$0x3FB1]  }
0x2f: {  	lr =	sadd.s32 s0, s3;
	s0 =	sld [smem:$0x3FA8]  }
0x30: {  	s3 =	sld [smem:$0x3FAB]  }
0x31: {  	[smem:$0x3FB4] =	sst s10  }
0x32: {  	s10 =	sld [smem:$0x3FB2];
	_ =	sdelay $0x3  }
0x33: {  	p0 =	seq.s32 s10, $0x1;
	s10 =	sld [smem:$0x3FB4];
	_ =	sdelay $0x3  }
0x34: {  	[smem:$0x3FB4] =	sst s10  }
0x35: {  	s10 =	sld [smem:$0x3FB3];
	_ =	sdelay $0x3  }
0x36: {  	p1 =	seq.s32 s10, $0x1;
	s10 =	sld [smem:$0x3FB4];
	_ =	sdelay $0x3  }
0x37: {  	[smem:$0x3FB4] =	sst s10  }
0x38: {  	s10 =	sld [smem:$0x3FB5]  }
0x39: {  	_ = 	snop;
	(pc) =	sbr.ind lr, $3  }
0x3a: {  	_ = 	snop  }
0x3b: {  	_ = 	snop  }
0x3c: {  	p2 =	seq.s32 s10, $0x1;
	s10 =	sld [smem:$0x3FB4]  }
0x3d: {  	_ =	shalt  }
0x3e: {  	_ =	shalt  }
0x3f: {  	_ =	shalt  }
0x40: {  	_ =	shalt  }
0x41: {  	_ =	shalt  }
0x42: {  	_ =	shalt  }
0x43: {  	_ =	shalt  }
0x44: {  	_ =	shalt  }
0x45: {  	_ =	shalt  }
0x46: {  	_ =	shalt  }
0x47: {  	_ =	shalt  }
0x48: {  	_ =	shalt  }
0x49: {  	_ =	shalt  }
0x4a: {  	_ =	shalt  }
0x4b: {  	_ =	shalt  }
0x4c: {  	_ =	shalt  }
0x4d: {  	_ =	shalt  }
0x4e: {  	_ =	shalt  }
0x4f: {  	_ =	shalt  }
0x50: {  	_ =	shalt  }
0x51: {  	_ =	shalt  }
0x52: {  	_ =	shalt  }
0x53: {  	_ =	shalt  }
0x54: {  	_ =	shalt  }
0x55: {  	_ =	shalt  }
0x56: {  	_ =	shalt  }
0x57: {  	_ =	shalt  }
0x58: {  	_ =	shalt  }
0x59: {  	_ =	shalt  }
0x5a: {  	_ =	shalt  }
0x5b: {  	_ =	shalt  }
0x5c: {  	_ =	shalt  }
0x5d: {  	_ =	shalt  }
0x5e: {  	_ =	shalt  }
0x5f: {  	_ =	shalt  }
0x60: {  	_ =	shalt  }
0x61: {  	_ =	shalt  }
0x62: {  	_ =	shalt  }
0x63: {  	_ =	shalt  }
0x64: {  	_ =	shalt  }
0x65: {  	_ =	shalt  }
0x66: {  	_ =	shalt  }
0x67: {  	_ =	shalt  }
0x68: {  	_ =	shalt  }
0x69: {  	_ =	shalt  }
0x6a: {  	_ =	shalt  }
0x6b: {  	_ =	shalt  }
0x6c: {  	_ =	shalt  }
0x6d: {  	_ =	shalt  }
0x6e: {  	_ =	shalt  }
0x6f: {  	_ =	shalt  }
0x70: {  	_ =	shalt  }
0x71: {  	_ =	shalt  }
0x72: {  	_ =	shalt  }
0x73: {  	_ =	shalt  }
0x74: {  	_ =	shalt  }
0x75: {  	_ =	shalt  }
0x76: {  	_ =	shalt  }
0x77: {  	_ =	shalt  }
0x78: {  	_ =	shalt  }
0x79: {  	_ =	shalt  }
0x7a: {  	_ =	shalt  }
0x7b: {  	_ =	shalt  }
0x7c: {  	_ =	shalt  }
0x7d: {  	_ =	shalt  }
0x7e: {  	_ =	shalt  }
0x7f: {  	_ =	shalt  }
0x80: {  	_ =	shalt  }
0x81: {  	_ =	shalt  }
0x82: {  	_ =	shalt  }
0x83: {  	_ =	shalt  }
0x84: {  	_ =	shalt  }
0x85: {  	_ =	shalt  }
0x86: {  	_ =	shalt  }
0x87: {  	_ =	shalt  }
.Lfunc_end0:
.L_simem_size_0:
called_computation_lowered:
.L_overlay_start_0:
0x88: {  	s2 =	sld [smem:$0x3FD9]  }
0x89: {  	s3 =	sld [smem:$0x3FFE];
	_ =	sdelay $0x1  }
0x8a: {  	s1 =	srdreg.scid  }
0x8b: {  	s0 =	sand.u32 $0x1, s1  }
0x8c: {  	s17 =	sshll.u32 s0, $0xA;
	s2 =	sadd.s32 s3, s2  }
0x8d: {  	s2 =	sadd.s32 s2, s17  }
0x8e: {  	[smem:$0x3FC0] =	sst s2  }
0x8f: {  	_ = 	snop  }
0x90: {  	s2 =	sld [smem:$0x3FD0];
	(tm) =	ssettm $0x1  }
0x91: {  	s18 =	sld [smem:$0x3FFB];
	_ =	sdelay $0x3  }
0x92: {  	_ =	strace s18  }
0x93: {  	s3 =	sld [smem:$0x3FFC];
	_ =	sdelay $0x3  }
0x94: {  	_ =	strace s3  }
0x95: {  	s3 =	sld [smem:$0x3FFD];
	_ =	sdelay $0x3  }
0x96: {  	_ =	strace s3  }
0x97: {  	_ =	strace $0x8FFFFFFF  }
0x98: {  	s19 =	sld [smem:$0x3FDB];
	_ =	sdelay $0x1  }
0x99: {  	s4 =	simm.s32 $_scs_section_size  }
0x9a: {  	s5 =	simm.s32 $_size__tile_overlayer_lowered;
	s6 =	simm.s32 $_tile_overlayer_lowered  }
0x9b: {  	s22 =	simm.s32 $0x1BFF;
	s21 =	sshll.u32 s6, $0x1;
	s3 =	sadd.s32 s4, s19  }
0x9c: {  	s7 =	simm.s32 $0x0;
	s20 =	sshll.u32 s5, $0x1;
	s5 =	sadd.s32 s21, s3  }
0x9d: {  	[timem:s7], [sflag:s22] =	dma.local [hbm:s5], s20  }
0x9e: {  	_ =	swait.ge [sflag:s22], s20  }
0x9f: {  	s4 =	ssub.s32 $0x0, s20;
	[sflag:s22] =	ssyncset.done $0x0  }
0xa0: {  	[sflag:s22] =	ssyncadd.s32 s4;
	_ =	sdelay $0x1  }
0xa1: {  	s23 =	simm.s32 $0x1B8B  }
0xa2: {  	_ =	swait.ge [sflag:s23], $0x1  }
0xa3: {  	[sflag:s23] =	ssyncset.done $0x0  }
0xa4: {  	s25 =	simm.s32 $0x1B8E;
	s24 =	sld [smem:$0x3FFE];
	[sflag:s23] =	ssyncadd.s32 $0xFFFFFFFF  }
0xa5: {  	s26 =	simm.s32 $execute0_lowered;
	[smem:$0x3FD2] =	sst s25  }
0xa6: {  	s5 =	sshll.u32 s26, $0x1;
	_ =	strace $0x80000046;
	[dreg:$0x1] =	wrdreg $0xFFFFFFFF  }
0xa7: {  	s28 =	simm.s32 $_size_execute0_lowered;
	s3 =	sadd.s32 s3, s5;
	[dreg:$0x0] =	wrdreg $0x0  }
0xa8: {  	s5 =	sshll.u32 s28, $0x1;
	[dreg:$0x2] =	wrdreg s3  }
0xa9: {  	[dreg:$0x3] =	wrdreg s5  }
0xaa: {  	[dreg:$0x4] =	wrdreg $0xC0  }
0xab: {  	_ =	task [dreg:s7], $0x5FFFF  }
0xac: {  	[dreg:$0x1] =	wrdreg $0xFFFFFFFF  }
0xad: {  	[dreg:$0x0] =	wrdreg $0x60  }
0xae: {  	[dreg:$0x2] =	wrdreg s24  }
0xaf: {  	[dreg:$0x3] =	wrdreg s2  }
0xb0: {  	[dreg:$0x4] =	wrdreg $0x8A200  }
0xb1: {  	[dreg:$0x5] =	wrdreg $0x1D2200  }
0xb2: {  	[dreg:$0x6] =	wrdreg $0x9  }
0xb3: {  	_ =	task.clear_ibuf [dreg:s7], $0x7FFFF;
	_ =	strace $0x90000046  }
0xb4: {  	s29 =	simm.s32 $0x9;
	_ =	strace $0x80000048  }
0xb5: {  	_ =	swait.ge [sflag:s29], $0x1  }
0xb6: {  	[sflag:s29] =	ssyncadd.s32 $0xFFFFFFFF  }
0xb7: {  	_ =	strace $0x90000048  }
0xb8: {  	_ =	sfence  }
0xb9: {  	s30 =	sld [smem:$0x0];
	_ =	sdelay $0x2  }
0xba: {  	s31 =	sshll.u32 s1, $0xD;
	s1 =	sshrl.u32 s1, $0x2  }
0xbb: {  	s3 =	sand.u32 $0x4000, s31;
	s1 =	sadd.s32 s1, s30  }
0xbc: {  	s0 =	sor.u32 s3, s0;
	s1 =	sshll.u32 s1, $0x11  }
0xbd: {  	s0 =	sor.u32 s1, s0  }
0xbe: {  	s0 =	sadd.s32 $0x8F2B, s0  }
0xbf: {  	[sflag:s0] =	ssyncadd.remote.s32 $0x1  }
0xc0: {  	_ =	sfence.sel $0xFFFF  }
0xc1: {  	[dreg:$0x0] =	wrdreg $0xFFFFFFFF;
	(pc) =	sbr.abs _section_cstart, $3  }
0xc2: {  	[dreg:$0x1] =	wrdreg $0xFFFFFFFF  }
0xc3: {  	_ =	task.clear_ibuf [dreg:s7], $0x2FFFF;
	_ =	strace $0x9FFFFFFF  }
0xc4: {  	(tm) =	ssettm $0x7FFFFFFF  }
0xc5: {  	_ =	shalt  }
tec
execute0_lowered:
.L_overlay_start_1:
0x0: {  	(tag) =	ssettag $0x1  }
0x1: {  	s0 =	rddreg [dreg:$0x0]  }
0x2: {  	s1 =	rddreg [dreg:$0x1];
	s2 =	srdreg.scid  }
0x3: {  	s19 =	stileid.u32;
	s3 =	rddreg [dreg:$0x2]  }
0x4: {  	s4 =	rddreg [dreg:$0x3];
	s7 =	smul.u32 $0x14000, s19  }
0x5: {  	s5 =	simm.s32 $0x0;
	s31 =	simm.s32 $0x220;
	s9 =	smul.u32 $0x2800, s19  }
0x6: {  	s28 =	simm.s32 $0x10;
	s2 =	sand.u32 $0x1, s2;
	s11 =	smul.u32 $0x280, s19  }
0x7: {  	s30 =	simm.s32 $0x0;
	[smem:$0x7FF] =	sst s5;
	s8 =	smul.u32 $0x140000, s2  }
0x8: {  	s6 =	sadd.s32 $0x2800, s0;
	s10 =	smul.u32 $0x28000, s2;
	_ =	strace $0x80000047  }
0x9: {  	s22 =	ssub.s32 $0x2, s2;
	s13 =	sshll.u32 s2, $0x4;
	s2 =	smul.u32 $0x27100, s2  }
0xa: {  	s12 =	sshrl.u32 s22, $0x1;
	s14 =	sadd.s32 $0x80, s11;
	s23 =	sor.u32 s19, s13  }
0xb: {  	s26 =	sadd.s32 $0x100, s11;
	s16 =	sadd.s32 $0x180, s11;
	s11 =	sadd.s32 $0x200, s11  }
0xc: {  	s8 =	sadd.s32 s7, s8;
	s10 =	sadd.s32 s9, s10;
	s24 =	sshll.u32 s14, $0x7  }
0xd: {  	s15 =	smul.u32 $0x2710, s23;
	s7 =	sadd.s32 s7, s3;
	s29 =	sshll.u32 s26, $0x7  }
0xe: {  	s17 =	sshll.u32 s16, $0x7;
	s18 =	sshll.u32 s11, $0x7;
	s21 =	sshll.u32 s14, $0x4  }
0xf: {  	s13 =	sshll.u32 s26, $0x4;
	s23 =	sshll.u32 s16, $0x4;
	s26 =	sshll.u32 s11, $0x4  }
0x10: {  	s11 =	simm.s32 $0x3;
	s8 =	sshrl.u32 s8, $0x3;
	s10 =	sshrl.u32 s10, $0x3  }
0x11: {  	s25 =	sadd.s32 s24, s3;
	s17 =	sadd.s32 s17, s3;
	s20 =	sadd.s32 s18, s3  }
0x12: {  	s8 =	sadd.s32 s8, s0;
	s0 =	sadd.s32 s10, s0;
	[dreg:$0x5] =	wrdreg s25  }
0x13: {  	s10 =	ssub.s32 s22, s12;
	s12 =	sadd.s32 s29, s3;
	[dreg:$0x7] =	wrdreg s17  }
0x14: {  	[dreg:$0x8] =	wrdreg s20;
	s22 =	sadd.s32 s13, s4;
	s24 =	sshrl.u32 s15, $0x3  }
0x15: {  	s25 =	smul.u32 $0x2710, s19;
	[dreg:$0x6] =	wrdreg s12;
	s12 =	sadd.s32 s9, s4  }
0x16: {  	s9 =	sadd.s32 s21, s4;
	[dreg:$0xa] =	wrdreg s22;
	s29 =	sadd.s32 s1, s24  }
0x17: {  	s8 =	sadd.s32 $0x29A00, s8;
	s0 =	sadd.s32 $0x79A00, s0;
	[dreg:$0x9] =	wrdreg s9  }
0x18: {  	s15 =	smax.u32 s10, $0x1;
	s10 =	simm.s32 $0x180;
	[dreg:$0xf] =	wrdreg s8  }
0x19: {  	s9 =	sadd.s32 s23, s4;
	s13 =	sadd.s32 $0x10, s29;
	[dreg:$0x10] =	wrdreg s0  }
0x1a: {  	s2 =	sadd.s32 s25, s2;
	[dreg:$0x11] =	wrdreg s15;
	s20 =	sadd.s32 $0x9C40, s29  }
0x1b: {  	s21 =	sadd.s32 $0x9C50, s29;
	[dreg:$0xc] =	wrdreg s29;
	s8 =	simm.s32 $0x80  }
0x1c: {  	s15 =	simm.s32 $0x1;
	[dreg:$0xb] =	wrdreg s9;
	s9 =	sadd.s32 s26, s4  }
0x1d: {  	[dreg:$0xe] =	wrdreg s13;
	s14 =	sadd.s32 $0x180, s2;
	s16 =	sadd.s32 $0x4E380, s2  }
0x1e: {  	s18 =	sadd.s32 $0x4E300, s2;
	s24 =	sadd.s32 $0x100, s2;
	[dreg:$0x12] =	wrdreg s20  }
0x1f: {  	[dreg:$0x13] =	wrdreg s21;
	s26 =	sadd.s32 $0x4E0, s29;
	s29 =	sadd.s32 $0xA120, s29  }
0x20: {  	s2 =	simm.s32 $0x8;
	s13 =	simm.s32 $0x4;
	[dreg:$0xd] =	wrdreg s9  }
0x21: {  	s20 =	simm.s32 $0x6;
	s0 =	sshrl.u32 s14, $0x3;
	[dreg:$0x14] =	wrdreg s26  }
0x22: {  	s17 =	sshrl.u32 s16, $0x3;
	s19 =	sshrl.u32 s18, $0x3;
	[dreg:$0x15] =	wrdreg s29  }
0x23: {  	s9 =	simm.s32 $0x100;
	s14 =	simm.s32 $0x4220;
	s18 =	simm.s32 $0x7  }
0x24: {  	s22 =	sadd.s32 s0, s1;
	s23 =	sadd.s32 s17, s1;
	s25 =	sadd.s32 s19, s1  }
0x25: {  	v0 =	vimm.f32 $0.0e+00;
	v1 =	vimm.f32 $1.000000000e+00;
	s0 =	simm.s32 $0x1CA20;
	s17 =	simm.s32 $0x5;
	s19 =	simm.s32 $0x2  }
.LBB2_1:
0x26: {  	s16 =	simm.s32 $0x0;
	s21 =	simm.s32 $0x200  }
.LBB2_2:
0x27: {  	p0 =	sne.s32 s21, $0xFE00;
	[tilespmem:s16+$0x290] =	vst v0  }
0x28: {  	[tilespmem:s16+$0x220] =	vst v0  }
0x29: {  	[tilespmem:s16+$0x230] =	vst v0  }
.Ltmp0:
0x2a: {  	[tilespmem:s16+$0x240] =	vst v0;
	(pc) =	sbr.rel @p0 .LBB2_2-.Ltmp0, $4  }
0x2b: {  	[tilespmem:s16+$0x250] =	vst v0  }
0x2c: {  	[tilespmem:s16+$0x260] =	vst v0  }
0x2d: {  	[tilespmem:s16+$0x270] =	vst v0  }
0x2e: {  	[tilespmem:s16+$0x280] =	vst v0;
	s16 =	sshra.s32 s21, $0x2;
	s21 =	sadd.s32 $0x200, s21  }
0x2f: {  	[tilespmem:s16+$0x290] =	vst v0  }
0x30: {  	[tilespmem:s16+$0x220] =	vst v0  }
0x31: {  	[tilespmem:s16+$0x230] =	vst v0  }
0x32: {  	[tilespmem:s16+$0x240] =	vst v0  }
0x33: {  	[tilespmem:s16+$0x250] =	vst v0  }
0x34: {  	[tilespmem:s16+$0x260] =	vst v0  }
0x35: {  	[tilespmem:s16+$0x270] =	vst v0  }
0x36: {  	[tilespmem:s16+$0x280] =	vst v0  }
0x37: {  	[spmem:s7] =	stream.linear.scatter [tilespmem:s31], [sflag:$0x8], $0x4000, $0x38;
	[tilespmem:$0x1FA20] =	vst v63  }
0x38: {  	_ =	swait.ge [sflag:s2], $0x4000  }
0x39: {  	[sflag:s2] =	ssyncset.done $0x0  }
0x3a: {  	s29 =	rddreg [dreg:$0x5];
	[sflag:s2] =	ssyncadd.s32 $0xFFFFC000  }
0x3b: {  	[spmem:s29] =	stream.linear.scatter [tilespmem:s31], [sflag:$0x8], $0x4000, $0x38;
	[tilespmem:$0x1FA20] =	vst v63  }
0x3c: {  	_ =	swait.ge [sflag:s2], $0x4000  }
0x3d: {  	[sflag:s2] =	ssyncset.done $0x0  }
0x3e: {  	s21 =	rddreg [dreg:$0x6];
	[sflag:s2] =	ssyncadd.s32 $0xFFFFC000  }
0x3f: {  	[spmem:s21] =	stream.linear.scatter [tilespmem:s31], [sflag:$0x8], $0x4000, $0x38;
	[tilespmem:$0x1FA20] =	vst v63  }
0x40: {  	_ =	swait.ge [sflag:s2], $0x4000  }
0x41: {  	[sflag:s2] =	ssyncset.done $0x0  }
0x42: {  	s26 =	rddreg [dreg:$0x7];
	[sflag:s2] =	ssyncadd.s32 $0xFFFFC000  }
0x43: {  	[spmem:s26] =	stream.linear.scatter [tilespmem:s31], [sflag:$0x8], $0x4000, $0x38;
	[tilespmem:$0x1FA20] =	vst v63  }
0x44: {  	_ =	swait.ge [sflag:s2], $0x4000  }
0x45: {  	[sflag:s2] =	ssyncset.done $0x0  }
0x46: {  	s29 =	rddreg [dreg:$0x8];
	[sflag:s2] =	ssyncadd.s32 $0xFFFFC000  }
0x47: {  	[spmem:s29] =	stream.linear.scatter [tilespmem:s31], [sflag:$0x8], $0x4000, $0x38;
	[tilespmem:$0x1FA20] =	vst v63  }
0x48: {  	_ =	swait.ge [sflag:s2], $0x4000  }
0x49: {  	[sflag:s2] =	ssyncset.done $0x0  }
0x4a: {  	s16 =	simm.s32 $0x40;
	s21 =	simm.s32 $0x0;
	[sflag:s2] =	ssyncadd.s32 $0xFFFFC000  }
.LBB2_4:
0x4b: {  	p0 =	sne.s32 s16, $0x1FC0;
	[tilespmem:s21+$0x1CA20] =	vst v0;
	s21 =	smov.u32 s16;
	s16 =	sadd.s32 $0x40, s16  }
.Ltmp1:
0x4c: {  	(pc) =	sbr.rel @p0 .LBB2_4-.Ltmp1, $2  }
0x4d: {  	_ =	sdelay $0x2  }
0x4e: {  	s21 =	sshra.s32 s21, $0x2  }
0x4f: {  	[tilespmem:s21+$0x1CA20] =	vst v0  }
0x50: {  	[spmem:s12] =	stream.linear.scatter [tilespmem:s0], [sflag:$0x8], $0x800, $0x38;
	[tilespmem:$0x1FA20] =	vst v63  }
0x51: {  	_ =	swait.ge [sflag:s2], $0x800  }
0x52: {  	[sflag:s2] =	ssyncset.done $0x0  }
0x53: {  	s16 =	rddreg [dreg:$0x9];
	[sflag:s2] =	ssyncadd.s32 $0xFFFFF800  }
0x54: {  	[spmem:s16] =	stream.linear.scatter [tilespmem:s0], [sflag:$0x8], $0x800, $0x38;
	[tilespmem:$0x1FA20] =	vst v63  }
0x55: {  	_ =	swait.ge [sflag:s2], $0x800  }
0x56: {  	[sflag:s2] =	ssyncset.done $0x0  }
0x57: {  	s21 =	rddreg [dreg:$0xa];
	[sflag:s2] =	ssyncadd.s32 $0xFFFFF800  }
0x58: {  	[spmem:s21] =	stream.linear.scatter [tilespmem:s0], [sflag:$0x8], $0x800, $0x38;
	[tilespmem:$0x1FA20] =	vst v63  }
0x59: {  	_ =	swait.ge [sflag:s2], $0x800  }
0x5a: {  	[sflag:s2] =	ssyncset.done $0x0  }
0x5b: {  	s26 =	rddreg [dreg:$0xb];
	[sflag:s2] =	ssyncadd.s32 $0xFFFFF800  }
0x5c: {  	[spmem:s26] =	stream.linear.scatter [tilespmem:s0], [sflag:$0x8], $0x800, $0x38;
	[tilespmem:$0x1FA20] =	vst v63  }
0x5d: {  	_ =	swait.ge [sflag:s2], $0x800  }
0x5e: {  	[sflag:s2] =	ssyncset.done $0x0  }
0x5f: {  	s29 =	rddreg [dreg:$0xd];
	[sflag:s2] =	ssyncadd.s32 $0xFFFFF800  }
0x60: {  	[spmem:s29] =	stream.linear.scatter [tilespmem:s0], [sflag:$0x8], $0x800, $0x38;
	[tilespmem:$0x1FA20] =	vst v63  }
0x61: {  	_ =	swait.ge [sflag:s2], $0x800  }
0x62: {  	[sflag:s2] =	ssyncset.done $0x0  }
0x63: {  	s16 =	simm.s32 $0x40;
	s21 =	simm.s32 $0x0;
	[sflag:s2] =	ssyncadd.s32 $0xFFFFF800  }
.LBB2_6:
0x64: {  	p0 =	sne.s32 s16, $0x1FC0;
	[tilespmem:s21+$0x1CA20] =	vst v1;
	s21 =	smov.u32 s16;
	s16 =	sadd.s32 $0x40, s16  }
.Ltmp2:
0x65: {  	(pc) =	sbr.rel @p0 .LBB2_6-.Ltmp2, $2  }
0x66: {  	_ =	sdelay $0x2  }
0x67: {  	s21 =	sshra.s32 s21, $0x2  }
0x68: {  	[tilespmem:s21+$0x1CA20] =	vst v1  }
0x69: {  	[bflag:$0x0] =	sbarrier.arrive $0xFFFF  }
0x6a: {  	s16 =	simm.s32 $0x0;
	s26 =	rddreg [dreg:$0xc]  }
0x6b: {  	[tilespmem:s16], [sflag:$0x3] =	stream.linear.gather [hbm4b:s26+s16], $0x80, $0x38;
	[tilespmem:$0x1FA20] =	vst v63  }
0x6c: {  	s26 =	rddreg [dreg:$0xe]  }
0x6d: {  	[tilespmem:s8], [sflag:$0x4] =	stream.linear.gather [hbm4b:s26+s16], $0x80, $0x38;
	[tilespmem:$0x1FA20] =	vst v63  }
0x6e: {  	s26 =	rddreg [dreg:$0x12]  }
0x6f: {  	[tilespmem:s9], [sflag:$0x5] =	stream.linear.gather [hbm4b:s26+s16], $0x80, $0x38;
	[tilespmem:$0x1FA20] =	vst v63  }
0x70: {  	s26 =	rddreg [dreg:$0x13]  }
0x71: {  	[tilespmem:s10], [sflag:$0x6] =	stream.linear.gather [hbm4b:s26+s16], $0x80, $0x38;
	[tilespmem:$0x1FA20] =	vst v63  }
0x72: {  	_ =	swait.ge [sflag:s11], $0x80  }
0x73: {  	[sflag:s11] =	ssyncset.done $0x0  }
0x74: {  	[sflag:s11] =	ssyncadd.s32 $0xFFFFFF80  }
0x75: {  	[tilespmem:s31], [sflag:$0x1] =	stream.indirect.gather [hbm4b:s6+s8], $0x80, s16, s8, $0xb8;
	[tilespmem:$0x1FA20] =	vst v63  }
0x76: {  	_ =	swait.ge [sflag:s13], $0x80  }
0x77: {  	[sflag:s13] =	ssyncset.done $0x0  }
0x78: {  	[sflag:s13] =	ssyncadd.s32 $0xFFFFFF80  }
0x79: {  	[tilespmem:s14], [sflag:$0x2] =	stream.indirect.gather [hbm4b:s6+s8], $0x80, s8, s8, $0xb8;
	[tilespmem:$0x1FA20] =	vst v63  }
0x7a: {  	_ =	swait.ge [sflag:s15], $0x4000  }
0x7b: {  	s21 =	sshrl.u32 s24, $0x3;
	[sflag:s15] =	ssyncset.done $0x0  }
0x7c: {  	s16 =	sadd.s32 s1, s21;
	[sflag:s15] =	ssyncadd.s32 $0xFFFFC000  }
0x7d: {  	[tilespmem:s5], [sflag:$0x3] =	stream.linear.gather [hbm4b:s16+s5], $0x80, $0x38;
	[tilespmem:$0x1FA20] =	vst v63  }
0x7e: {  	_ =	swait.ge [sflag:s17], $0x80  }
0x7f: {  	[sflag:s17] =	ssyncset.done $0x0  }
0x80: {  	[sflag:s17] =	ssyncadd.s32 $0xFFFFFF80  }
0x81: {  	[spmem:s3] =	stream.indirect.scatter.add.f32 [tilespmem:s31], [sflag:$0x7], $0x80, s9, s8, $0xb8;
	[tilespmem:$0x1FA20] =	vst v63  }
0x82: {  	_ = 	snop  }
0x83: {  	[spmem:s4] =	stream.indirect.scatter.add.f32 [tilespmem:s0], [sflag:$0x8], $0x10, s9, s8, $0xb8;
	[tilespmem:$0x1FA20] =	vst v63  }
0x84: {  	_ =	swait.ge [sflag:s2], $0x800  }
0x85: {  	[sflag:s2] =	ssyncset.done $0x0  }
0x86: {  	[sflag:s2] =	ssyncadd.s32 $0xFFFFF800  }
0x87: {  	_ =	swait.ge [sflag:s18], $0x4000  }
0x88: {  	[sflag:s18] =	ssyncset.done $0x0  }
0x89: {  	s26 =	sadd.s32 $0x0, s25;
	[sflag:s18] =	ssyncadd.s32 $0xFFFFC000  }
0x8a: {  	[tilespmem:s9], [sflag:$0x5] =	stream.linear.gather [hbm4b:s26+s5], $0x80, $0x38;
	[tilespmem:$0x1FA20] =	vst v63  }
0x8b: {  	_ =	swait.ge [sflag:s11], $0x80  }
0x8c: {  	[sflag:s11] =	ssyncset.done $0x0  }
0x8d: {  	[sflag:s11] =	ssyncadd.s32 $0xFFFFFF80  }
0x8e: {  	[tilespmem:s31], [sflag:$0x1] =	stream.indirect.gather [hbm4b:s6+s8], $0x80, s5, s8, $0xb8;
	[tilespmem:$0x1FA20] =	vst v63  }
0x8f: {  	_ =	swait.ge [sflag:s19], $0x4000  }
0x90: {  	[sflag:s19] =	ssyncset.done $0x0  }
0x91: {  	s21 =	sadd.s32 $0x0, s22;
	[sflag:s19] =	ssyncadd.s32 $0xFFFFC000  }
0x92: {  	[tilespmem:s8], [sflag:$0x4] =	stream.linear.gather [hbm4b:s21+s5], $0x80, $0x38;
	[tilespmem:$0x1FA20] =	vst v63  }
0x93: {  	_ =	swait.ge [sflag:s20], $0x80  }
0x94: {  	[sflag:s20] =	ssyncset.done $0x0  }
0x95: {  	[sflag:s20] =	ssyncadd.s32 $0xFFFFFF80  }
0x96: {  	[spmem:s3] =	stream.indirect.scatter.add.f32 [tilespmem:s14], [sflag:$0x7], $0x80, s10, s8, $0xb8;
	[tilespmem:$0x1FA20] =	vst v63  }
0x97: {  	_ = 	snop  }
0x98: {  	[spmem:s4] =	stream.indirect.scatter.add.f32 [tilespmem:s0], [sflag:$0x8], $0x10, s10, s8, $0xb8;
	[tilespmem:$0x1FA20] =	vst v63  }
0x99: {  	_ =	swait.ge [sflag:s2], $0x800  }
0x9a: {  	[sflag:s2] =	ssyncset.done $0x0  }
0x9b: {  	[sflag:s2] =	ssyncadd.s32 $0xFFFFF800  }
0x9c: {  	_ =	swait.ge [sflag:s18], $0x4000  }
0x9d: {  	[sflag:s18] =	ssyncset.done $0x0  }
0x9e: {  	s26 =	sadd.s32 $0x0, s23;
	[sflag:s18] =	ssyncadd.s32 $0xFFFFC000  }
0x9f: {  	[tilespmem:s10], [sflag:$0x6] =	stream.linear.gather [hbm4b:s26+s5], $0x80, $0x38;
	[tilespmem:$0x1FA20] =	vst v63  }
0xa0: {  	_ =	swait.ge [sflag:s13], $0x80  }
0xa1: {  	[sflag:s13] =	ssyncset.done $0x0  }
0xa2: {  	s29 =	sadd.s32 $0x100, s24;
	s21 =	simm.s32 $0x20;
	[sflag:s13] =	ssyncadd.s32 $0xFFFFFF80  }
.LBB2_8:
0xa3: {  	[tilespmem:s14], [sflag:$0x2] =	stream.indirect.gather [hbm4b:s6+s8], $0x80, s8, s8, $0xb8;
	[tilespmem:$0x1FA20] =	vst v63  }
0xa4: {  	s16 =	smov.u32 s21  }
0xa5: {  	p0 =	sne.s32 s21, $0x4A0;
	s21 =	sadd.s32 $0x20, s21;
	_ =	swait.ge [sflag:s15], $0x4000  }
0xa6: {  	s26 =	sshrl.u32 s29, $0x3;
	[sflag:s15] =	ssyncset.done $0x0  }
0xa7: {  	s26 =	sadd.s32 s1, s26;
	[sflag:s15] =	ssyncadd.s32 $0xFFFFC000  }
0xa8: {  	[tilespmem:s5], [sflag:$0x3] =	stream.linear.gather [hbm4b:s26+s5], $0x80, $0x38;
	[tilespmem:$0x1FA20] =	vst v63  }
0xa9: {  	_ =	swait.ge [sflag:s17], $0x80  }
0xaa: {  	[sflag:s17] =	ssyncset.done $0x0  }
0xab: {  	[sflag:s17] =	ssyncadd.s32 $0xFFFFFF80  }
0xac: {  	[spmem:s3] =	stream.indirect.scatter.add.f32 [tilespmem:s31], [sflag:$0x7], $0x80, s9, s8, $0xb8;
	[tilespmem:$0x1FA20] =	vst v63  }
0xad: {  	_ = 	snop  }
0xae: {  	[spmem:s4] =	stream.indirect.scatter.add.f32 [tilespmem:s0], [sflag:$0x8], $0x10, s9, s8, $0xb8;
	[tilespmem:$0x1FA20] =	vst v63  }
0xaf: {  	_ =	swait.ge [sflag:s2], $0x800  }
0xb0: {  	[sflag:s2] =	ssyncset.done $0x0  }
0xb1: {  	[sflag:s2] =	ssyncadd.s32 $0xFFFFF800  }
0xb2: {  	_ =	swait.ge [sflag:s18], $0x4000  }
0xb3: {  	[sflag:s18] =	ssyncset.done $0x0  }
0xb4: {  	s26 =	sadd.s32 s16, s25;
	[sflag:s18] =	ssyncadd.s32 $0xFFFFC000  }
0xb5: {  	[tilespmem:s9], [sflag:$0x5] =	stream.linear.gather [hbm4b:s26+s5], $0x80, $0x38;
	[tilespmem:$0x1FA20] =	vst v63  }
0xb6: {  	_ =	swait.ge [sflag:s11], $0x80  }
0xb7: {  	[sflag:s11] =	ssyncset.done $0x0  }
0xb8: {  	[sflag:s11] =	ssyncadd.s32 $0xFFFFFF80  }
0xb9: {  	[tilespmem:s31], [sflag:$0x1] =	stream.indirect.gather [hbm4b:s6+s8], $0x80, s5, s8, $0xb8;
	[tilespmem:$0x1FA20] =	vst v63  }
0xba: {  	_ =	swait.ge [sflag:s19], $0x4000  }
0xbb: {  	[sflag:s19] =	ssyncset.done $0x0  }
0xbc: {  	s26 =	sadd.s32 s16, s22;
	[sflag:s19] =	ssyncadd.s32 $0xFFFFC000  }
0xbd: {  	[tilespmem:s8], [sflag:$0x4] =	stream.linear.gather [hbm4b:s26+s5], $0x80, $0x38;
	[tilespmem:$0x1FA20] =	vst v63  }
0xbe: {  	_ =	swait.ge [sflag:s20], $0x80  }
0xbf: {  	[sflag:s20] =	ssyncset.done $0x0  }
0xc0: {  	[sflag:s20] =	ssyncadd.s32 $0xFFFFFF80  }
0xc1: {  	[spmem:s3] =	stream.indirect.scatter.add.f32 [tilespmem:s14], [sflag:$0x7], $0x80, s10, s8, $0xb8;
	[tilespmem:$0x1FA20] =	vst v63  }
0xc2: {  	_ = 	snop  }
0xc3: {  	[spmem:s4] =	stream.indirect.scatter.add.f32 [tilespmem:s0], [sflag:$0x8], $0x10, s10, s8, $0xb8;
	[tilespmem:$0x1FA20] =	vst v63  }
0xc4: {  	_ =	swait.ge [sflag:s2], $0x800  }
0xc5: {  	[sflag:s2] =	ssyncset.done $0x0  }
0xc6: {  	[sflag:s2] =	ssyncadd.s32 $0xFFFFF800  }
0xc7: {  	_ =	swait.ge [sflag:s18], $0x4000  }
0xc8: {  	[sflag:s18] =	ssyncset.done $0x0  }
.Ltmp3:
0xc9: {  	s16 =	sadd.s32 s16, s23;
	[sflag:s18] =	ssyncadd.s32 $0xFFFFC000;
	(pc) =	sbr.rel @p0 .LBB2_8-.Ltmp3, $4  }
0xca: {  	[tilespmem:s10], [sflag:$0x6] =	stream.linear.gather [hbm4b:s16+s5], $0x80, $0x38;
	[tilespmem:$0x1FA20] =	vst v63  }
0xcb: {  	_ =	swait.ge [sflag:s13], $0x80  }
0xcc: {  	[sflag:s13] =	ssyncset.done $0x0  }
0xcd: {  	s29 =	sadd.s32 $0x100, s29;
	[sflag:s13] =	ssyncadd.s32 $0xFFFFFF80  }
0xce: {  	[tilespmem:s14], [sflag:$0x2] =	stream.indirect.gather [hbm4b:s6+s8], $0x80, s8, s8, $0xb8;
	[tilespmem:$0x1FA20] =	vst v63  }
0xcf: {  	_ =	swait.ge [sflag:s15], $0x4000  }
0xd0: {  	[sflag:s15] =	ssyncset.done $0x0  }
0xd1: {  	[sflag:s15] =	ssyncadd.s32 $0xFFFFC000  }
0xd2: {  	_ =	swait.ge [sflag:s17], $0x80  }
0xd3: {  	[sflag:s17] =	ssyncset.done $0x0  }
0xd4: {  	[sflag:s17] =	ssyncadd.s32 $0xFFFFFF80  }
0xd5: {  	[spmem:s3] =	stream.indirect.scatter.add.f32 [tilespmem:s31], [sflag:$0x7], $0x80, s9, s8, $0xb8;
	[tilespmem:$0x1FA20] =	vst v63  }
0xd6: {  	_ = 	snop  }
0xd7: {  	[spmem:s4] =	stream.indirect.scatter.add.f32 [tilespmem:s0], [sflag:$0x8], $0x10, s9, s8, $0xb8;
	[tilespmem:$0x1FA20] =	vst v63  }
0xd8: {  	_ =	swait.ge [sflag:s2], $0x800  }
0xd9: {  	[sflag:s2] =	ssyncset.done $0x0  }
0xda: {  	[sflag:s2] =	ssyncadd.s32 $0xFFFFF800  }
0xdb: {  	_ =	swait.ge [sflag:s18], $0x4000  }
0xdc: {  	[sflag:s18] =	ssyncset.done $0x0  }
0xdd: {  	s21 =	simm.s32 $0x200;
	s16 =	rddreg [dreg:$0x14];
	[sflag:s18] =	ssyncadd.s32 $0xFFFFC000  }
0xde: {  	[tilespmem:s21], [sflag:$0x3] =	stream.linear.gather [hbm4b:s16+s5], $0x10, $0x38;
	[tilespmem:$0x1FA20] =	vst v63  }
0xdf: {  	s26 =	simm.s32 $0x210;
	s29 =	rddreg [dreg:$0x15]  }
0xe0: {  	[tilespmem:s26], [sflag:$0x5] =	stream.linear.gather [hbm4b:s29+s5], $0x10, $0x38;
	[tilespmem:$0x1FA20] =	vst v63  }
0xe1: {  	_ =	swait.ge [sflag:s19], $0x4000  }
0xe2: {  	[sflag:s19] =	ssyncset.done $0x0  }
0xe3: {  	[sflag:s19] =	ssyncadd.s32 $0xFFFFC000  }
0xe4: {  	_ =	swait.ge [sflag:s20], $0x80  }
0xe5: {  	[sflag:s20] =	ssyncset.done $0x0  }
0xe6: {  	[sflag:s20] =	ssyncadd.s32 $0xFFFFFF80  }
0xe7: {  	[spmem:s3] =	stream.indirect.scatter.add.f32 [tilespmem:s14], [sflag:$0x7], $0x80, s10, s8, $0xb8;
	[tilespmem:$0x1FA20] =	vst v63  }
0xe8: {  	_ = 	snop  }
0xe9: {  	[spmem:s4] =	stream.indirect.scatter.add.f32 [tilespmem:s0], [sflag:$0x8], $0x10, s10, s8, $0xb8;
	[tilespmem:$0x1FA20] =	vst v63  }
0xea: {  	_ =	swait.ge [sflag:s2], $0x800  }
0xeb: {  	[sflag:s2] =	ssyncset.done $0x0  }
0xec: {  	[sflag:s2] =	ssyncadd.s32 $0xFFFFF800  }
0xed: {  	_ =	swait.ge [sflag:s18], $0x4000  }
0xee: {  	[sflag:s18] =	ssyncset.done $0x0  }
0xef: {  	[sflag:s18] =	ssyncadd.s32 $0xFFFFC000  }
0xf0: {  	_ =	swait.ge [sflag:s11], $0x10  }
0xf1: {  	[sflag:s11] =	ssyncset.done $0x0  }
0xf2: {  	s29 =	simm.s32 $0x8220;
	[sflag:s11] =	ssyncadd.s32 $0xFFFFFFF0  }
0xf3: {  	[tilespmem:s29], [sflag:$0x8] =	stream.indirect.gather [hbm4b:s6+s28], $0x80, s21, s28, $0xb8;
	[tilespmem:$0x1FA20] =	vst v63  }
0xf4: {  	_ =	swait.ge [sflag:s2], $0x800  }
0xf5: {  	[sflag:s2] =	ssyncset.done $0x0  }
0xf6: {  	[sflag:s2] =	ssyncadd.s32 $0xFFFFF800  }
0xf7: {  	_ =	swait.ge [sflag:s17], $0x10  }
0xf8: {  	[sflag:s17] =	ssyncset.done $0x0  }
0xf9: {  	[sflag:s17] =	ssyncadd.s32 $0xFFFFFFF0  }
0xfa: {  	[spmem:s3] =	stream.indirect.scatter.add.f32 [tilespmem:s29], [sflag:$0x8], $0x80, s26, s28, $0xb8;
	[tilespmem:$0x1FA20] =	vst v63  }
0xfb: {  	_ =	swait.ge [sflag:s2], $0x800  }
0xfc: {  	[sflag:s2] =	ssyncset.done $0x0  }
0xfd: {  	[sflag:s2] =	ssyncadd.s32 $0xFFFFF800  }
0xfe: {  	[spmem:s4] =	stream.indirect.scatter.add.f32 [tilespmem:s0], [sflag:$0x8], $0x10, s26, s28, $0xb8;
	[tilespmem:$0x1FA20] =	vst v63  }
0xff: {  	_ =	swait.ge [sflag:s2], $0x100  }
0x100: {  	[sflag:s2] =	ssyncset.done $0x0  }
0x101: {  	s21 =	stileid.u32;
	[sflag:s2] =	ssyncadd.s32 $0xFFFFFF00  }
0x102: {  	s16 =	sshll.u32 s21, $0x6;
	[bflag:$0x0] =	sbarrier.arrive $0xFFFF  }
0x103: {  	s16 =	sor.u32 $0x1C08, s16;
	s26 =	sshrl.u32 s7, $0x3;
	s29 =	rddreg [dreg:$0xf]  }
0x104: {  	[hbm:s29], [sflag:s16] =	dma.local [spmem:s26], $0x2800  }
0x105: {  	_ =	swait.ge [sflag:s2], $0x2800  }
0x106: {  	[sflag:s2] =	ssyncset.done $0x0  }
0x107: {  	s26 =	sshrl.u32 s12, $0x3;
	s29 =	rddreg [dreg:$0x10];
	[sflag:s2] =	ssyncadd.s32 $0xFFFFD800  }
0x108: {  	[hbm:s29], [sflag:s16] =	dma.local [spmem:s26], $0x500  }
0x109: {  	_ =	swait.ge [sflag:s2], $0x500  }
0x10a: {  	s30 =	sadd.s32 $0x1, s30;
	s29 =	rddreg [dreg:$0x11]  }
0x10b: {  	p0 =	sne.s32 s30, s29  }
.Ltmp4:
0x10c: {  	_ = 	snop;
	(pc) =	sbr.rel @p0 .LBB2_1-.Ltmp4, $3  }
0x10d: {  	_ =	sdelay $0x1  }
0x10e: {  	[sflag:s2] =	ssyncset.done $0x0  }
0x10f: {  	[sflag:s2] =	ssyncadd.s32 $0xFFFFFB00  }
0x110: {  	_ =	sfence.sel $0x180000  }
0x111: {  	[bflag:$0x0] =	sbarrier.arrive $0xFFFF  }
0x112: {  	_ =	strace $0x90000047  }
0x113: {  	s0 =	stileid.u32;
	[bflag:$0x2] =	sbarrier.arrive $0xFFFF  }
0x114: {  	p0 =	sne.s32 s0, $0x0;
	s0 =	rddreg [dreg:$0x4]  }
0x115: {  	s0 =	sadd.s32 @!p0 $0x100000, s0  }
0x116: {  	[sflag:s0] =	ssyncadd.tile.s32 @!p0 $0x1;
	_ =	shalt  }
.Lfunc_end2:
_tile_overlayer_lowered:
.L_overlay_start_2:
0x117: {  	(tag) =	ssettag $0x2  }
0x118: {  	s0 =	rddreg [dreg:$0x0];
	s2 =	stileid.u32  }
0x119: {  	s1 =	rddreg [dreg:$0x1];
	p0 =	sne.s32 s2, $0x0  }
0x11a: {  	s3 =	rddreg [dreg:$0x2];
	[bflag:$0x3] =	sbarrier.arrive $0xFFFF;
	s2 =	simm.s32 @!p0 $0x1C08  }
0x11b: {  	[timem:s3], [sflag:s2] =	dma.local @!p0 [hbm:s0], s1  }
0x11c: {  	s0 =	simm.s32 @!p0 $0x8  }
0x11d: {  	_ =	swait.ge @!p0 [sflag:s0], s1  }
0x11e: {  	s1 =	ssub.s32 @!p0 $0x0, s1;
	[sflag:s0] =	ssyncset.done @!p0 $0x0  }
0x11f: {  	[sflag:s0] =	ssyncadd.s32 @!p0 s1  }
0x120: {  	[bflag:$0x3] =	sbarrier.arrive $0xFFFF  }
0x121: {  	_ =	shalt  }

</sc_bundles>
